<compile_context>
chip_gen: v7x
topology: tpu7x:2x2x1
jax: 0.10.2.dev20260603
libtpu: 0.0.44.dev20260713+nightly
codegen_flags: <defaults>
</compile_context>

<pallas_src>
import functools

import jax
import jax.numpy as jnp
import numpy as np
from jax import lax
from jax.experimental import pallas as pl
from jax.experimental.pallas import tpu as pltpu
from jax.experimental.pallas import tpu_sc as plsc

N = 10000
E = 320000
D = 144
D0 = 16
NC, NS = 2, 16
NW = NC * NS
EPW = E // NW
CH = 80
NCH = EPW // CH
NPS = N // NS
BE = 2000
BN = 2000

_F32 = jnp.float32


def _silu(x):
    return x * jax.nn.sigmoid(x)


def _sh5(u):
    x = u[:, 0:1]
    y = u[:, 1:2]
    z = u[:, 2:3]
    s3 = np.float32(np.sqrt(3.0))
    return jnp.concatenate(
        [s3 * x * z, s3 * x * y, y * y - 0.5 * (x * x + z * z),
         s3 * y * z, (s3 / 2.0) * (z * z - x * x)], axis=1)



_SC_PARAMS = pltpu.CompilerParams(use_tc_tiling_on_sc=False)


def _sc_gather(ta, tb, row, col):
    mesh = plsc.VectorSubcoreMesh(core_axis_name="c", subcore_axis_name="s")

    @functools.partial(
        pl.kernel, mesh=mesh, compiler_params=_SC_PARAMS,
        out_type=[jax.ShapeDtypeStruct((E, D), _F32),
                  jax.ShapeDtypeStruct((E, D), _F32)],
        scratch_types=[pltpu.VMEM((CH,), jnp.int32),
                       pltpu.VMEM((CH,), jnp.int32),
                       pltpu.VMEM((CH, D), _F32),
                       pltpu.VMEM((CH, D), _F32),
                       pltpu.SemaphoreType.DMA,
                       pltpu.SemaphoreType.DMA],
    )
    def k(ta_hbm, tb_hbm, row_hbm, col_hbm, ars_hbm, bcs_hbm,
          ridx, cidx, abuf, bbuf, sem_a, sem_b):
        wid = lax.axis_index("s") * NC + lax.axis_index("c")
        base = wid * EPW

        @pl.loop(0, NCH)
        def _(i):
            off = base + i * CH
            pltpu.sync_copy(row_hbm.at[pl.ds(off, CH)], ridx)
            pltpu.sync_copy(col_hbm.at[pl.ds(off, CH)], cidx)
            cp_a = pltpu.async_copy(ta_hbm.at[ridx], abuf, sem_a)
            cp_b = pltpu.async_copy(tb_hbm.at[cidx], bbuf, sem_b)
            cp_a.wait()
            cp_b.wait()
            pltpu.sync_copy(abuf, ars_hbm.at[pl.ds(off, CH)])
            pltpu.sync_copy(bbuf, bcs_hbm.at[pl.ds(off, CH)])

    return k(ta, tb, row, col)


def _sc_scatter(eo, row, zed, d):
    mesh = plsc.VectorSubcoreMesh(core_axis_name="c", subcore_axis_name="s")

    @functools.partial(
        pl.kernel, mesh=mesh, compiler_params=_SC_PARAMS,
        out_type=jax.ShapeDtypeStruct((NC, N, d), _F32),
        scratch_types=[pltpu.VMEM((CH,), jnp.int32),
                       pltpu.VMEM((CH, d), _F32),
                       pltpu.VMEM_SHARED((N, d), _F32)],
    )
    def k(eo_hbm, row_hbm, zed_hbm, out_hbm, idxv, vbuf, acc):
        c = lax.axis_index("c")
        s = lax.axis_index("s")
        pltpu.sync_copy(zed_hbm, acc.at[pl.ds(s * NPS, NPS)])
        plsc.subcore_barrier()
        wid = s * NC + c
        base = wid * EPW

        @pl.loop(0, NCH)
        def _(i):
            off = base + i * CH
            pltpu.sync_copy(row_hbm.at[pl.ds(off, CH)], idxv)
            pltpu.sync_copy(eo_hbm.at[pl.ds(off, CH)], vbuf)
            pltpu.sync_copy(vbuf, acc.at[idxv], add=True)

        plsc.subcore_barrier()
        pltpu.sync_copy(acc.at[pl.ds(s * NPS, NPS)],
                        out_hbm.at[c, pl.ds(s * NPS, NPS)])

    return k(eo, row, zed)



def _tc_prep(atoms2d, pos, emb, w1a, w1b):
    grid = N // BN

    def body(at_ref, pos_ref, emb_ref, wa_ref, wb_ref,
             feat_ref, ta_ref, tb_ref, ps_ref):
        i = pl.program_id(0)
        onehot = (at_ref[...] == lax.broadcasted_iota(jnp.int32, (1, 16), 1)
                  ).astype(_F32)
        feat = jnp.dot(onehot, emb_ref[...], preferred_element_type=_F32)
        feat_ref[...] = feat
        p = pos_ref[...]
        pad = jnp.zeros((BN, 13), _F32)
        ta_ref[...] = jnp.concatenate(
            [jnp.dot(feat, wa_ref[...], preferred_element_type=_F32), p, pad],
            axis=1)
        tb_ref[...] = jnp.concatenate(
            [jnp.dot(feat, wb_ref[...], preferred_element_type=_F32), p, pad],
            axis=1)
        psum = jnp.sum(jnp.concatenate([p, jnp.zeros((BN, 125), _F32)], 1),
                       axis=0, keepdims=True)
        psum8 = jnp.broadcast_to(psum, (8, 128))

        @pl.when(i == 0)
        def _():
            ps_ref[...] = jnp.zeros((8, 128), _F32)

        ps_ref[...] += psum8

    return pl.pallas_call(
        body,
        grid=(grid,),
        in_specs=[pl.BlockSpec((BN, 1), lambda i: (i, 0)),
                  pl.BlockSpec((BN, 3), lambda i: (i, 0)),
                  pl.BlockSpec((16, 128), lambda i: (0, 0)),
                  pl.BlockSpec((128, 128), lambda i: (0, 0)),
                  pl.BlockSpec((128, 128), lambda i: (0, 0))],
        out_specs=[pl.BlockSpec((BN, 128), lambda i: (i, 0)),
                   pl.BlockSpec((BN, D), lambda i: (i, 0)),
                   pl.BlockSpec((BN, D), lambda i: (i, 0)),
                   pl.BlockSpec((8, 128), lambda i: (0, 0))],
        out_shape=[jax.ShapeDtypeStruct((N, 128), _F32),
                   jax.ShapeDtypeStruct((N, D), _F32),
                   jax.ShapeDtypeStruct((N, D), _F32),
                   jax.ShapeDtypeStruct((8, 128), _F32)],
    )(atoms2d, pos, emb, w1a, w1b)


def _tc_edge_init(ars, bcs, vec):
    grid = E // BE

    def body(a_ref, b_ref, vec_ref, eo_ref):
        a = a_ref[:, 0:128]
        b = b_ref[:, 0:128]
        pr = a_ref[:, 128:131]
        pc = b_ref[:, 128:131]
        d = pr - pc
        dist2 = jnp.sum(d * d, axis=1, keepdims=True)
        dist = jnp.sqrt(dist2)
        h = _silu(a + b + dist * vec_ref[0:1, :] + vec_ref[1:2, :])
        w2 = (jnp.sum(h * vec_ref[2:3, :], axis=1, keepdims=True)
              + vec_ref[3:4, 0:1])
        u = d / jnp.maximum(dist, 1e-12)
        eo_ref[...] = jnp.concatenate(
            [w2 * _sh5(u), jnp.ones((BE, 1), _F32), jnp.zeros((BE, 10), _F32)],
            axis=1)

    return pl.pallas_call(
        body,
        grid=(grid,),
        in_specs=[pl.BlockSpec((BE, D), lambda i: (i, 0)),
                  pl.BlockSpec((BE, D), lambda i: (i, 0)),
                  pl.BlockSpec((8, 128), lambda i: (0, 0))],
        out_specs=pl.BlockSpec((BE, D0), lambda i: (i, 0)),
        out_shape=jax.ShapeDtypeStruct((E, D0), _F32),
    )(ars, bcs, vec)


def _tc_edge_layer(ars, bcs, w2, wp1, ws1, vec):
    grid = E // BE

    def body(a_ref, b_ref, w2_ref, wp1_ref, ws1_ref, vec_ref, eo_ref):
        a = a_ref[:, 0:128]
        b = b_ref[:, 0:128]
        pr = a_ref[:, 128:131]
        pc = b_ref[:, 128:131]
        sr = a_ref[:, 131:136]
        sc = b_ref[:, 131:136]
        d = pr - pc
        dist2 = jnp.sum(d * d, axis=1, keepdims=True)
        ip = jnp.sum(sr * sc, axis=1, keepdims=True)
        h1 = _silu(a + b + dist2 * vec_ref[0:1, :] + ip * vec_ref[1:2, :]
                   + vec_ref[2:3, :])
        msg = _silu(jnp.dot(h1, w2_ref[...], preferred_element_type=_F32)
                    + vec_ref[3:4, :])
        t = _silu(jnp.dot(msg, wp1_ref[...], preferred_element_type=_F32)
                  + vec_ref[4:5, :])
        pval = (jnp.sum(t * vec_ref[5:6, :], axis=1, keepdims=True)
                + vec_ref[8:9, 0:1])
        sv = _silu(jnp.dot(msg, ws1_ref[...], preferred_element_type=_F32)
                   + vec_ref[6:7, :])
        wsh = (jnp.sum(sv * vec_ref[7:8, :], axis=1, keepdims=True)
               + vec_ref[8:9, 1:2])
        eo_ref[...] = jnp.concatenate(
            [msg, d * pval, (sr - sc) * wsh, jnp.ones((BE, 1), _F32),
             jnp.zeros((BE, 7), _F32)], axis=1)

    return pl.pallas_call(
        body,
        grid=(grid,),
        in_specs=[pl.BlockSpec((BE, D), lambda i: (i, 0)),
                  pl.BlockSpec((BE, D), lambda i: (i, 0)),
                  pl.BlockSpec((128, 128), lambda i: (0, 0)),
                  pl.BlockSpec((128, 128), lambda i: (0, 0)),
                  pl.BlockSpec((128, 128), lambda i: (0, 0)),
                  pl.BlockSpec((16, 128), lambda i: (0, 0))],
        out_specs=pl.BlockSpec((BE, D), lambda i: (i, 0)),
        out_shape=jax.ShapeDtypeStruct((E, D), _F32),
    )(ars, bcs, w2, wp1, ws1, vec)


def _tc_node0(p0a, p0b, possum, pos, feat, wc1, vec, w1a, w1b):
    grid = N // BN

    def body(pa_ref, pb_ref, ps_ref, pos_ref, feat_ref, wc1_ref, vec_ref,
             wa_ref, wb_ref, ta_ref, tb_ref, sh_ref):
        agg = pa_ref[...] + pb_ref[...]
        cnt = jnp.maximum(agg[:, 5:6], 1.0)
        mean_dsh = agg[:, 0:5] / cnt
        pos_com = ps_ref[0:1, 0:3] * np.float32(1.0 / N)
        p = pos_ref[...]
        v = p - pos_com
        nv = jnp.sqrt(jnp.sum(v * v, axis=1, keepdims=True))
        uv = v / jnp.maximum(nv, 1e-12)
        feat = feat_ref[...]
        hc = _silu(jnp.dot(feat, wc1_ref[...], preferred_element_type=_F32)
                   + vec_ref[0:1, :])
        w2c = (jnp.sum(hc * vec_ref[1:2, :], axis=1, keepdims=True)
               + vec_ref[2:3, 0:1])
        sh = mean_dsh + w2c * _sh5(uv)
        pad = jnp.zeros((BN, 8), _F32)
        ta_ref[...] = jnp.concatenate(
            [jnp.dot(feat, wa_ref[...], preferred_element_type=_F32), p, sh,
             pad], axis=1)
        tb_ref[...] = jnp.concatenate(
            [jnp.dot(feat, wb_ref[...], preferred_element_type=_F32), p, sh,
             pad], axis=1)
        sh_ref[...] = jnp.concatenate([sh, jnp.zeros((BN, 11), _F32)], axis=1)

    return pl.pallas_call(
        body,
        grid=(grid,),
        in_specs=[pl.BlockSpec((BN, D0), lambda i: (i, 0)),
                  pl.BlockSpec((BN, D0), lambda i: (i, 0)),
                  pl.BlockSpec((8, 128), lambda i: (0, 0)),
                  pl.BlockSpec((BN, 3), lambda i: (i, 0)),
                  pl.BlockSpec((BN, 128), lambda i: (i, 0)),
                  pl.BlockSpec((128, 128), lambda i: (0, 0)),
                  pl.BlockSpec((8, 128), lambda i: (0, 0)),
                  pl.BlockSpec((128, 128), lambda i: (0, 0)),
                  pl.BlockSpec((128, 128), lambda i: (0, 0))],
        out_specs=[pl.BlockSpec((BN, D), lambda i: (i, 0)),
                   pl.BlockSpec((BN, D), lambda i: (i, 0)),
                   pl.BlockSpec((BN, D0), lambda i: (i, 0))],
        out_shape=[jax.ShapeDtypeStruct((N, D), _F32),
                   jax.ShapeDtypeStruct((N, D), _F32),
                   jax.ShapeDtypeStruct((N, D0), _F32)],
    )(p0a, p0b, possum, pos, feat, wc1, vec, w1a, w1b)


def _tc_node_layer(pa, pb, ta_old, sh_old, feat, wn1a, wn1b, wn2, vec,
                   w1a, w1b):
    grid = N // BN

    def body(pa_ref, pb_ref, ta_old_ref, sh_old_ref, feat_ref,
             wn1a_ref, wn1b_ref, wn2_ref, vec_ref, wa_ref, wb_ref,
             ta_ref, tb_ref, sh_ref, feat_out_ref):
        agg = pa_ref[...] + pb_ref[...]
        cnt = jnp.maximum(agg[:, 136:137], 1.0)
        msg_agg = agg[:, 0:128] / cnt
        pos_new = ta_old_ref[:, 128:131] + agg[:, 128:131] / cnt
        sh_new = sh_old_ref[:, 0:5] + agg[:, 131:136] / cnt
        feat = feat_ref[...]
        hn = _silu(jnp.dot(feat, wn1a_ref[...], preferred_element_type=_F32)
                   + jnp.dot(msg_agg, wn1b_ref[...],
                             preferred_element_type=_F32)
                   + vec_ref[0:1, :])
        feat_new = (jnp.dot(hn, wn2_ref[...], preferred_element_type=_F32)
                    + vec_ref[1:2, :])
        feat_out_ref[...] = feat_new
        pad = jnp.zeros((BN, 8), _F32)
        ta_ref[...] = jnp.concatenate(
            [jnp.dot(feat_new, wa_ref[...], preferred_element_type=_F32),
             pos_new, sh_new, pad], axis=1)
        tb_ref[...] = jnp.concatenate(
            [jnp.dot(feat_new, wb_ref[...], preferred_element_type=_F32),
             pos_new, sh_new, pad], axis=1)
        sh_ref[...] = jnp.concatenate([sh_new, jnp.zeros((BN, 11), _F32)],
                                      axis=1)

    return pl.pallas_call(
        body,
        grid=(grid,),
        in_specs=[pl.BlockSpec((BN, D), lambda i: (i, 0)),
                  pl.BlockSpec((BN, D), lambda i: (i, 0)),
                  pl.BlockSpec((BN, D), lambda i: (i, 0)),
                  pl.BlockSpec((BN, D0), lambda i: (i, 0)),
                  pl.BlockSpec((BN, 128), lambda i: (i, 0)),
                  pl.BlockSpec((128, 128), lambda i: (0, 0)),
                  pl.BlockSpec((128, 128), lambda i: (0, 0)),
                  pl.BlockSpec((128, 128), lambda i: (0, 0)),
                  pl.BlockSpec((8, 128), lambda i: (0, 0)),
                  pl.BlockSpec((128, 128), lambda i: (0, 0)),
                  pl.BlockSpec((128, 128), lambda i: (0, 0))],
        out_specs=[pl.BlockSpec((BN, D), lambda i: (i, 0)),
                   pl.BlockSpec((BN, D), lambda i: (i, 0)),
                   pl.BlockSpec((BN, D0), lambda i: (i, 0)),
                   pl.BlockSpec((BN, 128), lambda i: (i, 0))],
        out_shape=[jax.ShapeDtypeStruct((N, D), _F32),
                   jax.ShapeDtypeStruct((N, D), _F32),
                   jax.ShapeDtypeStruct((N, D0), _F32),
                   jax.ShapeDtypeStruct((N, 128), _F32)],
    )(pa, pb, ta_old, sh_old, feat, wn1a, wn1b, wn2, vec, w1a, w1b)


def _tc_final(pa, pb, ta_old, sh_old, feat, wn1a, wn1b, wn2, vec):
    grid = N // BN

    def body(pa_ref, pb_ref, ta_old_ref, sh_old_ref, feat_ref,
             wn1a_ref, wn1b_ref, wn2_ref, vec_ref, out_ref):
        i = pl.program_id(0)
        agg = pa_ref[...] + pb_ref[...]
        cnt = jnp.maximum(agg[:, 136:137], 1.0)
        msg_agg = agg[:, 0:128] / cnt
        pos_new = ta_old_ref[:, 128:131] + agg[:, 128:131] / cnt
        sh_new = sh_old_ref[:, 0:5] + agg[:, 131:136] / cnt
        feat = feat_ref[...]
        hn = _silu(jnp.dot(feat, wn1a_ref[...], preferred_element_type=_F32)
                   + jnp.dot(msg_agg, wn1b_ref[...],
                             preferred_element_type=_F32)
                   + vec_ref[0:1, :])
        feat_new = (jnp.dot(hn, wn2_ref[...], preferred_element_type=_F32)
                    + vec_ref[1:2, :])
        total = (jnp.sum(feat_new * vec_ref[2:3, :])
                 + jnp.sum(pos_new * vec_ref[3:4, 0:3])
                 + jnp.sum(sh_new * vec_ref[3:4, 3:8]))

        @pl.when(i == 0)
        def _():
            out_ref[...] = jnp.broadcast_to(vec_ref[3:4, 8:9], (8, 128))

        out_ref[...] += total

    return pl.pallas_call(
        body,
        grid=(grid,),
        in_specs=[pl.BlockSpec((BN, D), lambda i: (i, 0)),
                  pl.BlockSpec((BN, D), lambda i: (i, 0)),
                  pl.BlockSpec((BN, D), lambda i: (i, 0)),
                  pl.BlockSpec((BN, D0), lambda i: (i, 0)),
                  pl.BlockSpec((BN, 128), lambda i: (i, 0)),
                  pl.BlockSpec((128, 128), lambda i: (0, 0)),
                  pl.BlockSpec((128, 128), lambda i: (0, 0)),
                  pl.BlockSpec((128, 128), lambda i: (0, 0)),
                  pl.BlockSpec((8, 128), lambda i: (0, 0))],
        out_specs=pl.BlockSpec((8, 128), lambda i: (0, 0)),
        out_shape=jax.ShapeDtypeStruct((8, 128), _F32),
    )(pa, pb, ta_old, sh_old, feat, wn1a, wn1b, wn2, vec)



def _row_pack(rows, nrows=8):
    out = []
    for r in rows:
        r = jnp.asarray(r, _F32).reshape(-1)
        out.append(jnp.pad(r, (0, 128 - r.shape[0])))
    while len(out) < nrows:
        out.append(jnp.zeros((128,), _F32))
    return jnp.stack(out)


def kernel(atoms, pos, edge_index, batch, params):
    del batch
    row = edge_index[0]
    col = edge_index[1]
    atoms2d = atoms.reshape(N, 1)
    zed16 = jnp.zeros((NPS, D0), _F32)
    zed144 = jnp.zeros((NPS, D), _F32)

    psh = params["sh_init"]["mlp_sh"]
    vec0 = _row_pack([psh["l1"]["w"][0], psh["l1"]["b"], psh["l2"]["w"][:, 2],
                      psh["l2"]["b"][2:3]])
    pcom = params["sh_init"]["mlp_sh_com"]
    vec_com = _row_pack([pcom["l1"]["b"], pcom["l2"]["w"][:, 2],
                         pcom["l2"]["b"][2:3]])
    emb16 = params["embedding"]

    lw = []
    for lp in params["layers"]:
        m = lp["mlp_msg"]
        p = lp["mlp_pos"]
        s = lp["mlp_sh"]
        nf = lp["mlp_node_feat"]
        lw.append(dict(
            w1a=m["l1"]["w"][0:128], w1b=m["l1"]["w"][128:256],
            w2=m["l2"]["w"],
            wp1=p["l1"]["w"], ws1=s["l1"]["w"],
            vec=_row_pack([m["l1"]["w"][256], m["l1"]["w"][259],
                           m["l1"]["b"], m["l2"]["b"],
                           p["l1"]["b"], p["l2"]["w"][:, 0],
                           s["l1"]["b"], s["l2"]["w"][:, 2],
                           jnp.stack([p["l2"]["b"][0], s["l2"]["b"][2]])],
                          nrows=16),
            wn1a=nf["l1"]["w"][0:128], wn1b=nf["l1"]["w"][128:256],
            wn2=nf["l2"]["w"],
            nvec=_row_pack([nf["l1"]["b"], nf["l2"]["b"]]),
        ))
    pw = params["pred"]["w"][:, 0]
    pred_tail = jnp.concatenate([pw[128:131], pw[135:140],
                                 params["pred"]["b"][0:1]])
    fvec = _row_pack([lw[1]["nvec"][0], lw[1]["nvec"][1], pw[0:128],
                      pred_tail])

    feat0, ta0, tb0, possum = _tc_prep(
        atoms2d, pos, emb16, psh["l1"]["w"][1:129], psh["l1"]["w"][129:257])
    ars0, bcs0 = _sc_gather(ta0, tb0, row, col)
    eo0 = _tc_edge_init(ars0, bcs0, vec0)
    p0 = _sc_scatter(eo0, row, zed16, D0)
    ta1, tb1, sh1 = _tc_node0(
        p0[0], p0[1], possum, pos, feat0, pcom["l1"]["w"], vec_com,
        lw[0]["w1a"], lw[0]["w1b"])

    ars1, bcs1 = _sc_gather(ta1, tb1, row, col)
    eo1 = _tc_edge_layer(ars1, bcs1, lw[0]["w2"], lw[0]["wp1"], lw[0]["ws1"],
                         lw[0]["vec"])
    p1 = _sc_scatter(eo1, row, zed144, D)
    ta2, tb2, sh2, feat1 = _tc_node_layer(
        p1[0], p1[1], ta1, sh1, feat0,
        lw[0]["wn1a"], lw[0]["wn1b"], lw[0]["wn2"], lw[0]["nvec"],
        lw[1]["w1a"], lw[1]["w1b"])

    ars2, bcs2 = _sc_gather(ta2, tb2, row, col)
    eo2 = _tc_edge_layer(ars2, bcs2, lw[1]["w2"], lw[1]["wp1"], lw[1]["ws1"],
                         lw[1]["vec"])
    p2 = _sc_scatter(eo2, row, zed144, D)
    out = _tc_final(p2[0], p2[1], ta2, sh2, feat1,
                    lw[1]["wn1a"], lw[1]["wn1b"], lw[1]["wn2"], fvec)
    return out[0:1, 0:1]

# --- scband reference (transcript-rebuilt; emitter-appended) ---
"""Pipeline reference for scband-hegnnmodel-70265664962767 (READ-ONLY COPY).

The authoritative reference and input builder live on the scoring server;
editing this copy changes nothing except your own understanding.
"""

import jax, jax.numpy as jnp
import numpy as np

N_NODES = 10000
N_EDGES = 320000
EMB_DIM = 128
IN_DIM = 16
OUT_DIM = 1
MAX_ELL = 2
NUM_LAYERS = 2
SH_DIM = 9
NUM_GRAPHS = 1


def _linear(key, fan_in, fan_out):
    k1, k2 = jax.random.split(key)
    lim = 1.0 / np.sqrt(fan_in)
    return {"w": jax.random.uniform(k1, (fan_in, fan_out), jnp.float32, -lim, lim),
            "b": jax.random.uniform(k2, (fan_out,), jnp.float32, -lim, lim)}


def _mlp_params(key, din, dhid, dout):
    k1, k2 = jax.random.split(key)
    return {"l1": _linear(k1, din, dhid), "l2": _linear(k2, dhid, dout)}


def _mlp(p, x, last_act=False):
    h = jax.nn.silu(x @ p["l1"]["w"] + p["l1"]["b"])
    o = h @ p["l2"]["w"] + p["l2"]["b"]
    return jax.nn.silu(o) if last_act else o


def _sh_l2(v):
    # e3nn o3.SphericalHarmonics(lmax=2, normalize=True, normalization='norm')
    n = jnp.linalg.norm(v, axis=-1, keepdims=True)
    u = v / jnp.maximum(n, 1e-12)
    x = u[:, 0]; y = u[:, 1]; z = u[:, 2]
    s3 = np.sqrt(3.0)
    return jnp.stack([jnp.ones_like(x),
                      x, y, z,
                      s3 * x * z, s3 * x * y, y * y - 0.5 * (x * x + z * z),
                      s3 * y * z, (s3 / 2.0) * (z * z - x * x)], axis=-1)


def _sh_coff(x_sh, scalar, w):
    # FullyConnectedTensorProduct(1x0e+1x1o+1x2e, 1x0e -> same), shared_weights=False:
    # one weight per l-path, scalar multiplication per irrep block
    out = jnp.concatenate([w[:, 0:1] * x_sh[:, 0:1],
                           w[:, 1:2] * x_sh[:, 1:4],
                           w[:, 2:3] * x_sh[:, 4:9]], axis=-1)
    return out * scalar


def _scatter_mean(src, index, dim_size):
    s = jax.ops.segment_sum(src, index, num_segments=dim_size)
    c = jax.ops.segment_sum(jnp.ones((src.shape[0], 1), src.dtype), index, num_segments=dim_size)
    return s / jnp.maximum(c, 1.0)


def _forward(params, pos, atoms, edge_index, batch):
    row = edge_index[0]
    col = edge_index[1]
    node_feat = params["embedding"][atoms]
    node_pos = pos
    # SH_INIT
    diff_pos = node_pos[row] - node_pos[col]
    dist = jnp.linalg.norm(diff_pos, axis=-1, keepdims=True)
    msg = jnp.concatenate([dist, node_feat[row], node_feat[col]], axis=-1)
    msg = _mlp(params["sh_init"]["mlp_sh"], msg)
    diff_sh = jax.lax.stop_gradient(_sh_l2(diff_pos))
    one_e = jnp.ones((diff_sh.shape[0], 1), jnp.float32)
    diff_sh = _sh_coff(diff_sh, one_e, msg)
    node_sh = _scatter_mean(diff_sh, row, N_NODES)
    pos_com = _scatter_mean(node_pos, batch, NUM_GRAPHS)[batch]
    sh_com = jax.lax.stop_gradient(_sh_l2(node_pos - pos_com))
    one_n = jnp.ones((node_pos.shape[0], 1), jnp.float32)
    sh_com = _sh_coff(sh_com, one_n, _mlp(params["sh_init"]["mlp_sh_com"], node_feat))
    node_sh = node_sh + sh_com
    # all_ell=False: zero out l < max_ell components
    node_sh = node_sh.at[:, : MAX_ELL ** 2].set(0.0)
    # HEGNN layers
    for lp in params["layers"]:
        diff_pos = node_pos[row] - node_pos[col]
        dist2 = jnp.sum(diff_pos * diff_pos, axis=-1, keepdims=True)
        sh_e = node_sh[row] * node_sh[col]
        sh_ip = jnp.concatenate([jnp.sum(sh_e[:, 0:1], axis=-1, keepdims=True),
                                 jnp.sum(sh_e[:, 1:4], axis=-1, keepdims=True),
                                 jnp.sum(sh_e[:, 4:9], axis=-1, keepdims=True)], axis=-1)
        msg = jnp.concatenate([node_feat[row], node_feat[col], dist2, sh_ip], axis=-1)
        msg = _mlp(lp["mlp_msg"], msg, last_act=True)
        dpos = diff_pos * _mlp(lp["mlp_pos"], msg)
        dsh = node_sh[row] - node_sh[col]
        dsh = _sh_coff(dsh, one_e, _mlp(lp["mlp_sh"], msg))
        msg_agg = _scatter_mean(msg, row, N_NODES)
        pos_agg = _scatter_mean(dpos, row, N_NODES)
        sh_agg = _scatter_mean(dsh, row, N_NODES)
        node_sh = node_sh + sh_agg
        node_pos = node_pos + pos_agg
        node_feat = _mlp(lp["mlp_node_feat"], jnp.concatenate([node_feat, msg_agg], axis=-1))
    # equivariant_pred=True, pool='sum'
    pooled = jax.ops.segment_sum(jnp.concatenate([node_feat, node_pos, node_sh], axis=-1), batch, num_segments=NUM_GRAPHS)
    return pooled @ params["pred"]["w"] + params["pred"]["b"]


def setup_inputs(seed: int = 0):
    key = jax.random.key(seed)
    ks = jax.random.split(key, 8)
    atoms = jax.random.randint(ks[0], (N_NODES,), 0, IN_DIM, dtype=jnp.int32)
    pos = jax.random.normal(ks[1], (N_NODES, 3), jnp.float32)
    edge_index = jax.random.randint(ks[2], (2, N_EDGES), 0, N_NODES, dtype=jnp.int32)
    batch = jnp.zeros((N_NODES,), jnp.int32)
    pk = jax.random.split(ks[3], 4 + NUM_LAYERS)
    layers = []
    for i in range(NUM_LAYERS):
        lk = jax.random.split(pk[4 + i], 4)
        layers.append({
            "mlp_msg": _mlp_params(lk[0], 2 * EMB_DIM + 1 + MAX_ELL + 1, EMB_DIM, EMB_DIM),
            "mlp_pos": _mlp_params(lk[1], EMB_DIM, EMB_DIM, 1),
            "mlp_node_feat": _mlp_params(lk[2], 2 * EMB_DIM, EMB_DIM, EMB_DIM),
            "mlp_sh": _mlp_params(lk[3], EMB_DIM, EMB_DIM, 3),
        })
    params = {
        "embedding": jax.random.normal(pk[0], (IN_DIM, EMB_DIM), jnp.float32),
        "sh_init": {
            "mlp_sh": _mlp_params(pk[1], 2 * EMB_DIM + 1, EMB_DIM, 3),
            "mlp_sh_com": _mlp_params(pk[2], EMB_DIM, EMB_DIM, 3),
        },
        "pred": _linear(pk[3], EMB_DIM + 3 + SH_DIM, OUT_DIM),
        "layers": layers,
    }
    return {"atoms": atoms, "pos": pos, "edge_index": edge_index, "batch": batch, "params": params}


def reference(atoms, pos, edge_index, batch, params):
    return _forward(params, pos, atoms, edge_index, batch)

if __name__ == "__main__":
    import jax
    _d = setup_inputs()
    print(jax.jit(kernel)(*tuple(_d.values())))

</pallas_src>

<mosaic_0001>
#map = affine_map<(d0, d1) -> (0, 0)>
#map1 = affine_map<(d0, d1) -> (0)>
module attributes {stable_mosaic.version = 14 : i64} {
  func.func @k(%arg0: i32, %arg1: i32, %arg2: memref<10000x144xf32, #tpu.memory_space<hbm>>, %arg3: memref<10000x144xf32, #tpu.memory_space<hbm>>, %arg4: memref<320000xi32, #tpu.memory_space<hbm>>, %arg5: memref<320000xi32, #tpu.memory_space<hbm>>, %arg6: memref<320000x144xf32, #tpu.memory_space<hbm>>, %arg7: memref<320000x144xf32, #tpu.memory_space<hbm>>, %arg8: memref<80xi32, #tpu.memory_space<vmem>>, %arg9: memref<80xi32, #tpu.memory_space<vmem>>, %arg10: memref<80x144xf32, #tpu.memory_space<vmem>>, %arg11: memref<80x144xf32, #tpu.memory_space<vmem>>, %arg12: memref<!tpu.dma_semaphore, #tpu.memory_space<semaphore_mem>>, %arg13: memref<!tpu.dma_semaphore, #tpu.memory_space<semaphore_mem>>) attributes {dimension_semantics = [#tpu.dimension_semantics<core_parallel>, #tpu.dimension_semantics<subcore_parallel>], iteration_bounds = array<i64: 2, 16>, scalar_prefetch = 0 : i64, scratch_operands = 6 : i64, tpu.core_type = #tpu.core_type<sc_vector_subcore>, window_params = [{transform_indices = #map}, {transform_indices = #map}, {transform_indices = #map1}, {transform_indices = #map1}, {transform_indices = #map}, {transform_indices = #map}]} {
    %mul3A = arith.constant 2 : i32
    %mul3A_0 = arith.muli %arg1, %mul3A : i32
    %add3A = arith.addi %mul3A_0, %arg0 : i32
    %mul3A_1 = arith.constant 10000 : i32
    %mul3A_2 = arith.muli %add3A, %mul3A_1 : i32
    %scan3A = arith.constant 0 : i32
    %scan3A_3 = arith.constant 125 : i32
    %scan3A_4 = arith.addi %scan3A, %scan3A_3 : i32
    %scan3A_5 = arith.constant 1 : i32
    scf.for %scan3A_7 = %scan3A to %scan3A_4 step %scan3A_5  : i32 {
      %mul3A_8 = arith.constant 1 : i32
      %mul3A_9 = arith.muli %scan3A_7, %mul3A_8 : i32
      %add3A_10 = arith.constant 0 : i32
      %add3A_11 = arith.addi %add3A_10, %mul3A_9 : i32
      %mul3A_12 = arith.constant 80 : i32
      %mul3A_13 = arith.muli %add3A_11, %mul3A_12 : i32
      %add3A_14 = arith.addi %mul3A_2, %mul3A_13 : i32
      "tpu.region"() ({
        %run_scoped3A = tpu.sem_alloc : memref<!tpu.dma_semaphore, #tpu.memory_space<semaphore_mem>>
        %dma_start3A_25 = tpu.memref_slice %arg4[%add3A_14] : memref<320000xi32, #tpu.memory_space<hbm>> -> memref<80xi32, #tpu.memory_space<hbm>>
        %dma_start3A_26 = tpu.memref_slice %arg4[%add3A_14] : memref<320000xi32, #tpu.memory_space<hbm>> -> memref<80xi32, #tpu.memory_space<hbm>>
        tpu.enqueue_dma source(%dma_start3A_26 : memref<80xi32, #tpu.memory_space<hbm>>) target(%arg8 : memref<80xi32, #tpu.memory_space<vmem>>) target_semaphore(%run_scoped3A : memref<!tpu.dma_semaphore, #tpu.memory_space<semaphore_mem>>)
        %dma_wait3A_27 = tpu.memref_slice %arg4[%add3A_14] : memref<320000xi32, #tpu.memory_space<hbm>> -> memref<80xi32, #tpu.memory_space<hbm>>
        %dma_wait3A_28 = tpu.memref_slice %arg4[%add3A_14] : memref<320000xi32, #tpu.memory_space<hbm>> -> memref<80xi32, #tpu.memory_space<hbm>>
        tpu.wait_dma2 semaphore(%run_scoped3A : memref<!tpu.dma_semaphore, #tpu.memory_space<semaphore_mem>>) src(%dma_wait3A_28 : memref<80xi32, #tpu.memory_space<hbm>>) dst(%arg8 : memref<80xi32, #tpu.memory_space<vmem>>)
        tpu.yield
      }) : () -> ()
      "tpu.region"() ({
        %run_scoped3A = tpu.sem_alloc : memref<!tpu.dma_semaphore, #tpu.memory_space<semaphore_mem>>
        %dma_start3A_25 = tpu.memref_slice %arg5[%add3A_14] : memref<320000xi32, #tpu.memory_space<hbm>> -> memref<80xi32, #tpu.memory_space<hbm>>
        %dma_start3A_26 = tpu.memref_slice %arg5[%add3A_14] : memref<320000xi32, #tpu.memory_space<hbm>> -> memref<80xi32, #tpu.memory_space<hbm>>
        tpu.enqueue_dma source(%dma_start3A_26 : memref<80xi32, #tpu.memory_space<hbm>>) target(%arg9 : memref<80xi32, #tpu.memory_space<vmem>>) target_semaphore(%run_scoped3A : memref<!tpu.dma_semaphore, #tpu.memory_space<semaphore_mem>>)
        %dma_wait3A_27 = tpu.memref_slice %arg5[%add3A_14] : memref<320000xi32, #tpu.memory_space<hbm>> -> memref<80xi32, #tpu.memory_space<hbm>>
        %dma_wait3A_28 = tpu.memref_slice %arg5[%add3A_14] : memref<320000xi32, #tpu.memory_space<hbm>> -> memref<80xi32, #tpu.memory_space<hbm>>
        tpu.wait_dma2 semaphore(%run_scoped3A : memref<!tpu.dma_semaphore, #tpu.memory_space<semaphore_mem>>) src(%dma_wait3A_28 : memref<80xi32, #tpu.memory_space<hbm>>) dst(%arg9 : memref<80xi32, #tpu.memory_space<vmem>>)
        tpu.yield
      }) : () -> ()
      %dma_start3A = arith.constant 0 : i32
      %dma_start3A_15 = arith.constant 0 : i32
      %dma_start3A_16 = tpu.memref_slice %arg2[%dma_start3A, %dma_start3A_15] : memref<10000x144xf32, #tpu.memory_space<hbm>> -> memref<10000x144xf32, #tpu.memory_space<hbm>>
      tpu.enqueue_indirect_dma source(%dma_start3A_16 : memref<10000x144xf32, #tpu.memory_space<hbm>>) target(%arg10 : memref<80x144xf32, #tpu.memory_space<vmem>>) offsets(%arg8 : memref<80xi32, #tpu.memory_space<vmem>>) semaphore(%arg12 : memref<!tpu.dma_semaphore, #tpu.memory_space<semaphore_mem>>)
      %dma_start3A_17 = arith.constant 0 : i32
      %dma_start3A_18 = arith.constant 0 : i32
      %dma_start3A_19 = tpu.memref_slice %arg3[%dma_start3A_17, %dma_start3A_18] : memref<10000x144xf32, #tpu.memory_space<hbm>> -> memref<10000x144xf32, #tpu.memory_space<hbm>>
      tpu.enqueue_indirect_dma source(%dma_start3A_19 : memref<10000x144xf32, #tpu.memory_space<hbm>>) target(%arg11 : memref<80x144xf32, #tpu.memory_space<vmem>>) offsets(%arg9 : memref<80xi32, #tpu.memory_space<vmem>>) semaphore(%arg13 : memref<!tpu.dma_semaphore, #tpu.memory_space<semaphore_mem>>)
      %dma_wait3A = arith.constant 0 : i32
      %dma_wait3A_20 = arith.constant 0 : i32
      %dma_wait3A_21 = tpu.memref_slice %arg2[%dma_wait3A, %dma_wait3A_20] : memref<10000x144xf32, #tpu.memory_space<hbm>> -> memref<10000x144xf32, #tpu.memory_space<hbm>>
      tpu.wait_indirect_dma semaphore(%arg12 : memref<!tpu.dma_semaphore, #tpu.memory_space<semaphore_mem>>) src(%dma_wait3A_21 : memref<10000x144xf32, #tpu.memory_space<hbm>>) dst(%arg10 : memref<80x144xf32, #tpu.memory_space<vmem>>)
      %dma_wait3A_22 = arith.constant 0 : i32
      %dma_wait3A_23 = arith.constant 0 : i32
      %dma_wait3A_24 = tpu.memref_slice %arg3[%dma_wait3A_22, %dma_wait3A_23] : memref<10000x144xf32, #tpu.memory_space<hbm>> -> memref<10000x144xf32, #tpu.memory_space<hbm>>
      tpu.wait_indirect_dma semaphore(%arg13 : memref<!tpu.dma_semaphore, #tpu.memory_space<semaphore_mem>>) src(%dma_wait3A_24 : memref<10000x144xf32, #tpu.memory_space<hbm>>) dst(%arg11 : memref<80x144xf32, #tpu.memory_space<vmem>>)
      "tpu.region"() ({
        %run_scoped3A = tpu.sem_alloc : memref<!tpu.dma_semaphore, #tpu.memory_space<semaphore_mem>>
        %dma_start3A_25 = arith.constant 0 : i32
        %dma_start3A_26 = tpu.memref_slice %arg6[%add3A_14, %dma_start3A_25] : memref<320000x144xf32, #tpu.memory_space<hbm>> -> memref<80x144xf32, #tpu.memory_space<hbm>>
        %dma_start3A_27 = arith.constant 0 : i32
        %dma_start3A_28 = tpu.memref_slice %arg6[%add3A_14, %dma_start3A_27] : memref<320000x144xf32, #tpu.memory_space<hbm>> -> memref<80x144xf32, #tpu.memory_space<hbm>>
        tpu.enqueue_dma source(%arg10 : memref<80x144xf32, #tpu.memory_space<vmem>>) target(%dma_start3A_28 : memref<80x144xf32, #tpu.memory_space<hbm>>) target_semaphore(%run_scoped3A : memref<!tpu.dma_semaphore, #tpu.memory_space<semaphore_mem>>)
        %dma_wait3A_29 = arith.constant 0 : i32
        %dma_wait3A_30 = tpu.memref_slice %arg6[%add3A_14, %dma_wait3A_29] : memref<320000x144xf32, #tpu.memory_space<hbm>> -> memref<80x144xf32, #tpu.memory_space<hbm>>
        %dma_wait3A_31 = arith.constant 0 : i32
        %dma_wait3A_32 = tpu.memref_slice %arg6[%add3A_14, %dma_wait3A_31] : memref<320000x144xf32, #tpu.memory_space<hbm>> -> memref<80x144xf32, #tpu.memory_space<hbm>>
        tpu.wait_dma2 semaphore(%run_scoped3A : memref<!tpu.dma_semaphore, #tpu.memory_space<semaphore_mem>>) src(%arg10 : memref<80x144xf32, #tpu.memory_space<vmem>>) dst(%dma_wait3A_32 : memref<80x144xf32, #tpu.memory_space<hbm>>)
        tpu.yield
      }) : () -> ()
      "tpu.region"() ({
        %run_scoped3A = tpu.sem_alloc : memref<!tpu.dma_semaphore, #tpu.memory_space<semaphore_mem>>
        %dma_start3A_25 = arith.constant 0 : i32
        %dma_start3A_26 = tpu.memref_slice %arg7[%add3A_14, %dma_start3A_25] : memref<320000x144xf32, #tpu.memory_space<hbm>> -> memref<80x144xf32, #tpu.memory_space<hbm>>
        %dma_start3A_27 = arith.constant 0 : i32
        %dma_start3A_28 = tpu.memref_slice %arg7[%add3A_14, %dma_start3A_27] : memref<320000x144xf32, #tpu.memory_space<hbm>> -> memref<80x144xf32, #tpu.memory_space<hbm>>
        tpu.enqueue_dma source(%arg11 : memref<80x144xf32, #tpu.memory_space<vmem>>) target(%dma_start3A_28 : memref<80x144xf32, #tpu.memory_space<hbm>>) target_semaphore(%run_scoped3A : memref<!tpu.dma_semaphore, #tpu.memory_space<semaphore_mem>>)
        %dma_wait3A_29 = arith.constant 0 : i32
        %dma_wait3A_30 = tpu.memref_slice %arg7[%add3A_14, %dma_wait3A_29] : memref<320000x144xf32, #tpu.memory_space<hbm>> -> memref<80x144xf32, #tpu.memory_space<hbm>>
        %dma_wait3A_31 = arith.constant 0 : i32
        %dma_wait3A_32 = tpu.memref_slice %arg7[%add3A_14, %dma_wait3A_31] : memref<320000x144xf32, #tpu.memory_space<hbm>> -> memref<80x144xf32, #tpu.memory_space<hbm>>
        tpu.wait_dma2 semaphore(%run_scoped3A : memref<!tpu.dma_semaphore, #tpu.memory_space<semaphore_mem>>) src(%arg11 : memref<80x144xf32, #tpu.memory_space<vmem>>) dst(%dma_wait3A_32 : memref<80x144xf32, #tpu.memory_space<hbm>>)
        tpu.yield
      }) : () -> ()
    }
    %scan3A_6 = arith.constant 125 : i32
    return
  }
}

#map = affine_map<(d0, d1) -> (0, 0)>
#map1 = affine_map<(d0, d1) -> (0)>
#map2 = affine_map<(d0, d1) -> (0, 0, 0)>
module attributes {stable_mosaic.version = 14 : i64} {
  func.func @k(%arg0: i32, %arg1: i32, %arg2: memref<320000x16xf32, #tpu.memory_space<hbm>>, %arg3: memref<320000xi32, #tpu.memory_space<hbm>>, %arg4: memref<625x16xf32, #tpu.memory_space<hbm>>, %arg5: memref<2x10000x16xf32, #tpu.memory_space<hbm>>, %arg6: memref<80xi32, #tpu.memory_space<vmem>>, %arg7: memref<80x16xf32, #tpu.memory_space<vmem>>, %arg8: memref<10000x16xf32, #tpu.memory_space<vmem_shared>>) attributes {dimension_semantics = [#tpu.dimension_semantics<core_parallel>, #tpu.dimension_semantics<subcore_parallel>], iteration_bounds = array<i64: 2, 16>, scalar_prefetch = 0 : i64, scratch_operands = 3 : i64, tpu.core_type = #tpu.core_type<sc_vector_subcore>, window_params = [{transform_indices = #map}, {transform_indices = #map1}, {transform_indices = #map}, {transform_indices = #map2}]} {
    %mul3A = arith.constant 625 : i32
    %mul3A_0 = arith.muli %arg1, %mul3A : i32
    "tpu.region"() ({
      %run_scoped3A = tpu.sem_alloc : memref<!tpu.dma_semaphore, #tpu.memory_space<semaphore_mem>>
      %dma_start3A = arith.constant 0 : i32
      %dma_start3A_14 = tpu.memref_slice %arg8[%mul3A_0, %dma_start3A] : memref<10000x16xf32, #tpu.memory_space<vmem_shared>> -> memref<625x16xf32, #tpu.memory_space<vmem_shared>>
      tpu.enqueue_dma source(%arg4 : memref<625x16xf32, #tpu.memory_space<hbm>>) target(%dma_start3A_14 : memref<625x16xf32, #tpu.memory_space<vmem_shared>>) target_semaphore(%run_scoped3A : memref<!tpu.dma_semaphore, #tpu.memory_space<semaphore_mem>>)
      %dma_wait3A = arith.constant 0 : i32
      %dma_wait3A_15 = tpu.memref_slice %arg8[%mul3A_0, %dma_wait3A] : memref<10000x16xf32, #tpu.memory_space<vmem_shared>> -> memref<625x16xf32, #tpu.memory_space<vmem_shared>>
      tpu.wait_dma2 semaphore(%run_scoped3A : memref<!tpu.dma_semaphore, #tpu.memory_space<semaphore_mem>>) src(%arg4 : memref<625x16xf32, #tpu.memory_space<hbm>>) dst(%dma_wait3A_15 : memref<625x16xf32, #tpu.memory_space<vmem_shared>>)
      tpu.yield
    }) : () -> ()
    %barrier3A = arith.constant 0 : index
    tpu.barrier barrier_id(%barrier3A)
    %mul3A_1 = arith.constant 2 : i32
    %mul3A_2 = arith.muli %arg1, %mul3A_1 : i32
    %add3A = arith.addi %mul3A_2, %arg0 : i32
    %mul3A_3 = arith.constant 10000 : i32
    %mul3A_4 = arith.muli %add3A, %mul3A_3 : i32
    %scan3A = arith.constant 0 : i32
    %scan3A_5 = arith.constant 125 : i32
    %scan3A_6 = arith.addi %scan3A, %scan3A_5 : i32
    %scan3A_7 = arith.constant 1 : i32
    scf.for %scan3A_14 = %scan3A to %scan3A_6 step %scan3A_7  : i32 {
      %mul3A_15 = arith.constant 1 : i32
      %mul3A_16 = arith.muli %scan3A_14, %mul3A_15 : i32
      %add3A_17 = arith.constant 0 : i32
      %add3A_18 = arith.addi %add3A_17, %mul3A_16 : i32
      %mul3A_19 = arith.constant 80 : i32
      %mul3A_20 = arith.muli %add3A_18, %mul3A_19 : i32
      %add3A_21 = arith.addi %mul3A_4, %mul3A_20 : i32
      "tpu.region"() ({
        %run_scoped3A = tpu.sem_alloc : memref<!tpu.dma_semaphore, #tpu.memory_space<semaphore_mem>>
        %dma_start3A = tpu.memref_slice %arg3[%add3A_21] : memref<320000xi32, #tpu.memory_space<hbm>> -> memref<80xi32, #tpu.memory_space<hbm>>
        %dma_start3A_22 = tpu.memref_slice %arg3[%add3A_21] : memref<320000xi32, #tpu.memory_space<hbm>> -> memref<80xi32, #tpu.memory_space<hbm>>
        tpu.enqueue_dma source(%dma_start3A_22 : memref<80xi32, #tpu.memory_space<hbm>>) target(%arg6 : memref<80xi32, #tpu.memory_space<vmem>>) target_semaphore(%run_scoped3A : memref<!tpu.dma_semaphore, #tpu.memory_space<semaphore_mem>>)
        %dma_wait3A = tpu.memref_slice %arg3[%add3A_21] : memref<320000xi32, #tpu.memory_space<hbm>> -> memref<80xi32, #tpu.memory_space<hbm>>
        %dma_wait3A_23 = tpu.memref_slice %arg3[%add3A_21] : memref<320000xi32, #tpu.memory_space<hbm>> -> memref<80xi32, #tpu.memory_space<hbm>>
        tpu.wait_dma2 semaphore(%run_scoped3A : memref<!tpu.dma_semaphore, #tpu.memory_space<semaphore_mem>>) src(%dma_wait3A_23 : memref<80xi32, #tpu.memory_space<hbm>>) dst(%arg6 : memref<80xi32, #tpu.memory_space<vmem>>)
        tpu.yield
      }) : () -> ()
      "tpu.region"() ({
        %run_scoped3A = tpu.sem_alloc : memref<!tpu.dma_semaphore, #tpu.memory_space<semaphore_mem>>
        %dma_start3A = arith.constant 0 : i32
        %dma_start3A_22 = tpu.memref_slice %arg2[%add3A_21, %dma_start3A] : memref<320000x16xf32, #tpu.memory_space<hbm>> -> memref<80x16xf32, #tpu.memory_space<hbm>>
        %dma_start3A_23 = arith.constant 0 : i32
        %dma_start3A_24 = tpu.memref_slice %arg2[%add3A_21, %dma_start3A_23] : memref<320000x16xf32, #tpu.memory_space<hbm>> -> memref<80x16xf32, #tpu.memory_space<hbm>>
        tpu.enqueue_dma source(%dma_start3A_24 : memref<80x16xf32, #tpu.memory_space<hbm>>) target(%arg7 : memref<80x16xf32, #tpu.memory_space<vmem>>) target_semaphore(%run_scoped3A : memref<!tpu.dma_semaphore, #tpu.memory_space<semaphore_mem>>)
        %dma_wait3A = arith.constant 0 : i32
        %dma_wait3A_25 = tpu.memref_slice %arg2[%add3A_21, %dma_wait3A] : memref<320000x16xf32, #tpu.memory_space<hbm>> -> memref<80x16xf32, #tpu.memory_space<hbm>>
        %dma_wait3A_26 = arith.constant 0 : i32
        %dma_wait3A_27 = tpu.memref_slice %arg2[%add3A_21, %dma_wait3A_26] : memref<320000x16xf32, #tpu.memory_space<hbm>> -> memref<80x16xf32, #tpu.memory_space<hbm>>
        tpu.wait_dma2 semaphore(%run_scoped3A : memref<!tpu.dma_semaphore, #tpu.memory_space<semaphore_mem>>) src(%dma_wait3A_27 : memref<80x16xf32, #tpu.memory_space<hbm>>) dst(%arg7 : memref<80x16xf32, #tpu.memory_space<vmem>>)
        tpu.yield
      }) : () -> ()
      "tpu.region"() ({
        %run_scoped3A = tpu.sem_alloc : memref<!tpu.dma_semaphore, #tpu.memory_space<semaphore_mem>>
        %dma_start3A = arith.constant 0 : i32
        %dma_start3A_22 = arith.constant 0 : i32
        %dma_start3A_23 = tpu.memref_slice %arg8[%dma_start3A, %dma_start3A_22] : memref<10000x16xf32, #tpu.memory_space<vmem_shared>> -> memref<10000x16xf32, #tpu.memory_space<vmem_shared>>
        tpu.enqueue_indirect_dma source(%arg7 : memref<80x16xf32, #tpu.memory_space<vmem>>) target(%dma_start3A_23 : memref<10000x16xf32, #tpu.memory_space<vmem_shared>>) offsets(%arg6 : memref<80xi32, #tpu.memory_space<vmem>>) semaphore(%run_scoped3A : memref<!tpu.dma_semaphore, #tpu.memory_space<semaphore_mem>>) {add = true}
        %dma_wait3A = arith.constant 0 : i32
        %dma_wait3A_24 = arith.constant 0 : i32
        %dma_wait3A_25 = tpu.memref_slice %arg8[%dma_wait3A, %dma_wait3A_24] : memref<10000x16xf32, #tpu.memory_space<vmem_shared>> -> memref<10000x16xf32, #tpu.memory_space<vmem_shared>>
        tpu.wait_indirect_dma semaphore(%run_scoped3A : memref<!tpu.dma_semaphore, #tpu.memory_space<semaphore_mem>>) src(%arg7 : memref<80x16xf32, #tpu.memory_space<vmem>>) dst(%dma_wait3A_25 : memref<10000x16xf32, #tpu.memory_space<vmem_shared>>)
        tpu.yield
      }) : () -> ()
    }
    %scan3A_8 = arith.constant 125 : i32
    %barrier3A_9 = arith.constant 0 : index
    tpu.barrier barrier_id(%barrier3A_9)
    %mul3A_10 = arith.constant 625 : i32
    %mul3A_11 = arith.muli %arg1, %mul3A_10 : i32
    %mul3A_12 = arith.constant 625 : i32
    %mul3A_13 = arith.muli %arg1, %mul3A_12 : i32
    "tpu.region"() ({
      %run_scoped3A = tpu.sem_alloc : memref<!tpu.dma_semaphore, #tpu.memory_space<semaphore_mem>>
      %dma_start3A = arith.constant 0 : i32
      %dma_start3A_14 = tpu.memref_slice %arg5[%arg0, %mul3A_13, %dma_start3A] : memref<2x10000x16xf32, #tpu.memory_space<hbm>> -> memref<1x625x16xf32, #tpu.memory_space<hbm>>
      %dma_start3A_15 = tpu.memref_squeeze %dma_start3A_14 : memref<1x625x16xf32, #tpu.memory_space<hbm>> -> memref<625x16xf32, #tpu.memory_space<hbm>>
      %dma_start3A_16 = arith.constant 0 : i32
      %dma_start3A_17 = tpu.memref_slice %arg8[%mul3A_11, %dma_start3A_16] : memref<10000x16xf32, #tpu.memory_space<vmem_shared>> -> memref<625x16xf32, #tpu.memory_space<vmem_shared>>
      tpu.enqueue_dma source(%dma_start3A_17 : memref<625x16xf32, #tpu.memory_space<vmem_shared>>) target(%dma_start3A_15 : memref<625x16xf32, #tpu.memory_space<hbm>>) target_semaphore(%run_scoped3A : memref<!tpu.dma_semaphore, #tpu.memory_space<semaphore_mem>>)
      %dma_wait3A = arith.constant 0 : i32
      %dma_wait3A_18 = tpu.memref_slice %arg5[%arg0, %mul3A_13, %dma_wait3A] : memref<2x10000x16xf32, #tpu.memory_space<hbm>> -> memref<1x625x16xf32, #tpu.memory_space<hbm>>
      %dma_wait3A_19 = tpu.memref_squeeze %dma_wait3A_18 : memref<1x625x16xf32, #tpu.memory_space<hbm>> -> memref<625x16xf32, #tpu.memory_space<hbm>>
      %dma_wait3A_20 = arith.constant 0 : i32
      %dma_wait3A_21 = tpu.memref_slice %arg8[%mul3A_11, %dma_wait3A_20] : memref<10000x16xf32, #tpu.memory_space<vmem_shared>> -> memref<625x16xf32, #tpu.memory_space<vmem_shared>>
      tpu.wait_dma2 semaphore(%run_scoped3A : memref<!tpu.dma_semaphore, #tpu.memory_space<semaphore_mem>>) src(%dma_wait3A_21 : memref<625x16xf32, #tpu.memory_space<vmem_shared>>) dst(%dma_wait3A_19 : memref<625x16xf32, #tpu.memory_space<hbm>>)
      tpu.yield
    }) : () -> ()
    return
  }
}

#map = affine_map<(d0, d1) -> (0, 0)>
#map1 = affine_map<(d0, d1) -> (0)>
#map2 = affine_map<(d0, d1) -> (0, 0, 0)>
module attributes {stable_mosaic.version = 14 : i64} {
  func.func @k(%arg0: i32, %arg1: i32, %arg2: memref<320000x144xf32, #tpu.memory_space<hbm>>, %arg3: memref<320000xi32, #tpu.memory_space<hbm>>, %arg4: memref<625x144xf32, #tpu.memory_space<hbm>>, %arg5: memref<2x10000x144xf32, #tpu.memory_space<hbm>>, %arg6: memref<80xi32, #tpu.memory_space<vmem>>, %arg7: memref<80x144xf32, #tpu.memory_space<vmem>>, %arg8: memref<10000x144xf32, #tpu.memory_space<vmem_shared>>) attributes {dimension_semantics = [#tpu.dimension_semantics<core_parallel>, #tpu.dimension_semantics<subcore_parallel>], iteration_bounds = array<i64: 2, 16>, scalar_prefetch = 0 : i64, scratch_operands = 3 : i64, tpu.core_type = #tpu.core_type<sc_vector_subcore>, window_params = [{transform_indices = #map}, {transform_indices = #map1}, {transform_indices = #map}, {transform_indices = #map2}]} {
    %mul3A = arith.constant 625 : i32
    %mul3A_0 = arith.muli %arg1, %mul3A : i32
    "tpu.region"() ({
      %run_scoped3A = tpu.sem_alloc : memref<!tpu.dma_semaphore, #tpu.memory_space<semaphore_mem>>
      %dma_start3A = arith.constant 0 : i32
      %dma_start3A_14 = tpu.memref_slice %arg8[%mul3A_0, %dma_start3A] : memref<10000x144xf32, #tpu.memory_space<vmem_shared>> -> memref<625x144xf32, #tpu.memory_space<vmem_shared>>
      tpu.enqueue_dma source(%arg4 : memref<625x144xf32, #tpu.memory_space<hbm>>) target(%dma_start3A_14 : memref<625x144xf32, #tpu.memory_space<vmem_shared>>) target_semaphore(%run_scoped3A : memref<!tpu.dma_semaphore, #tpu.memory_space<semaphore_mem>>)
      %dma_wait3A = arith.constant 0 : i32
      %dma_wait3A_15 = tpu.memref_slice %arg8[%mul3A_0, %dma_wait3A] : memref<10000x144xf32, #tpu.memory_space<vmem_shared>> -> memref<625x144xf32, #tpu.memory_space<vmem_shared>>
      tpu.wait_dma2 semaphore(%run_scoped3A : memref<!tpu.dma_semaphore, #tpu.memory_space<semaphore_mem>>) src(%arg4 : memref<625x144xf32, #tpu.memory_space<hbm>>) dst(%dma_wait3A_15 : memref<625x144xf32, #tpu.memory_space<vmem_shared>>)
      tpu.yield
    }) : () -> ()
    %barrier3A = arith.constant 0 : index
    tpu.barrier barrier_id(%barrier3A)
    %mul3A_1 = arith.constant 2 : i32
    %mul3A_2 = arith.muli %arg1, %mul3A_1 : i32
    %add3A = arith.addi %mul3A_2, %arg0 : i32
    %mul3A_3 = arith.constant 10000 : i32
    %mul3A_4 = arith.muli %add3A, %mul3A_3 : i32
    %scan3A = arith.constant 0 : i32
    %scan3A_5 = arith.constant 125 : i32
    %scan3A_6 = arith.addi %scan3A, %scan3A_5 : i32
    %scan3A_7 = arith.constant 1 : i32
    scf.for %scan3A_14 = %scan3A to %scan3A_6 step %scan3A_7  : i32 {
      %mul3A_15 = arith.constant 1 : i32
      %mul3A_16 = arith.muli %scan3A_14, %mul3A_15 : i32
      %add3A_17 = arith.constant 0 : i32
      %add3A_18 = arith.addi %add3A_17, %mul3A_16 : i32
      %mul3A_19 = arith.constant 80 : i32
      %mul3A_20 = arith.muli %add3A_18, %mul3A_19 : i32
      %add3A_21 = arith.addi %mul3A_4, %mul3A_20 : i32
      "tpu.region"() ({
        %run_scoped3A = tpu.sem_alloc : memref<!tpu.dma_semaphore, #tpu.memory_space<semaphore_mem>>
        %dma_start3A = tpu.memref_slice %arg3[%add3A_21] : memref<320000xi32, #tpu.memory_space<hbm>> -> memref<80xi32, #tpu.memory_space<hbm>>
        %dma_start3A_22 = tpu.memref_slice %arg3[%add3A_21] : memref<320000xi32, #tpu.memory_space<hbm>> -> memref<80xi32, #tpu.memory_space<hbm>>
        tpu.enqueue_dma source(%dma_start3A_22 : memref<80xi32, #tpu.memory_space<hbm>>) target(%arg6 : memref<80xi32, #tpu.memory_space<vmem>>) target_semaphore(%run_scoped3A : memref<!tpu.dma_semaphore, #tpu.memory_space<semaphore_mem>>)
        %dma_wait3A = tpu.memref_slice %arg3[%add3A_21] : memref<320000xi32, #tpu.memory_space<hbm>> -> memref<80xi32, #tpu.memory_space<hbm>>
        %dma_wait3A_23 = tpu.memref_slice %arg3[%add3A_21] : memref<320000xi32, #tpu.memory_space<hbm>> -> memref<80xi32, #tpu.memory_space<hbm>>
        tpu.wait_dma2 semaphore(%run_scoped3A : memref<!tpu.dma_semaphore, #tpu.memory_space<semaphore_mem>>) src(%dma_wait3A_23 : memref<80xi32, #tpu.memory_space<hbm>>) dst(%arg6 : memref<80xi32, #tpu.memory_space<vmem>>)
        tpu.yield
      }) : () -> ()
      "tpu.region"() ({
        %run_scoped3A = tpu.sem_alloc : memref<!tpu.dma_semaphore, #tpu.memory_space<semaphore_mem>>
        %dma_start3A = arith.constant 0 : i32
        %dma_start3A_22 = tpu.memref_slice %arg2[%add3A_21, %dma_start3A] : memref<320000x144xf32, #tpu.memory_space<hbm>> -> memref<80x144xf32, #tpu.memory_space<hbm>>
        %dma_start3A_23 = arith.constant 0 : i32
        %dma_start3A_24 = tpu.memref_slice %arg2[%add3A_21, %dma_start3A_23] : memref<320000x144xf32, #tpu.memory_space<hbm>> -> memref<80x144xf32, #tpu.memory_space<hbm>>
        tpu.enqueue_dma source(%dma_start3A_24 : memref<80x144xf32, #tpu.memory_space<hbm>>) target(%arg7 : memref<80x144xf32, #tpu.memory_space<vmem>>) target_semaphore(%run_scoped3A : memref<!tpu.dma_semaphore, #tpu.memory_space<semaphore_mem>>)
        %dma_wait3A = arith.constant 0 : i32
        %dma_wait3A_25 = tpu.memref_slice %arg2[%add3A_21, %dma_wait3A] : memref<320000x144xf32, #tpu.memory_space<hbm>> -> memref<80x144xf32, #tpu.memory_space<hbm>>
        %dma_wait3A_26 = arith.constant 0 : i32
        %dma_wait3A_27 = tpu.memref_slice %arg2[%add3A_21, %dma_wait3A_26] : memref<320000x144xf32, #tpu.memory_space<hbm>> -> memref<80x144xf32, #tpu.memory_space<hbm>>
        tpu.wait_dma2 semaphore(%run_scoped3A : memref<!tpu.dma_semaphore, #tpu.memory_space<semaphore_mem>>) src(%dma_wait3A_27 : memref<80x144xf32, #tpu.memory_space<hbm>>) dst(%arg7 : memref<80x144xf32, #tpu.memory_space<vmem>>)
        tpu.yield
      }) : () -> ()
      "tpu.region"() ({
        %run_scoped3A = tpu.sem_alloc : memref<!tpu.dma_semaphore, #tpu.memory_space<semaphore_mem>>
        %dma_start3A = arith.constant 0 : i32
        %dma_start3A_22 = arith.constant 0 : i32
        %dma_start3A_23 = tpu.memref_slice %arg8[%dma_start3A, %dma_start3A_22] : memref<10000x144xf32, #tpu.memory_space<vmem_shared>> -> memref<10000x144xf32, #tpu.memory_space<vmem_shared>>
        tpu.enqueue_indirect_dma source(%arg7 : memref<80x144xf32, #tpu.memory_space<vmem>>) target(%dma_start3A_23 : memref<10000x144xf32, #tpu.memory_space<vmem_shared>>) offsets(%arg6 : memref<80xi32, #tpu.memory_space<vmem>>) semaphore(%run_scoped3A : memref<!tpu.dma_semaphore, #tpu.memory_space<semaphore_mem>>) {add = true}
        %dma_wait3A = arith.constant 0 : i32
        %dma_wait3A_24 = arith.constant 0 : i32
        %dma_wait3A_25 = tpu.memref_slice %arg8[%dma_wait3A, %dma_wait3A_24] : memref<10000x144xf32, #tpu.memory_space<vmem_shared>> -> memref<10000x144xf32, #tpu.memory_space<vmem_shared>>
        tpu.wait_indirect_dma semaphore(%run_scoped3A : memref<!tpu.dma_semaphore, #tpu.memory_space<semaphore_mem>>) src(%arg7 : memref<80x144xf32, #tpu.memory_space<vmem>>) dst(%dma_wait3A_25 : memref<10000x144xf32, #tpu.memory_space<vmem_shared>>)
        tpu.yield
      }) : () -> ()
    }
    %scan3A_8 = arith.constant 125 : i32
    %barrier3A_9 = arith.constant 0 : index
    tpu.barrier barrier_id(%barrier3A_9)
    %mul3A_10 = arith.constant 625 : i32
    %mul3A_11 = arith.muli %arg1, %mul3A_10 : i32
    %mul3A_12 = arith.constant 625 : i32
    %mul3A_13 = arith.muli %arg1, %mul3A_12 : i32
    "tpu.region"() ({
      %run_scoped3A = tpu.sem_alloc : memref<!tpu.dma_semaphore, #tpu.memory_space<semaphore_mem>>
      %dma_start3A = arith.constant 0 : i32
      %dma_start3A_14 = tpu.memref_slice %arg5[%arg0, %mul3A_13, %dma_start3A] : memref<2x10000x144xf32, #tpu.memory_space<hbm>> -> memref<1x625x144xf32, #tpu.memory_space<hbm>>
      %dma_start3A_15 = tpu.memref_squeeze %dma_start3A_14 : memref<1x625x144xf32, #tpu.memory_space<hbm>> -> memref<625x144xf32, #tpu.memory_space<hbm>>
      %dma_start3A_16 = arith.constant 0 : i32
      %dma_start3A_17 = tpu.memref_slice %arg8[%mul3A_11, %dma_start3A_16] : memref<10000x144xf32, #tpu.memory_space<vmem_shared>> -> memref<625x144xf32, #tpu.memory_space<vmem_shared>>
      tpu.enqueue_dma source(%dma_start3A_17 : memref<625x144xf32, #tpu.memory_space<vmem_shared>>) target(%dma_start3A_15 : memref<625x144xf32, #tpu.memory_space<hbm>>) target_semaphore(%run_scoped3A : memref<!tpu.dma_semaphore, #tpu.memory_space<semaphore_mem>>)
      %dma_wait3A = arith.constant 0 : i32
      %dma_wait3A_18 = tpu.memref_slice %arg5[%arg0, %mul3A_13, %dma_wait3A] : memref<2x10000x144xf32, #tpu.memory_space<hbm>> -> memref<1x625x144xf32, #tpu.memory_space<hbm>>
      %dma_wait3A_19 = tpu.memref_squeeze %dma_wait3A_18 : memref<1x625x144xf32, #tpu.memory_space<hbm>> -> memref<625x144xf32, #tpu.memory_space<hbm>>
      %dma_wait3A_20 = arith.constant 0 : i32
      %dma_wait3A_21 = tpu.memref_slice %arg8[%mul3A_11, %dma_wait3A_20] : memref<10000x144xf32, #tpu.memory_space<vmem_shared>> -> memref<625x144xf32, #tpu.memory_space<vmem_shared>>
      tpu.wait_dma2 semaphore(%run_scoped3A : memref<!tpu.dma_semaphore, #tpu.memory_space<semaphore_mem>>) src(%dma_wait3A_21 : memref<625x144xf32, #tpu.memory_space<vmem_shared>>) dst(%dma_wait3A_19 : memref<625x144xf32, #tpu.memory_space<hbm>>)
      tpu.yield
    }) : () -> ()
    return
  }
}

#map = affine_map<(d0, d1) -> (0, 0)>
#map1 = affine_map<(d0, d1) -> (0)>
module attributes {stable_mosaic.version = 14 : i64} {
  func.func @k(%arg0: i32, %arg1: i32, %arg2: memref<10000x144xf32, #tpu.memory_space<hbm>>, %arg3: memref<10000x144xf32, #tpu.memory_space<hbm>>, %arg4: memref<320000xi32, #tpu.memory_space<hbm>>, %arg5: memref<320000xi32, #tpu.memory_space<hbm>>, %arg6: memref<320000x144xf32, #tpu.memory_space<hbm>>, %arg7: memref<320000x144xf32, #tpu.memory_space<hbm>>, %arg8: memref<80xi32, #tpu.memory_space<vmem>>, %arg9: memref<80xi32, #tpu.memory_space<vmem>>, %arg10: memref<80x144xf32, #tpu.memory_space<vmem>>, %arg11: memref<80x144xf32, #tpu.memory_space<vmem>>, %arg12: memref<!tpu.dma_semaphore, #tpu.memory_space<semaphore_mem>>, %arg13: memref<!tpu.dma_semaphore, #tpu.memory_space<semaphore_mem>>) attributes {dimension_semantics = [#tpu.dimension_semantics<core_parallel>, #tpu.dimension_semantics<subcore_parallel>], iteration_bounds = array<i64: 2, 16>, scalar_prefetch = 0 : i64, scratch_operands = 6 : i64, tpu.core_type = #tpu.core_type<sc_vector_subcore>, window_params = [{transform_indices = #map}, {transform_indices = #map}, {transform_indices = #map1}, {transform_indices = #map1}, {transform_indices = #map}, {transform_indices = #map}]} {
    %mul3A = arith.constant 2 : i32
    %mul3A_0 = arith.muli %arg1, %mul3A : i32
    %add3A = arith.addi %mul3A_0, %arg0 : i32
    %mul3A_1 = arith.constant 10000 : i32
    %mul3A_2 = arith.muli %add3A, %mul3A_1 : i32
    %scan3A = arith.constant 0 : i32
    %scan3A_3 = arith.constant 125 : i32
    %scan3A_4 = arith.addi %scan3A, %scan3A_3 : i32
    %scan3A_5 = arith.constant 1 : i32
    scf.for %scan3A_7 = %scan3A to %scan3A_4 step %scan3A_5  : i32 {
      %mul3A_8 = arith.constant 1 : i32
      %mul3A_9 = arith.muli %scan3A_7, %mul3A_8 : i32
      %add3A_10 = arith.constant 0 : i32
      %add3A_11 = arith.addi %add3A_10, %mul3A_9 : i32
      %mul3A_12 = arith.constant 80 : i32
      %mul3A_13 = arith.muli %add3A_11, %mul3A_12 : i32
      %add3A_14 = arith.addi %mul3A_2, %mul3A_13 : i32
      "tpu.region"() ({
        %run_scoped3A = tpu.sem_alloc : memref<!tpu.dma_semaphore, #tpu.memory_space<semaphore_mem>>
        %dma_start3A_25 = tpu.memref_slice %arg4[%add3A_14] : memref<320000xi32, #tpu.memory_space<hbm>> -> memref<80xi32, #tpu.memory_space<hbm>>
        %dma_start3A_26 = tpu.memref_slice %arg4[%add3A_14] : memref<320000xi32, #tpu.memory_space<hbm>> -> memref<80xi32, #tpu.memory_space<hbm>>
        tpu.enqueue_dma source(%dma_start3A_26 : memref<80xi32, #tpu.memory_space<hbm>>) target(%arg8 : memref<80xi32, #tpu.memory_space<vmem>>) target_semaphore(%run_scoped3A : memref<!tpu.dma_semaphore, #tpu.memory_space<semaphore_mem>>)
        %dma_wait3A_27 = tpu.memref_slice %arg4[%add3A_14] : memref<320000xi32, #tpu.memory_space<hbm>> -> memref<80xi32, #tpu.memory_space<hbm>>
        %dma_wait3A_28 = tpu.memref_slice %arg4[%add3A_14] : memref<320000xi32, #tpu.memory_space<hbm>> -> memref<80xi32, #tpu.memory_space<hbm>>
        tpu.wait_dma2 semaphore(%run_scoped3A : memref<!tpu.dma_semaphore, #tpu.memory_space<semaphore_mem>>) src(%dma_wait3A_28 : memref<80xi32, #tpu.memory_space<hbm>>) dst(%arg8 : memref<80xi32, #tpu.memory_space<vmem>>)
        tpu.yield
      }) : () -> ()
      "tpu.region"() ({
        %run_scoped3A = tpu.sem_alloc : memref<!tpu.dma_semaphore, #tpu.memory_space<semaphore_mem>>
        %dma_start3A_25 = tpu.memref_slice %arg5[%add3A_14] : memref<320000xi32, #tpu.memory_space<hbm>> -> memref<80xi32, #tpu.memory_space<hbm>>
        %dma_start3A_26 = tpu.memref_slice %arg5[%add3A_14] : memref<320000xi32, #tpu.memory_space<hbm>> -> memref<80xi32, #tpu.memory_space<hbm>>
        tpu.enqueue_dma source(%dma_start3A_26 : memref<80xi32, #tpu.memory_space<hbm>>) target(%arg9 : memref<80xi32, #tpu.memory_space<vmem>>) target_semaphore(%run_scoped3A : memref<!tpu.dma_semaphore, #tpu.memory_space<semaphore_mem>>)
        %dma_wait3A_27 = tpu.memref_slice %arg5[%add3A_14] : memref<320000xi32, #tpu.memory_space<hbm>> -> memref<80xi32, #tpu.memory_space<hbm>>
        %dma_wait3A_28 = tpu.memref_slice %arg5[%add3A_14] : memref<320000xi32, #tpu.memory_space<hbm>> -> memref<80xi32, #tpu.memory_space<hbm>>
        tpu.wait_dma2 semaphore(%run_scoped3A : memref<!tpu.dma_semaphore, #tpu.memory_space<semaphore_mem>>) src(%dma_wait3A_28 : memref<80xi32, #tpu.memory_space<hbm>>) dst(%arg9 : memref<80xi32, #tpu.memory_space<vmem>>)
        tpu.yield
      }) : () -> ()
      %dma_start3A = arith.constant 0 : i32
      %dma_start3A_15 = arith.constant 0 : i32
      %dma_start3A_16 = tpu.memref_slice %arg2[%dma_start3A, %dma_start3A_15] : memref<10000x144xf32, #tpu.memory_space<hbm>> -> memref<10000x144xf32, #tpu.memory_space<hbm>>
      tpu.enqueue_indirect_dma source(%dma_start3A_16 : memref<10000x144xf32, #tpu.memory_space<hbm>>) target(%arg10 : memref<80x144xf32, #tpu.memory_space<vmem>>) offsets(%arg8 : memref<80xi32, #tpu.memory_space<vmem>>) semaphore(%arg12 : memref<!tpu.dma_semaphore, #tpu.memory_space<semaphore_mem>>)
      %dma_start3A_17 = arith.constant 0 : i32
      %dma_start3A_18 = arith.constant 0 : i32
      %dma_start3A_19 = tpu.memref_slice %arg3[%dma_start3A_17, %dma_start3A_18] : memref<10000x144xf32, #tpu.memory_space<hbm>> -> memref<10000x144xf32, #tpu.memory_space<hbm>>
      tpu.enqueue_indirect_dma source(%dma_start3A_19 : memref<10000x144xf32, #tpu.memory_space<hbm>>) target(%arg11 : memref<80x144xf32, #tpu.memory_space<vmem>>) offsets(%arg9 : memref<80xi32, #tpu.memory_space<vmem>>) semaphore(%arg13 : memref<!tpu.dma_semaphore, #tpu.memory_space<semaphore_mem>>)
      %dma_wait3A = arith.constant 0 : i32
      %dma_wait3A_20 = arith.constant 0 : i32
      %dma_wait3A_21 = tpu.memref_slice %arg2[%dma_wait3A, %dma_wait3A_20] : memref<10000x144xf32, #tpu.memory_space<hbm>> -> memref<10000x144xf32, #tpu.memory_space<hbm>>
      tpu.wait_indirect_dma semaphore(%arg12 : memref<!tpu.dma_semaphore, #tpu.memory_space<semaphore_mem>>) src(%dma_wait3A_21 : memref<10000x144xf32, #tpu.memory_space<hbm>>) dst(%arg10 : memref<80x144xf32, #tpu.memory_space<vmem>>)
      %dma_wait3A_22 = arith.constant 0 : i32
      %dma_wait3A_23 = arith.constant 0 : i32
      %dma_wait3A_24 = tpu.memref_slice %arg3[%dma_wait3A_22, %dma_wait3A_23] : memref<10000x144xf32, #tpu.memory_space<hbm>> -> memref<10000x144xf32, #tpu.memory_space<hbm>>
      tpu.wait_indirect_dma semaphore(%arg13 : memref<!tpu.dma_semaphore, #tpu.memory_space<semaphore_mem>>) src(%dma_wait3A_24 : memref<10000x144xf32, #tpu.memory_space<hbm>>) dst(%arg11 : memref<80x144xf32, #tpu.memory_space<vmem>>)
      "tpu.region"() ({
        %run_scoped3A = tpu.sem_alloc : memref<!tpu.dma_semaphore, #tpu.memory_space<semaphore_mem>>
        %dma_start3A_25 = arith.constant 0 : i32
        %dma_start3A_26 = tpu.memref_slice %arg6[%add3A_14, %dma_start3A_25] : memref<320000x144xf32, #tpu.memory_space<hbm>> -> memref<80x144xf32, #tpu.memory_space<hbm>>
        %dma_start3A_27 = arith.constant 0 : i32
        %dma_start3A_28 = tpu.memref_slice %arg6[%add3A_14, %dma_start3A_27] : memref<320000x144xf32, #tpu.memory_space<hbm>> -> memref<80x144xf32, #tpu.memory_space<hbm>>
        tpu.enqueue_dma source(%arg10 : memref<80x144xf32, #tpu.memory_space<vmem>>) target(%dma_start3A_28 : memref<80x144xf32, #tpu.memory_space<hbm>>) target_semaphore(%run_scoped3A : memref<!tpu.dma_semaphore, #tpu.memory_space<semaphore_mem>>)
        %dma_wait3A_29 = arith.constant 0 : i32
        %dma_wait3A_30 = tpu.memref_slice %arg6[%add3A_14, %dma_wait3A_29] : memref<320000x144xf32, #tpu.memory_space<hbm>> -> memref<80x144xf32, #tpu.memory_space<hbm>>
        %dma_wait3A_31 = arith.constant 0 : i32
        %dma_wait3A_32 = tpu.memref_slice %arg6[%add3A_14, %dma_wait3A_31] : memref<320000x144xf32, #tpu.memory_space<hbm>> -> memref<80x144xf32, #tpu.memory_space<hbm>>
        tpu.wait_dma2 semaphore(%run_scoped3A : memref<!tpu.dma_semaphore, #tpu.memory_space<semaphore_mem>>) src(%arg10 : memref<80x144xf32, #tpu.memory_space<vmem>>) dst(%dma_wait3A_32 : memref<80x144xf32, #tpu.memory_space<hbm>>)
        tpu.yield
      }) : () -> ()
      "tpu.region"() ({
        %run_scoped3A = tpu.sem_alloc : memref<!tpu.dma_semaphore, #tpu.memory_space<semaphore_mem>>
        %dma_start3A_25 = arith.constant 0 : i32
        %dma_start3A_26 = tpu.memref_slice %arg7[%add3A_14, %dma_start3A_25] : memref<320000x144xf32, #tpu.memory_space<hbm>> -> memref<80x144xf32, #tpu.memory_space<hbm>>
        %dma_start3A_27 = arith.constant 0 : i32
        %dma_start3A_28 = tpu.memref_slice %arg7[%add3A_14, %dma_start3A_27] : memref<320000x144xf32, #tpu.memory_space<hbm>> -> memref<80x144xf32, #tpu.memory_space<hbm>>
        tpu.enqueue_dma source(%arg11 : memref<80x144xf32, #tpu.memory_space<vmem>>) target(%dma_start3A_28 : memref<80x144xf32, #tpu.memory_space<hbm>>) target_semaphore(%run_scoped3A : memref<!tpu.dma_semaphore, #tpu.memory_space<semaphore_mem>>)
        %dma_wait3A_29 = arith.constant 0 : i32
        %dma_wait3A_30 = tpu.memref_slice %arg7[%add3A_14, %dma_wait3A_29] : memref<320000x144xf32, #tpu.memory_space<hbm>> -> memref<80x144xf32, #tpu.memory_space<hbm>>
        %dma_wait3A_31 = arith.constant 0 : i32
        %dma_wait3A_32 = tpu.memref_slice %arg7[%add3A_14, %dma_wait3A_31] : memref<320000x144xf32, #tpu.memory_space<hbm>> -> memref<80x144xf32, #tpu.memory_space<hbm>>
        tpu.wait_dma2 semaphore(%run_scoped3A : memref<!tpu.dma_semaphore, #tpu.memory_space<semaphore_mem>>) src(%arg11 : memref<80x144xf32, #tpu.memory_space<vmem>>) dst(%dma_wait3A_32 : memref<80x144xf32, #tpu.memory_space<hbm>>)
        tpu.yield
      }) : () -> ()
    }
    %scan3A_6 = arith.constant 125 : i32
    return
  }
}

#map = affine_map<(d0, d1) -> (0, 0)>
#map1 = affine_map<(d0, d1) -> (0)>
module attributes {stable_mosaic.version = 14 : i64} {
  func.func @k(%arg0: i32, %arg1: i32, %arg2: memref<10000x144xf32, #tpu.memory_space<hbm>>, %arg3: memref<10000x144xf32, #tpu.memory_space<hbm>>, %arg4: memref<320000xi32, #tpu.memory_space<hbm>>, %arg5: memref<320000xi32, #tpu.memory_space<hbm>>, %arg6: memref<320000x144xf32, #tpu.memory_space<hbm>>, %arg7: memref<320000x144xf32, #tpu.memory_space<hbm>>, %arg8: memref<80xi32, #tpu.memory_space<vmem>>, %arg9: memref<80xi32, #tpu.memory_space<vmem>>, %arg10: memref<80x144xf32, #tpu.memory_space<vmem>>, %arg11: memref<80x144xf32, #tpu.memory_space<vmem>>, %arg12: memref<!tpu.dma_semaphore, #tpu.memory_space<semaphore_mem>>, %arg13: memref<!tpu.dma_semaphore, #tpu.memory_space<semaphore_mem>>) attributes {dimension_semantics = [#tpu.dimension_semantics<core_parallel>, #tpu.dimension_semantics<subcore_parallel>], iteration_bounds = array<i64: 2, 16>, scalar_prefetch = 0 : i64, scratch_operands = 6 : i64, tpu.core_type = #tpu.core_type<sc_vector_subcore>, window_params = [{transform_indices = #map}, {transform_indices = #map}, {transform_indices = #map1}, {transform_indices = #map1}, {transform_indices = #map}, {transform_indices = #map}]} {
    %mul3A = arith.constant 2 : i32
    %mul3A_0 = arith.muli %arg1, %mul3A : i32
    %add3A = arith.addi %mul3A_0, %arg0 : i32
    %mul3A_1 = arith.constant 10000 : i32
    %mul3A_2 = arith.muli %add3A, %mul3A_1 : i32
    %scan3A = arith.constant 0 : i32
    %scan3A_3 = arith.constant 125 : i32
    %scan3A_4 = arith.addi %scan3A, %scan3A_3 : i32
    %scan3A_5 = arith.constant 1 : i32
    scf.for %scan3A_7 = %scan3A to %scan3A_4 step %scan3A_5  : i32 {
      %mul3A_8 = arith.constant 1 : i32
      %mul3A_9 = arith.muli %scan3A_7, %mul3A_8 : i32
      %add3A_10 = arith.constant 0 : i32
      %add3A_11 = arith.addi %add3A_10, %mul3A_9 : i32
      %mul3A_12 = arith.constant 80 : i32
      %mul3A_13 = arith.muli %add3A_11, %mul3A_12 : i32
      %add3A_14 = arith.addi %mul3A_2, %mul3A_13 : i32
      "tpu.region"() ({
        %run_scoped3A = tpu.sem_alloc : memref<!tpu.dma_semaphore, #tpu.memory_space<semaphore_mem>>
        %dma_start3A_25 = tpu.memref_slice %arg4[%add3A_14] : memref<320000xi32, #tpu.memory_space<hbm>> -> memref<80xi32, #tpu.memory_space<hbm>>
        %dma_start3A_26 = tpu.memref_slice %arg4[%add3A_14] : memref<320000xi32, #tpu.memory_space<hbm>> -> memref<80xi32, #tpu.memory_space<hbm>>
        tpu.enqueue_dma source(%dma_start3A_26 : memref<80xi32, #tpu.memory_space<hbm>>) target(%arg8 : memref<80xi32, #tpu.memory_space<vmem>>) target_semaphore(%run_scoped3A : memref<!tpu.dma_semaphore, #tpu.memory_space<semaphore_mem>>)
        %dma_wait3A_27 = tpu.memref_slice %arg4[%add3A_14] : memref<320000xi32, #tpu.memory_space<hbm>> -> memref<80xi32, #tpu.memory_space<hbm>>
        %dma_wait3A_28 = tpu.memref_slice %arg4[%add3A_14] : memref<320000xi32, #tpu.memory_space<hbm>> -> memref<80xi32, #tpu.memory_space<hbm>>
        tpu.wait_dma2 semaphore(%run_scoped3A : memref<!tpu.dma_semaphore, #tpu.memory_space<semaphore_mem>>) src(%dma_wait3A_28 : memref<80xi32, #tpu.memory_space<hbm>>) dst(%arg8 : memref<80xi32, #tpu.memory_space<vmem>>)
        tpu.yield
      }) : () -> ()
      "tpu.region"() ({
        %run_scoped3A = tpu.sem_alloc : memref<!tpu.dma_semaphore, #tpu.memory_space<semaphore_mem>>
        %dma_start3A_25 = tpu.memref_slice %arg5[%add3A_14] : memref<320000xi32, #tpu.memory_space<hbm>> -> memref<80xi32, #tpu.memory_space<hbm>>
        %dma_start3A_26 = tpu.memref_slice %arg5[%add3A_14] : memref<320000xi32, #tpu.memory_space<hbm>> -> memref<80xi32, #tpu.memory_space<hbm>>
        tpu.enqueue_dma source(%dma_start3A_26 : memref<80xi32, #tpu.memory_space<hbm>>) target(%arg9 : memref<80xi32, #tpu.memory_space<vmem>>) target_semaphore(%run_scoped3A : memref<!tpu.dma_semaphore, #tpu.memory_space<semaphore_mem>>)
        %dma_wait3A_27 = tpu.memref_slice %arg5[%add3A_14] : memref<320000xi32, #tpu.memory_space<hbm>> -> memref<80xi32, #tpu.memory_space<hbm>>
        %dma_wait3A_28 = tpu.memref_slice %arg5[%add3A_14] : memref<320000xi32, #tpu.memory_space<hbm>> -> memref<80xi32, #tpu.memory_space<hbm>>
        tpu.wait_dma2 semaphore(%run_scoped3A : memref<!tpu.dma_semaphore, #tpu.memory_space<semaphore_mem>>) src(%dma_wait3A_28 : memref<80xi32, #tpu.memory_space<hbm>>) dst(%arg9 : memref<80xi32, #tpu.memory_space<vmem>>)
        tpu.yield
      }) : () -> ()
      %dma_start3A = arith.constant 0 : i32
      %dma_start3A_15 = arith.constant 0 : i32
      %dma_start3A_16 = tpu.memref_slice %arg2[%dma_start3A, %dma_start3A_15] : memref<10000x144xf32, #tpu.memory_space<hbm>> -> memref<10000x144xf32, #tpu.memory_space<hbm>>
      tpu.enqueue_indirect_dma source(%dma_start3A_16 : memref<10000x144xf32, #tpu.memory_space<hbm>>) target(%arg10 : memref<80x144xf32, #tpu.memory_space<vmem>>) offsets(%arg8 : memref<80xi32, #tpu.memory_space<vmem>>) semaphore(%arg12 : memref<!tpu.dma_semaphore, #tpu.memory_space<semaphore_mem>>)
      %dma_start3A_17 = arith.constant 0 : i32
      %dma_start3A_18 = arith.constant 0 : i32
      %dma_start3A_19 = tpu.memref_slice %arg3[%dma_start3A_17, %dma_start3A_18] : memref<10000x144xf32, #tpu.memory_space<hbm>> -> memref<10000x144xf32, #tpu.memory_space<hbm>>
      tpu.enqueue_indirect_dma source(%dma_start3A_19 : memref<10000x144xf32, #tpu.memory_space<hbm>>) target(%arg11 : memref<80x144xf32, #tpu.memory_space<vmem>>) offsets(%arg9 : memref<80xi32, #tpu.memory_space<vmem>>) semaphore(%arg13 : memref<!tpu.dma_semaphore, #tpu.memory_space<semaphore_mem>>)
      %dma_wait3A = arith.constant 0 : i32
      %dma_wait3A_20 = arith.constant 0 : i32
      %dma_wait3A_21 = tpu.memref_slice %arg2[%dma_wait3A, %dma_wait3A_20] : memref<10000x144xf32, #tpu.memory_space<hbm>> -> memref<10000x144xf32, #tpu.memory_space<hbm>>
      tpu.wait_indirect_dma semaphore(%arg12 : memref<!tpu.dma_semaphore, #tpu.memory_space<semaphore_mem>>) src(%dma_wait3A_21 : memref<10000x144xf32, #tpu.memory_space<hbm>>) dst(%arg10 : memref<80x144xf32, #tpu.memory_space<vmem>>)
      %dma_wait3A_22 = arith.constant 0 : i32
      %dma_wait3A_23 = arith.constant 0 : i32
      %dma_wait3A_24 = tpu.memref_slice %arg3[%dma_wait3A_22, %dma_wait3A_23] : memref<10000x144xf32, #tpu.memory_space<hbm>> -> memref<10000x144xf32, #tpu.memory_space<hbm>>
      tpu.wait_indirect_dma semaphore(%arg13 : memref<!tpu.dma_semaphore, #tpu.memory_space<semaphore_mem>>) src(%dma_wait3A_24 : memref<10000x144xf32, #tpu.memory_space<hbm>>) dst(%arg11 : memref<80x144xf32, #tpu.memory_space<vmem>>)
      "tpu.region"() ({
        %run_scoped3A = tpu.sem_alloc : memref<!tpu.dma_semaphore, #tpu.memory_space<semaphore_mem>>
        %dma_start3A_25 = arith.constant 0 : i32
        %dma_start3A_26 = tpu.memref_slice %arg6[%add3A_14, %dma_start3A_25] : memref<320000x144xf32, #tpu.memory_space<hbm>> -> memref<80x144xf32, #tpu.memory_space<hbm>>
        %dma_start3A_27 = arith.constant 0 : i32
        %dma_start3A_28 = tpu.memref_slice %arg6[%add3A_14, %dma_start3A_27] : memref<320000x144xf32, #tpu.memory_space<hbm>> -> memref<80x144xf32, #tpu.memory_space<hbm>>
        tpu.enqueue_dma source(%arg10 : memref<80x144xf32, #tpu.memory_space<vmem>>) target(%dma_start3A_28 : memref<80x144xf32, #tpu.memory_space<hbm>>) target_semaphore(%run_scoped3A : memref<!tpu.dma_semaphore, #tpu.memory_space<semaphore_mem>>)
        %dma_wait3A_29 = arith.constant 0 : i32
        %dma_wait3A_30 = tpu.memref_slice %arg6[%add3A_14, %dma_wait3A_29] : memref<320000x144xf32, #tpu.memory_space<hbm>> -> memref<80x144xf32, #tpu.memory_space<hbm>>
        %dma_wait3A_31 = arith.constant 0 : i32
        %dma_wait3A_32 = tpu.memref_slice %arg6[%add3A_14, %dma_wait3A_31] : memref<320000x144xf32, #tpu.memory_space<hbm>> -> memref<80x144xf32, #tpu.memory_space<hbm>>
        tpu.wait_dma2 semaphore(%run_scoped3A : memref<!tpu.dma_semaphore, #tpu.memory_space<semaphore_mem>>) src(%arg10 : memref<80x144xf32, #tpu.memory_space<vmem>>) dst(%dma_wait3A_32 : memref<80x144xf32, #tpu.memory_space<hbm>>)
        tpu.yield
      }) : () -> ()
      "tpu.region"() ({
        %run_scoped3A = tpu.sem_alloc : memref<!tpu.dma_semaphore, #tpu.memory_space<semaphore_mem>>
        %dma_start3A_25 = arith.constant 0 : i32
        %dma_start3A_26 = tpu.memref_slice %arg7[%add3A_14, %dma_start3A_25] : memref<320000x144xf32, #tpu.memory_space<hbm>> -> memref<80x144xf32, #tpu.memory_space<hbm>>
        %dma_start3A_27 = arith.constant 0 : i32
        %dma_start3A_28 = tpu.memref_slice %arg7[%add3A_14, %dma_start3A_27] : memref<320000x144xf32, #tpu.memory_space<hbm>> -> memref<80x144xf32, #tpu.memory_space<hbm>>
        tpu.enqueue_dma source(%arg11 : memref<80x144xf32, #tpu.memory_space<vmem>>) target(%dma_start3A_28 : memref<80x144xf32, #tpu.memory_space<hbm>>) target_semaphore(%run_scoped3A : memref<!tpu.dma_semaphore, #tpu.memory_space<semaphore_mem>>)
        %dma_wait3A_29 = arith.constant 0 : i32
        %dma_wait3A_30 = tpu.memref_slice %arg7[%add3A_14, %dma_wait3A_29] : memref<320000x144xf32, #tpu.memory_space<hbm>> -> memref<80x144xf32, #tpu.memory_space<hbm>>
        %dma_wait3A_31 = arith.constant 0 : i32
        %dma_wait3A_32 = tpu.memref_slice %arg7[%add3A_14, %dma_wait3A_31] : memref<320000x144xf32, #tpu.memory_space<hbm>> -> memref<80x144xf32, #tpu.memory_space<hbm>>
        tpu.wait_dma2 semaphore(%run_scoped3A : memref<!tpu.dma_semaphore, #tpu.memory_space<semaphore_mem>>) src(%arg11 : memref<80x144xf32, #tpu.memory_space<vmem>>) dst(%dma_wait3A_32 : memref<80x144xf32, #tpu.memory_space<hbm>>)
        tpu.yield
      }) : () -> ()
    }
    %scan3A_6 = arith.constant 125 : i32
    return
  }
}

#map = affine_map<(d0, d1) -> (0, 0)>
#map1 = affine_map<(d0, d1) -> (0)>
#map2 = affine_map<(d0, d1) -> (0, 0, 0)>
module attributes {stable_mosaic.version = 14 : i64} {
  func.func @k(%arg0: i32, %arg1: i32, %arg2: memref<320000x144xf32, #tpu.memory_space<hbm>>, %arg3: memref<320000xi32, #tpu.memory_space<hbm>>, %arg4: memref<625x144xf32, #tpu.memory_space<hbm>>, %arg5: memref<2x10000x144xf32, #tpu.memory_space<hbm>>, %arg6: memref<80xi32, #tpu.memory_space<vmem>>, %arg7: memref<80x144xf32, #tpu.memory_space<vmem>>, %arg8: memref<10000x144xf32, #tpu.memory_space<vmem_shared>>) attributes {dimension_semantics = [#tpu.dimension_semantics<core_parallel>, #tpu.dimension_semantics<subcore_parallel>], iteration_bounds = array<i64: 2, 16>, scalar_prefetch = 0 : i64, scratch_operands = 3 : i64, tpu.core_type = #tpu.core_type<sc_vector_subcore>, window_params = [{transform_indices = #map}, {transform_indices = #map1}, {transform_indices = #map}, {transform_indices = #map2}]} {
    %mul3A = arith.constant 625 : i32
    %mul3A_0 = arith.muli %arg1, %mul3A : i32
    "tpu.region"() ({
      %run_scoped3A = tpu.sem_alloc : memref<!tpu.dma_semaphore, #tpu.memory_space<semaphore_mem>>
      %dma_start3A = arith.constant 0 : i32
      %dma_start3A_14 = tpu.memref_slice %arg8[%mul3A_0, %dma_start3A] : memref<10000x144xf32, #tpu.memory_space<vmem_shared>> -> memref<625x144xf32, #tpu.memory_space<vmem_shared>>
      tpu.enqueue_dma source(%arg4 : memref<625x144xf32, #tpu.memory_space<hbm>>) target(%dma_start3A_14 : memref<625x144xf32, #tpu.memory_space<vmem_shared>>) target_semaphore(%run_scoped3A : memref<!tpu.dma_semaphore, #tpu.memory_space<semaphore_mem>>)
      %dma_wait3A = arith.constant 0 : i32
      %dma_wait3A_15 = tpu.memref_slice %arg8[%mul3A_0, %dma_wait3A] : memref<10000x144xf32, #tpu.memory_space<vmem_shared>> -> memref<625x144xf32, #tpu.memory_space<vmem_shared>>
      tpu.wait_dma2 semaphore(%run_scoped3A : memref<!tpu.dma_semaphore, #tpu.memory_space<semaphore_mem>>) src(%arg4 : memref<625x144xf32, #tpu.memory_space<hbm>>) dst(%dma_wait3A_15 : memref<625x144xf32, #tpu.memory_space<vmem_shared>>)
      tpu.yield
    }) : () -> ()
    %barrier3A = arith.constant 0 : index
    tpu.barrier barrier_id(%barrier3A)
    %mul3A_1 = arith.constant 2 : i32
    %mul3A_2 = arith.muli %arg1, %mul3A_1 : i32
    %add3A = arith.addi %mul3A_2, %arg0 : i32
    %mul3A_3 = arith.constant 10000 : i32
    %mul3A_4 = arith.muli %add3A, %mul3A_3 : i32
    %scan3A = arith.constant 0 : i32
    %scan3A_5 = arith.constant 125 : i32
    %scan3A_6 = arith.addi %scan3A, %scan3A_5 : i32
    %scan3A_7 = arith.constant 1 : i32
    scf.for %scan3A_14 = %scan3A to %scan3A_6 step %scan3A_7  : i32 {
      %mul3A_15 = arith.constant 1 : i32
      %mul3A_16 = arith.muli %scan3A_14, %mul3A_15 : i32
      %add3A_17 = arith.constant 0 : i32
      %add3A_18 = arith.addi %add3A_17, %mul3A_16 : i32
      %mul3A_19 = arith.constant 80 : i32
      %mul3A_20 = arith.muli %add3A_18, %mul3A_19 : i32
      %add3A_21 = arith.addi %mul3A_4, %mul3A_20 : i32
      "tpu.region"() ({
        %run_scoped3A = tpu.sem_alloc : memref<!tpu.dma_semaphore, #tpu.memory_space<semaphore_mem>>
        %dma_start3A = tpu.memref_slice %arg3[%add3A_21] : memref<320000xi32, #tpu.memory_space<hbm>> -> memref<80xi32, #tpu.memory_space<hbm>>
        %dma_start3A_22 = tpu.memref_slice %arg3[%add3A_21] : memref<320000xi32, #tpu.memory_space<hbm>> -> memref<80xi32, #tpu.memory_space<hbm>>
        tpu.enqueue_dma source(%dma_start3A_22 : memref<80xi32, #tpu.memory_space<hbm>>) target(%arg6 : memref<80xi32, #tpu.memory_space<vmem>>) target_semaphore(%run_scoped3A : memref<!tpu.dma_semaphore, #tpu.memory_space<semaphore_mem>>)
        %dma_wait3A = tpu.memref_slice %arg3[%add3A_21] : memref<320000xi32, #tpu.memory_space<hbm>> -> memref<80xi32, #tpu.memory_space<hbm>>
        %dma_wait3A_23 = tpu.memref_slice %arg3[%add3A_21] : memref<320000xi32, #tpu.memory_space<hbm>> -> memref<80xi32, #tpu.memory_space<hbm>>
        tpu.wait_dma2 semaphore(%run_scoped3A : memref<!tpu.dma_semaphore, #tpu.memory_space<semaphore_mem>>) src(%dma_wait3A_23 : memref<80xi32, #tpu.memory_space<hbm>>) dst(%arg6 : memref<80xi32, #tpu.memory_space<vmem>>)
        tpu.yield
      }) : () -> ()
      "tpu.region"() ({
        %run_scoped3A = tpu.sem_alloc : memref<!tpu.dma_semaphore, #tpu.memory_space<semaphore_mem>>
        %dma_start3A = arith.constant 0 : i32
        %dma_start3A_22 = tpu.memref_slice %arg2[%add3A_21, %dma_start3A] : memref<320000x144xf32, #tpu.memory_space<hbm>> -> memref<80x144xf32, #tpu.memory_space<hbm>>
        %dma_start3A_23 = arith.constant 0 : i32
        %dma_start3A_24 = tpu.memref_slice %arg2[%add3A_21, %dma_start3A_23] : memref<320000x144xf32, #tpu.memory_space<hbm>> -> memref<80x144xf32, #tpu.memory_space<hbm>>
        tpu.enqueue_dma source(%dma_start3A_24 : memref<80x144xf32, #tpu.memory_space<hbm>>) target(%arg7 : memref<80x144xf32, #tpu.memory_space<vmem>>) target_semaphore(%run_scoped3A : memref<!tpu.dma_semaphore, #tpu.memory_space<semaphore_mem>>)
        %dma_wait3A = arith.constant 0 : i32
        %dma_wait3A_25 = tpu.memref_slice %arg2[%add3A_21, %dma_wait3A] : memref<320000x144xf32, #tpu.memory_space<hbm>> -> memref<80x144xf32, #tpu.memory_space<hbm>>
        %dma_wait3A_26 = arith.constant 0 : i32
        %dma_wait3A_27 = tpu.memref_slice %arg2[%add3A_21, %dma_wait3A_26] : memref<320000x144xf32, #tpu.memory_space<hbm>> -> memref<80x144xf32, #tpu.memory_space<hbm>>
        tpu.wait_dma2 semaphore(%run_scoped3A : memref<!tpu.dma_semaphore, #tpu.memory_space<semaphore_mem>>) src(%dma_wait3A_27 : memref<80x144xf32, #tpu.memory_space<hbm>>) dst(%arg7 : memref<80x144xf32, #tpu.memory_space<vmem>>)
        tpu.yield
      }) : () -> ()
      "tpu.region"() ({
        %run_scoped3A = tpu.sem_alloc : memref<!tpu.dma_semaphore, #tpu.memory_space<semaphore_mem>>
        %dma_start3A = arith.constant 0 : i32
        %dma_start3A_22 = arith.constant 0 : i32
        %dma_start3A_23 = tpu.memref_slice %arg8[%dma_start3A, %dma_start3A_22] : memref<10000x144xf32, #tpu.memory_space<vmem_shared>> -> memref<10000x144xf32, #tpu.memory_space<vmem_shared>>
        tpu.enqueue_indirect_dma source(%arg7 : memref<80x144xf32, #tpu.memory_space<vmem>>) target(%dma_start3A_23 : memref<10000x144xf32, #tpu.memory_space<vmem_shared>>) offsets(%arg6 : memref<80xi32, #tpu.memory_space<vmem>>) semaphore(%run_scoped3A : memref<!tpu.dma_semaphore, #tpu.memory_space<semaphore_mem>>) {add = true}
        %dma_wait3A = arith.constant 0 : i32
        %dma_wait3A_24 = arith.constant 0 : i32
        %dma_wait3A_25 = tpu.memref_slice %arg8[%dma_wait3A, %dma_wait3A_24] : memref<10000x144xf32, #tpu.memory_space<vmem_shared>> -> memref<10000x144xf32, #tpu.memory_space<vmem_shared>>
        tpu.wait_indirect_dma semaphore(%run_scoped3A : memref<!tpu.dma_semaphore, #tpu.memory_space<semaphore_mem>>) src(%arg7 : memref<80x144xf32, #tpu.memory_space<vmem>>) dst(%dma_wait3A_25 : memref<10000x144xf32, #tpu.memory_space<vmem_shared>>)
        tpu.yield
      }) : () -> ()
    }
    %scan3A_8 = arith.constant 125 : i32
    %barrier3A_9 = arith.constant 0 : index
    tpu.barrier barrier_id(%barrier3A_9)
    %mul3A_10 = arith.constant 625 : i32
    %mul3A_11 = arith.muli %arg1, %mul3A_10 : i32
    %mul3A_12 = arith.constant 625 : i32
    %mul3A_13 = arith.muli %arg1, %mul3A_12 : i32
    "tpu.region"() ({
      %run_scoped3A = tpu.sem_alloc : memref<!tpu.dma_semaphore, #tpu.memory_space<semaphore_mem>>
      %dma_start3A = arith.constant 0 : i32
      %dma_start3A_14 = tpu.memref_slice %arg5[%arg0, %mul3A_13, %dma_start3A] : memref<2x10000x144xf32, #tpu.memory_space<hbm>> -> memref<1x625x144xf32, #tpu.memory_space<hbm>>
      %dma_start3A_15 = tpu.memref_squeeze %dma_start3A_14 : memref<1x625x144xf32, #tpu.memory_space<hbm>> -> memref<625x144xf32, #tpu.memory_space<hbm>>
      %dma_start3A_16 = arith.constant 0 : i32
      %dma_start3A_17 = tpu.memref_slice %arg8[%mul3A_11, %dma_start3A_16] : memref<10000x144xf32, #tpu.memory_space<vmem_shared>> -> memref<625x144xf32, #tpu.memory_space<vmem_shared>>
      tpu.enqueue_dma source(%dma_start3A_17 : memref<625x144xf32, #tpu.memory_space<vmem_shared>>) target(%dma_start3A_15 : memref<625x144xf32, #tpu.memory_space<hbm>>) target_semaphore(%run_scoped3A : memref<!tpu.dma_semaphore, #tpu.memory_space<semaphore_mem>>)
      %dma_wait3A = arith.constant 0 : i32
      %dma_wait3A_18 = tpu.memref_slice %arg5[%arg0, %mul3A_13, %dma_wait3A] : memref<2x10000x144xf32, #tpu.memory_space<hbm>> -> memref<1x625x144xf32, #tpu.memory_space<hbm>>
      %dma_wait3A_19 = tpu.memref_squeeze %dma_wait3A_18 : memref<1x625x144xf32, #tpu.memory_space<hbm>> -> memref<625x144xf32, #tpu.memory_space<hbm>>
      %dma_wait3A_20 = arith.constant 0 : i32
      %dma_wait3A_21 = tpu.memref_slice %arg8[%mul3A_11, %dma_wait3A_20] : memref<10000x144xf32, #tpu.memory_space<vmem_shared>> -> memref<625x144xf32, #tpu.memory_space<vmem_shared>>
      tpu.wait_dma2 semaphore(%run_scoped3A : memref<!tpu.dma_semaphore, #tpu.memory_space<semaphore_mem>>) src(%dma_wait3A_21 : memref<625x144xf32, #tpu.memory_space<vmem_shared>>) dst(%dma_wait3A_19 : memref<625x144xf32, #tpu.memory_space<hbm>>)
      tpu.yield
    }) : () -> ()
    return
  }
}

module attributes {stable_mosaic.version = 14 : i64} {
  func.func @body(%arg0: i32, %arg1: memref<2000x1xi32, #tpu.memory_space<vmem>>, %arg2: memref<2000x3xf32, #tpu.memory_space<vmem>>, %arg3: memref<16x128xf32, #tpu.memory_space<vmem>>, %arg4: memref<128x128xf32, #tpu.memory_space<vmem>>, %arg5: memref<128x128xf32, #tpu.memory_space<vmem>>, %arg6: memref<2000x128xf32, #tpu.memory_space<vmem>>, %arg7: memref<2000x144xf32, #tpu.memory_space<vmem>>, %arg8: memref<2000x144xf32, #tpu.memory_space<vmem>>, %arg9: memref<8x128xf32, #tpu.memory_space<vmem>>) attributes {dimension_semantics = [#tpu.dimension_semantics<arbitrary>], iteration_bounds = array<i64: 5>, scalar_prefetch = 0 : i64, scratch_operands = 0 : i64, tpu.core_type = #tpu.core_type<tc>, window_params = [{transform_indices = @transform_0, window_bounds = array<i64: 2000, 1>}, {transform_indices = @transform_1, window_bounds = array<i64: 2000, 3>}, {pipeline_mode = #tpu.pipeline_mode<synchronous>, transform_indices = @transform_2, window_bounds = array<i64: 16, 128>}, {pipeline_mode = #tpu.pipeline_mode<synchronous>, transform_indices = @transform_3, window_bounds = array<i64: 128, 128>}, {pipeline_mode = #tpu.pipeline_mode<synchronous>, transform_indices = @transform_4, window_bounds = array<i64: 128, 128>}, {transform_indices = @transform_5, window_bounds = array<i64: 2000, 128>}, {transform_indices = @transform_6, window_bounds = array<i64: 2000, 144>}, {transform_indices = @transform_7, window_bounds = array<i64: 2000, 144>}, {pipeline_mode = #tpu.pipeline_mode<synchronous>, transform_indices = @transform_8, window_bounds = array<i64: 8, 128>}]} {
    %get3A = arith.constant 0 : index
    %get3A_0 = arith.constant 0 : index
    %get3A_1 = vector.load %arg1[%get3A, %get3A_0] : memref<2000x1xi32, #tpu.memory_space<vmem>>, vector<2000x1xi32>
    %iota3A = tpu.iota {dimensions = array<i32: 1>} : vector<1x16xi32>
    %eq3A = vector.broadcast %get3A_1 : vector<2000x1xi32> to vector<2000x16xi32>
    %eq3A_2 = vector.broadcast %iota3A : vector<1x16xi32> to vector<2000x16xi32>
    %eq3A_3 = arith.cmpi eq, %eq3A, %eq3A_2 : vector<2000x16xi32>
    %convert_element_type3A = arith.extui %eq3A_3 : vector<2000x16xi1> to vector<2000x16xi32>
    %convert_element_type3A_4 = arith.sitofp %convert_element_type3A : vector<2000x16xi32> to vector<2000x16xf32>
    %get3A_5 = arith.constant 0 : index
    %get3A_6 = arith.constant 0 : index
    %get3A_7 = vector.load %arg3[%get3A_5, %get3A_6] : memref<16x128xf32, #tpu.memory_space<vmem>>, vector<16x128xf32>
    %dot_general3A = arith.constant dense<0.000000e+00> : vector<2000x128xf32>
    %dot_general3A_8 = tpu.matmul %convert_element_type3A_4, %get3A_7, %dot_general3A {dimension_numbers = #tpu.dot_dimension_numbers<[1], [0], [0], [1], [0, 0, 1, 1], [], []>, transpose_lhs_hint = false} : vector<2000x16xf32>, vector<16x128xf32>, vector<2000x128xf32> -> vector<2000x128xf32>
    %swap3A = arith.constant 0 : index
    %swap3A_9 = arith.constant 0 : index
    %swap3A_10 = vector.load %arg6[%swap3A, %swap3A_9] : memref<2000x128xf32, #tpu.memory_space<vmem>>, vector<2000x128xf32>
    tpu.vector_store %arg6[%swap3A, %swap3A_9], %dot_general3A_8 {strides = array<i32>} : memref<2000x128xf32, #tpu.memory_space<vmem>>, vector<2000x128xf32>,
    %get3A_11 = arith.constant 0 : index
    %get3A_12 = arith.constant 0 : index
    %get3A_13 = vector.load %arg2[%get3A_11, %get3A_12] : memref<2000x3xf32, #tpu.memory_space<vmem>>, vector<2000x3xf32>
    %broadcast_in_dim3A = arith.constant 0.000000e+00 : f32
    %broadcast_in_dim3A_14 = vector.broadcast %broadcast_in_dim3A : f32 to vector<2000x13xf32>
    %get3A_15 = arith.constant 0 : index
    %get3A_16 = arith.constant 0 : index
    %get3A_17 = vector.load %arg4[%get3A_15, %get3A_16] : memref<128x128xf32, #tpu.memory_space<vmem>>, vector<128x128xf32>
    %dot_general3A_18 = arith.constant dense<0.000000e+00> : vector<2000x128xf32>
    %dot_general3A_19 = tpu.matmul %dot_general3A_8, %get3A_17, %dot_general3A_18 {dimension_numbers = #tpu.dot_dimension_numbers<[1], [0], [0], [1], [0, 0, 1, 1], [], []>, transpose_lhs_hint = false} : vector<2000x128xf32>, vector<128x128xf32>, vector<2000x128xf32> -> vector<2000x128xf32>
    %concatenate3A = tpu.concatenate %dot_general3A_19, %get3A_13, %broadcast_in_dim3A_14 in 1 : vector<2000x128xf32>, vector<2000x3xf32>, vector<2000x13xf32> -> vector<2000x144xf32>
    %swap3A_20 = arith.constant 0 : index
    %swap3A_21 = arith.constant 0 : index
    %swap3A_22 = vector.load %arg7[%swap3A_20, %swap3A_21] : memref<2000x144xf32, #tpu.memory_space<vmem>>, vector<2000x144xf32>
    tpu.vector_store %arg7[%swap3A_20, %swap3A_21], %concatenate3A {strides = array<i32>} : memref<2000x144xf32, #tpu.memory_space<vmem>>, vector<2000x144xf32>,
    %get3A_23 = arith.constant 0 : index
    %get3A_24 = arith.constant 0 : index
    %get3A_25 = vector.load %arg5[%get3A_23, %get3A_24] : memref<128x128xf32, #tpu.memory_space<vmem>>, vector<128x128xf32>
    %dot_general3A_26 = arith.constant dense<0.000000e+00> : vector<2000x128xf32>
    %dot_general3A_27 = tpu.matmul %dot_general3A_8, %get3A_25, %dot_general3A_26 {dimension_numbers = #tpu.dot_dimension_numbers<[1], [0], [0], [1], [0, 0, 1, 1], [], []>, transpose_lhs_hint = false} : vector<2000x128xf32>, vector<128x128xf32>, vector<2000x128xf32> -> vector<2000x128xf32>
    %concatenate3A_28 = tpu.concatenate %dot_general3A_27, %get3A_13, %broadcast_in_dim3A_14 in 1 : vector<2000x128xf32>, vector<2000x3xf32>, vector<2000x13xf32> -> vector<2000x144xf32>
    %swap3A_29 = arith.constant 0 : index
    %swap3A_30 = arith.constant 0 : index
    %swap3A_31 = vector.load %arg8[%swap3A_29, %swap3A_30] : memref<2000x144xf32, #tpu.memory_space<vmem>>, vector<2000x144xf32>
    tpu.vector_store %arg8[%swap3A_29, %swap3A_30], %concatenate3A_28 {strides = array<i32>} : memref<2000x144xf32, #tpu.memory_space<vmem>>, vector<2000x144xf32>,
    %broadcast_in_dim3A_32 = arith.constant 0.000000e+00 : f32
    %broadcast_in_dim3A_33 = vector.broadcast %broadcast_in_dim3A_32 : f32 to vector<2000x125xf32>
    %concatenate3A_34 = tpu.concatenate %get3A_13, %broadcast_in_dim3A_33 in 1 : vector<2000x3xf32>, vector<2000x125xf32> -> vector<2000x128xf32>
    %reduce_sum3A = arith.constant dense<0.000000e+00> : vector<128xf32>
    %reduce_sum3A_35 = vector.multi_reduction <add>, %concatenate3A_34, %reduce_sum3A [0] : vector<2000x128xf32> to vector<128xf32>
    %broadcast_in_dim3A_36 = vector.shape_cast %reduce_sum3A_35 : vector<128xf32> to vector<1x128xf32>
    %broadcast_in_dim3A_37 = vector.shape_cast %broadcast_in_dim3A_36 : vector<1x128xf32> to vector<1x128xf32>
    %broadcast_in_dim3A_38 = vector.broadcast %broadcast_in_dim3A_37 : vector<1x128xf32> to vector<8x128xf32>
    %eq3A_39 = arith.constant 0 : i32
    %eq3A_40 = arith.cmpi eq, %arg0, %eq3A_39 : i32
    %convert_element_type3A_41 = arith.extui %eq3A_40 : i1 to i32
    %cond3A = arith.constant 0 : i32
    %cond3A_42 = arith.cmpi ne, %convert_element_type3A_41, %cond3A : i32
    scf.if %cond3A_42 {
      %broadcast_in_dim3A_49 = arith.constant 0.000000e+00 : f32
      %broadcast_in_dim3A_50 = vector.broadcast %broadcast_in_dim3A_49 : f32 to vector<8x128xf32>
      %swap3A_51 = arith.constant 0 : index
      %swap3A_52 = arith.constant 0 : index
      %swap3A_53 = vector.load %arg9[%swap3A_51, %swap3A_52] : memref<8x128xf32, #tpu.memory_space<vmem>>, vector<8x128xf32>
      tpu.vector_store %arg9[%swap3A_51, %swap3A_52], %broadcast_in_dim3A_50 {strides = array<i32>} : memref<8x128xf32, #tpu.memory_space<vmem>>, vector<8x128xf32>,
    } else {
    }
    %get3A_43 = arith.constant 0 : index
    %get3A_44 = arith.constant 0 : index
    %get3A_45 = vector.load %arg9[%get3A_43, %get3A_44] : memref<8x128xf32, #tpu.memory_space<vmem>>, vector<8x128xf32>
    %add3A = arith.addf %get3A_45, %broadcast_in_dim3A_38 : vector<8x128xf32>
    %swap3A_46 = arith.constant 0 : index
    %swap3A_47 = arith.constant 0 : index
    %swap3A_48 = vector.load %arg9[%swap3A_46, %swap3A_47] : memref<8x128xf32, #tpu.memory_space<vmem>>, vector<8x128xf32>
    tpu.vector_store %arg9[%swap3A_46, %swap3A_47], %add3A {strides = array<i32>} : memref<8x128xf32, #tpu.memory_space<vmem>>, vector<8x128xf32>,
    return
  }
  func.func @transform_0(%arg0: i32) -> (i32, i32) {
    %c0_i32 = arith.constant 0 : i32
    %c0_i32_0 = arith.constant 0 : i32
    return %arg0, %c0_i32 : i32, i32
  }
  func.func @transform_1(%arg0: i32) -> (i32, i32) {
    %c0_i32 = arith.constant 0 : i32
    %c0_i32_0 = arith.constant 0 : i32
    return %arg0, %c0_i32 : i32, i32
  }
  func.func @transform_2(%arg0: i32) -> (i32, i32) {
    %c0_i32 = arith.constant 0 : i32
    %c0_i32_0 = arith.constant 0 : i32
    %c0_i32_1 = arith.constant 0 : i32
    return %c0_i32, %c0_i32_0 : i32, i32
  }
  func.func @transform_3(%arg0: i32) -> (i32, i32) {
    %c0_i32 = arith.constant 0 : i32
    %c0_i32_0 = arith.constant 0 : i32
    %c0_i32_1 = arith.constant 0 : i32
    return %c0_i32, %c0_i32_0 : i32, i32
  }
  func.func @transform_4(%arg0: i32) -> (i32, i32) {
    %c0_i32 = arith.constant 0 : i32
    %c0_i32_0 = arith.constant 0 : i32
    %c0_i32_1 = arith.constant 0 : i32
    return %c0_i32, %c0_i32_0 : i32, i32
  }
  func.func @transform_5(%arg0: i32) -> (i32, i32) {
    %c0_i32 = arith.constant 0 : i32
    %c0_i32_0 = arith.constant 0 : i32
    return %arg0, %c0_i32 : i32, i32
  }
  func.func @transform_6(%arg0: i32) -> (i32, i32) {
    %c0_i32 = arith.constant 0 : i32
    %c0_i32_0 = arith.constant 0 : i32
    return %arg0, %c0_i32 : i32, i32
  }
  func.func @transform_7(%arg0: i32) -> (i32, i32) {
    %c0_i32 = arith.constant 0 : i32
    %c0_i32_0 = arith.constant 0 : i32
    return %arg0, %c0_i32 : i32, i32
  }
  func.func @transform_8(%arg0: i32) -> (i32, i32) {
    %c0_i32 = arith.constant 0 : i32
    %c0_i32_0 = arith.constant 0 : i32
    %c0_i32_1 = arith.constant 0 : i32
    return %c0_i32, %c0_i32_0 : i32, i32
  }
}

module attributes {stable_mosaic.version = 14 : i64} {
  func.func @body(%arg0: i32, %arg1: memref<2000x144xf32, #tpu.memory_space<vmem>>, %arg2: memref<2000x144xf32, #tpu.memory_space<vmem>>, %arg3: memref<8x128xf32, #tpu.memory_space<vmem>>, %arg4: memref<2000x16xf32, #tpu.memory_space<vmem>>) attributes {dimension_semantics = [#tpu.dimension_semantics<arbitrary>], iteration_bounds = array<i64: 160>, scalar_prefetch = 0 : i64, scratch_operands = 0 : i64, tpu.core_type = #tpu.core_type<tc>, window_params = [{transform_indices = @transform_0, window_bounds = array<i64: 2000, 144>}, {transform_indices = @transform_1, window_bounds = array<i64: 2000, 144>}, {pipeline_mode = #tpu.pipeline_mode<synchronous>, transform_indices = @transform_2, window_bounds = array<i64: 8, 128>}, {transform_indices = @transform_3, window_bounds = array<i64: 2000, 16>}]} {
    %get3A = arith.constant 0 : index
    %get3A_0 = arith.constant 0 : index
    %get3A_1 = vector.load %arg1[%get3A, %get3A_0] : memref<2000x144xf32, #tpu.memory_space<vmem>>, vector<2000x128xf32>
    %get3A_2 = arith.constant 0 : index
    %get3A_3 = arith.constant 0 : index
    %get3A_4 = vector.load %arg2[%get3A_2, %get3A_3] : memref<2000x144xf32, #tpu.memory_space<vmem>>, vector<2000x128xf32>
    %get3A_5 = arith.constant 0 : index
    %get3A_6 = arith.constant 128 : index
    %get3A_7 = vector.load %arg1[%get3A_5, %get3A_6] : memref<2000x144xf32, #tpu.memory_space<vmem>>, vector<2000x3xf32>
    %get3A_8 = arith.constant 0 : index
    %get3A_9 = arith.constant 128 : index
    %get3A_10 = vector.load %arg2[%get3A_8, %get3A_9] : memref<2000x144xf32, #tpu.memory_space<vmem>>, vector<2000x3xf32>
    %sub3A = arith.subf %get3A_7, %get3A_10 : vector<2000x3xf32>
    %mul3A = arith.mulf %sub3A, %sub3A : vector<2000x3xf32>
    %reduce_sum3A = arith.constant dense<0.000000e+00> : vector<2000xf32>
    %reduce_sum3A_11 = vector.multi_reduction <add>, %mul3A, %reduce_sum3A [1] : vector<2000x3xf32> to vector<2000xf32>
    %broadcast_in_dim3A = vector.shape_cast %reduce_sum3A_11 : vector<2000xf32> to vector<2000x1xf32>
    %sqrt3A = math.sqrt %broadcast_in_dim3A : vector<2000x1xf32>
    %add3A = arith.addf %get3A_1, %get3A_4 : vector<2000x128xf32>
    %get3A_12 = arith.constant 0 : index
    %get3A_13 = arith.constant 0 : index
    %get3A_14 = vector.load %arg3[%get3A_12, %get3A_13] : memref<8x128xf32, #tpu.memory_space<vmem>>, vector<1x128xf32>
    %mul3A_15 = vector.broadcast %sqrt3A : vector<2000x1xf32> to vector<2000x128xf32>
    %mul3A_16 = vector.broadcast %get3A_14 : vector<1x128xf32> to vector<2000x128xf32>
    %mul3A_17 = arith.mulf %mul3A_15, %mul3A_16 : vector<2000x128xf32>
    %add3A_18 = arith.addf %add3A, %mul3A_17 : vector<2000x128xf32>
    %get3A_19 = arith.constant 1 : index
    %get3A_20 = arith.constant 0 : index
    %get3A_21 = vector.load %arg3[%get3A_19, %get3A_20] : memref<8x128xf32, #tpu.memory_space<vmem>>, vector<1x128xf32>
    %add3A_22 = vector.broadcast %get3A_21 : vector<1x128xf32> to vector<2000x128xf32>
    %add3A_23 = arith.addf %add3A_18, %add3A_22 : vector<2000x128xf32>
    %logistic3A = arith.negf %add3A_23 : vector<2000x128xf32>
    %logistic3A_24 = math.exp %logistic3A : vector<2000x128xf32>
    %logistic3A_25 = arith.constant 1.000000e+00 : f32
    %logistic3A_26 = vector.broadcast %logistic3A_25 : f32 to vector<2000x128xf32>
    %logistic3A_27 = arith.addf %logistic3A_26, %logistic3A_24 : vector<2000x128xf32>
    %logistic3A_28 = arith.divf %logistic3A_26, %logistic3A_27 : vector<2000x128xf32>
    %mul3A_29 = arith.mulf %add3A_23, %logistic3A_28 : vector<2000x128xf32>
    %get3A_30 = arith.constant 2 : index
    %get3A_31 = arith.constant 0 : index
    %get3A_32 = vector.load %arg3[%get3A_30, %get3A_31] : memref<8x128xf32, #tpu.memory_space<vmem>>, vector<1x128xf32>
    %mul3A_33 = vector.broadcast %get3A_32 : vector<1x128xf32> to vector<2000x128xf32>
    %mul3A_34 = arith.mulf %mul3A_29, %mul3A_33 : vector<2000x128xf32>
    %reduce_sum3A_35 = arith.constant dense<0.000000e+00> : vector<2000xf32>
    %reduce_sum3A_36 = vector.multi_reduction <add>, %mul3A_34, %reduce_sum3A_35 [1] : vector<2000x128xf32> to vector<2000xf32>
    %broadcast_in_dim3A_37 = vector.shape_cast %reduce_sum3A_36 : vector<2000xf32> to vector<2000x1xf32>
    %get3A_38 = arith.constant 3 : index
    %get3A_39 = arith.constant 0 : index
    %get3A_40 = vector.load %arg3[%get3A_38, %get3A_39] : memref<8x128xf32, #tpu.memory_space<vmem>>, vector<1x1xf32>
    %add3A_41 = vector.broadcast %get3A_40 : vector<1x1xf32> to vector<2000x1xf32>
    %add3A_42 = arith.addf %broadcast_in_dim3A_37, %add3A_41 : vector<2000x1xf32>
    %max3A = arith.constant 9.99999996E-13 : f32
    %max3A_43 = vector.broadcast %max3A : f32 to vector<2000x1xf32>
    %max3A_44 = arith.maximumf %sqrt3A, %max3A_43 : vector<2000x1xf32>
    %div3A = vector.broadcast %max3A_44 : vector<2000x1xf32> to vector<2000x3xf32>
    %div3A_45 = arith.divf %sub3A, %div3A : vector<2000x3xf32>
    %slice3A = vector.extract_strided_slice %div3A_45 {offsets = [0, 0], sizes = [2000, 1], strides = [1, 1]} : vector<2000x3xf32> to vector<2000x1xf32>
    %slice3A_46 = vector.extract_strided_slice %div3A_45 {offsets = [0, 1], sizes = [2000, 1], strides = [1, 1]} : vector<2000x3xf32> to vector<2000x1xf32>
    %slice3A_47 = vector.extract_strided_slice %div3A_45 {offsets = [0, 2], sizes = [2000, 1], strides = [1, 1]} : vector<2000x3xf32> to vector<2000x1xf32>
    %mul3A_48 = arith.constant 1.73205078 : f32
    %mul3A_49 = vector.broadcast %mul3A_48 : f32 to vector<2000x1xf32>
    %mul3A_50 = arith.mulf %mul3A_49, %slice3A : vector<2000x1xf32>
    %mul3A_51 = arith.mulf %mul3A_50, %slice3A_47 : vector<2000x1xf32>
    %mul3A_52 = arith.constant 1.73205078 : f32
    %mul3A_53 = vector.broadcast %mul3A_52 : f32 to vector<2000x1xf32>
    %mul3A_54 = arith.mulf %mul3A_53, %slice3A : vector<2000x1xf32>
    %mul3A_55 = arith.mulf %mul3A_54, %slice3A_46 : vector<2000x1xf32>
    %mul3A_56 = arith.mulf %slice3A_46, %slice3A_46 : vector<2000x1xf32>
    %mul3A_57 = arith.mulf %slice3A, %slice3A : vector<2000x1xf32>
    %mul3A_58 = arith.mulf %slice3A_47, %slice3A_47 : vector<2000x1xf32>
    %add3A_59 = arith.addf %mul3A_57, %mul3A_58 : vector<2000x1xf32>
    %mul3A_60 = arith.constant 5.000000e-01 : f32
    %mul3A_61 = vector.broadcast %mul3A_60 : f32 to vector<2000x1xf32>
    %mul3A_62 = arith.mulf %mul3A_61, %add3A_59 : vector<2000x1xf32>
    %sub3A_63 = arith.subf %mul3A_56, %mul3A_62 : vector<2000x1xf32>
    %mul3A_64 = arith.constant 1.73205078 : f32
    %mul3A_65 = vector.broadcast %mul3A_64 : f32 to vector<2000x1xf32>
    %mul3A_66 = arith.mulf %mul3A_65, %slice3A_46 : vector<2000x1xf32>
    %mul3A_67 = arith.mulf %mul3A_66, %slice3A_47 : vector<2000x1xf32>
    %mul3A_68 = arith.mulf %slice3A_47, %slice3A_47 : vector<2000x1xf32>
    %mul3A_69 = arith.mulf %slice3A, %slice3A : vector<2000x1xf32>
    %sub3A_70 = arith.subf %mul3A_68, %mul3A_69 : vector<2000x1xf32>
    %mul3A_71 = arith.constant 0.866025388 : f32
    %mul3A_72 = vector.broadcast %mul3A_71 : f32 to vector<2000x1xf32>
    %mul3A_73 = arith.mulf %mul3A_72, %sub3A_70 : vector<2000x1xf32>
    %concatenate3A = tpu.concatenate %mul3A_51, %mul3A_55, %sub3A_63, %mul3A_67, %mul3A_73 in 1 : vector<2000x1xf32>, vector<2000x1xf32>, vector<2000x1xf32>, vector<2000x1xf32>, vector<2000x1xf32> -> vector<2000x5xf32>
    %mul3A_74 = vector.broadcast %add3A_42 : vector<2000x1xf32> to vector<2000x5xf32>
    %mul3A_75 = arith.mulf %mul3A_74, %concatenate3A : vector<2000x5xf32>
    %broadcast_in_dim3A_76 = arith.constant 1.000000e+00 : f32
    %broadcast_in_dim3A_77 = vector.broadcast %broadcast_in_dim3A_76 : f32 to vector<2000x1xf32>
    %broadcast_in_dim3A_78 = arith.constant 0.000000e+00 : f32
    %broadcast_in_dim3A_79 = vector.broadcast %broadcast_in_dim3A_78 : f32 to vector<2000x10xf32>
    %concatenate3A_80 = tpu.concatenate %mul3A_75, %broadcast_in_dim3A_77, %broadcast_in_dim3A_79 in 1 : vector<2000x5xf32>, vector<2000x1xf32>, vector<2000x10xf32> -> vector<2000x16xf32>
    %swap3A = arith.constant 0 : index
    %swap3A_81 = arith.constant 0 : index
    %swap3A_82 = vector.load %arg4[%swap3A, %swap3A_81] : memref<2000x16xf32, #tpu.memory_space<vmem>>, vector<2000x16xf32>
    tpu.vector_store %arg4[%swap3A, %swap3A_81], %concatenate3A_80 {strides = array<i32>} : memref<2000x16xf32, #tpu.memory_space<vmem>>, vector<2000x16xf32>,
    return
  }
  func.func @transform_0(%arg0: i32) -> (i32, i32) {
    %c0_i32 = arith.constant 0 : i32
    %c0_i32_0 = arith.constant 0 : i32
    return %arg0, %c0_i32 : i32, i32
  }
  func.func @transform_1(%arg0: i32) -> (i32, i32) {
    %c0_i32 = arith.constant 0 : i32
    %c0_i32_0 = arith.constant 0 : i32
    return %arg0, %c0_i32 : i32, i32
  }
  func.func @transform_2(%arg0: i32) -> (i32, i32) {
    %c0_i32 = arith.constant 0 : i32
    %c0_i32_0 = arith.constant 0 : i32
    %c0_i32_1 = arith.constant 0 : i32
    return %c0_i32, %c0_i32_0 : i32, i32
  }
  func.func @transform_3(%arg0: i32) -> (i32, i32) {
    %c0_i32 = arith.constant 0 : i32
    %c0_i32_0 = arith.constant 0 : i32
    return %arg0, %c0_i32 : i32, i32
  }
}

module attributes {stable_mosaic.version = 14 : i64} {
  func.func @body(%arg0: i32, %arg1: memref<2000x16xf32, #tpu.memory_space<vmem>>, %arg2: memref<2000x16xf32, #tpu.memory_space<vmem>>, %arg3: memref<8x128xf32, #tpu.memory_space<vmem>>, %arg4: memref<2000x3xf32, #tpu.memory_space<vmem>>, %arg5: memref<2000x128xf32, #tpu.memory_space<vmem>>, %arg6: memref<128x128xf32, #tpu.memory_space<vmem>>, %arg7: memref<8x128xf32, #tpu.memory_space<vmem>>, %arg8: memref<128x128xf32, #tpu.memory_space<vmem>>, %arg9: memref<128x128xf32, #tpu.memory_space<vmem>>, %arg10: memref<2000x144xf32, #tpu.memory_space<vmem>>, %arg11: memref<2000x144xf32, #tpu.memory_space<vmem>>, %arg12: memref<2000x16xf32, #tpu.memory_space<vmem>>) attributes {dimension_semantics = [#tpu.dimension_semantics<arbitrary>], iteration_bounds = array<i64: 5>, scalar_prefetch = 0 : i64, scratch_operands = 0 : i64, tpu.core_type = #tpu.core_type<tc>, window_params = [{transform_indices = @transform_0, window_bounds = array<i64: 2000, 16>}, {transform_indices = @transform_1, window_bounds = array<i64: 2000, 16>}, {pipeline_mode = #tpu.pipeline_mode<synchronous>, transform_indices = @transform_2, window_bounds = array<i64: 8, 128>}, {transform_indices = @transform_3, window_bounds = array<i64: 2000, 3>}, {transform_indices = @transform_4, window_bounds = array<i64: 2000, 128>}, {pipeline_mode = #tpu.pipeline_mode<synchronous>, transform_indices = @transform_5, window_bounds = array<i64: 128, 128>}, {pipeline_mode = #tpu.pipeline_mode<synchronous>, transform_indices = @transform_6, window_bounds = array<i64: 8, 128>}, {pipeline_mode = #tpu.pipeline_mode<synchronous>, transform_indices = @transform_7, window_bounds = array<i64: 128, 128>}, {pipeline_mode = #tpu.pipeline_mode<synchronous>, transform_indices = @transform_8, window_bounds = array<i64: 128, 128>}, {transform_indices = @transform_9, window_bounds = array<i64: 2000, 144>}, {transform_indices = @transform_10, window_bounds = array<i64: 2000, 144>}, {transform_indices = @transform_11, window_bounds = array<i64: 2000, 16>}]} {
    %get3A = arith.constant 0 : index
    %get3A_0 = arith.constant 0 : index
    %get3A_1 = vector.load %arg1[%get3A, %get3A_0] : memref<2000x16xf32, #tpu.memory_space<vmem>>, vector<2000x16xf32>
    %get3A_2 = arith.constant 0 : index
    %get3A_3 = arith.constant 0 : index
    %get3A_4 = vector.load %arg2[%get3A_2, %get3A_3] : memref<2000x16xf32, #tpu.memory_space<vmem>>, vector<2000x16xf32>
    %add3A = arith.addf %get3A_1, %get3A_4 : vector<2000x16xf32>
    %slice3A = vector.extract_strided_slice %add3A {offsets = [0, 5], sizes = [2000, 1], strides = [1, 1]} : vector<2000x16xf32> to vector<2000x1xf32>
    %max3A = arith.constant 1.000000e+00 : f32
    %max3A_5 = vector.broadcast %max3A : f32 to vector<2000x1xf32>
    %max3A_6 = arith.maximumf %slice3A, %max3A_5 : vector<2000x1xf32>
    %slice3A_7 = vector.extract_strided_slice %add3A {offsets = [0, 0], sizes = [2000, 5], strides = [1, 1]} : vector<2000x16xf32> to vector<2000x5xf32>
    %div3A = vector.broadcast %max3A_6 : vector<2000x1xf32> to vector<2000x5xf32>
    %div3A_8 = arith.divf %slice3A_7, %div3A : vector<2000x5xf32>
    %get3A_9 = arith.constant 0 : index
    %get3A_10 = arith.constant 0 : index
    %get3A_11 = vector.load %arg3[%get3A_9, %get3A_10] : memref<8x128xf32, #tpu.memory_space<vmem>>, vector<1x3xf32>
    %mul3A = arith.constant 9.99999974E-5 : f32
    %mul3A_12 = vector.broadcast %mul3A : f32 to vector<1x3xf32>
    %mul3A_13 = arith.mulf %get3A_11, %mul3A_12 : vector<1x3xf32>
    %get3A_14 = arith.constant 0 : index
    %get3A_15 = arith.constant 0 : index
    %get3A_16 = vector.load %arg4[%get3A_14, %get3A_15] : memref<2000x3xf32, #tpu.memory_space<vmem>>, vector<2000x3xf32>
    %sub3A = vector.broadcast %mul3A_13 : vector<1x3xf32> to vector<2000x3xf32>
    %sub3A_17 = arith.subf %get3A_16, %sub3A : vector<2000x3xf32>
    %mul3A_18 = arith.mulf %sub3A_17, %sub3A_17 : vector<2000x3xf32>
    %reduce_sum3A = arith.constant dense<0.000000e+00> : vector<2000xf32>
    %reduce_sum3A_19 = vector.multi_reduction <add>, %mul3A_18, %reduce_sum3A [1] : vector<2000x3xf32> to vector<2000xf32>
    %broadcast_in_dim3A = vector.shape_cast %reduce_sum3A_19 : vector<2000xf32> to vector<2000x1xf32>
    %sqrt3A = math.sqrt %broadcast_in_dim3A : vector<2000x1xf32>
    %max3A_20 = arith.constant 9.99999996E-13 : f32
    %max3A_21 = vector.broadcast %max3A_20 : f32 to vector<2000x1xf32>
    %max3A_22 = arith.maximumf %sqrt3A, %max3A_21 : vector<2000x1xf32>
    %div3A_23 = vector.broadcast %max3A_22 : vector<2000x1xf32> to vector<2000x3xf32>
    %div3A_24 = arith.divf %sub3A_17, %div3A_23 : vector<2000x3xf32>
    %get3A_25 = arith.constant 0 : index
    %get3A_26 = arith.constant 0 : index
    %get3A_27 = vector.load %arg5[%get3A_25, %get3A_26] : memref<2000x128xf32, #tpu.memory_space<vmem>>, vector<2000x128xf32>
    %get3A_28 = arith.constant 0 : index
    %get3A_29 = arith.constant 0 : index
    %get3A_30 = vector.load %arg6[%get3A_28, %get3A_29] : memref<128x128xf32, #tpu.memory_space<vmem>>, vector<128x128xf32>
    %dot_general3A = arith.constant dense<0.000000e+00> : vector<2000x128xf32>
    %dot_general3A_31 = tpu.matmul %get3A_27, %get3A_30, %dot_general3A {dimension_numbers = #tpu.dot_dimension_numbers<[1], [0], [0], [1], [0, 0, 1, 1], [], []>, transpose_lhs_hint = false} : vector<2000x128xf32>, vector<128x128xf32>, vector<2000x128xf32> -> vector<2000x128xf32>
    %get3A_32 = arith.constant 0 : index
    %get3A_33 = arith.constant 0 : index
    %get3A_34 = vector.load %arg7[%get3A_32, %get3A_33] : memref<8x128xf32, #tpu.memory_space<vmem>>, vector<1x128xf32>
    %add3A_35 = vector.broadcast %get3A_34 : vector<1x128xf32> to vector<2000x128xf32>
    %add3A_36 = arith.addf %dot_general3A_31, %add3A_35 : vector<2000x128xf32>
    %logistic3A = arith.negf %add3A_36 : vector<2000x128xf32>
    %logistic3A_37 = math.exp %logistic3A : vector<2000x128xf32>
    %logistic3A_38 = arith.constant 1.000000e+00 : f32
    %logistic3A_39 = vector.broadcast %logistic3A_38 : f32 to vector<2000x128xf32>
    %logistic3A_40 = arith.addf %logistic3A_39, %logistic3A_37 : vector<2000x128xf32>
    %logistic3A_41 = arith.divf %logistic3A_39, %logistic3A_40 : vector<2000x128xf32>
    %mul3A_42 = arith.mulf %add3A_36, %logistic3A_41 : vector<2000x128xf32>
    %get3A_43 = arith.constant 1 : index
    %get3A_44 = arith.constant 0 : index
    %get3A_45 = vector.load %arg7[%get3A_43, %get3A_44] : memref<8x128xf32, #tpu.memory_space<vmem>>, vector<1x128xf32>
    %mul3A_46 = vector.broadcast %get3A_45 : vector<1x128xf32> to vector<2000x128xf32>
    %mul3A_47 = arith.mulf %mul3A_42, %mul3A_46 : vector<2000x128xf32>
    %reduce_sum3A_48 = arith.constant dense<0.000000e+00> : vector<2000xf32>
    %reduce_sum3A_49 = vector.multi_reduction <add>, %mul3A_47, %reduce_sum3A_48 [1] : vector<2000x128xf32> to vector<2000xf32>
    %broadcast_in_dim3A_50 = vector.shape_cast %reduce_sum3A_49 : vector<2000xf32> to vector<2000x1xf32>
    %get3A_51 = arith.constant 2 : index
    %get3A_52 = arith.constant 0 : index
    %get3A_53 = vector.load %arg7[%get3A_51, %get3A_52] : memref<8x128xf32, #tpu.memory_space<vmem>>, vector<1x1xf32>
    %add3A_54 = vector.broadcast %get3A_53 : vector<1x1xf32> to vector<2000x1xf32>
    %add3A_55 = arith.addf %broadcast_in_dim3A_50, %add3A_54 : vector<2000x1xf32>
    %slice3A_56 = vector.extract_strided_slice %div3A_24 {offsets = [0, 0], sizes = [2000, 1], strides = [1, 1]} : vector<2000x3xf32> to vector<2000x1xf32>
    %slice3A_57 = vector.extract_strided_slice %div3A_24 {offsets = [0, 1], sizes = [2000, 1], strides = [1, 1]} : vector<2000x3xf32> to vector<2000x1xf32>
    %slice3A_58 = vector.extract_strided_slice %div3A_24 {offsets = [0, 2], sizes = [2000, 1], strides = [1, 1]} : vector<2000x3xf32> to vector<2000x1xf32>
    %mul3A_59 = arith.constant 1.73205078 : f32
    %mul3A_60 = vector.broadcast %mul3A_59 : f32 to vector<2000x1xf32>
    %mul3A_61 = arith.mulf %mul3A_60, %slice3A_56 : vector<2000x1xf32>
    %mul3A_62 = arith.mulf %mul3A_61, %slice3A_58 : vector<2000x1xf32>
    %mul3A_63 = arith.constant 1.73205078 : f32
    %mul3A_64 = vector.broadcast %mul3A_63 : f32 to vector<2000x1xf32>
    %mul3A_65 = arith.mulf %mul3A_64, %slice3A_56 : vector<2000x1xf32>
    %mul3A_66 = arith.mulf %mul3A_65, %slice3A_57 : vector<2000x1xf32>
    %mul3A_67 = arith.mulf %slice3A_57, %slice3A_57 : vector<2000x1xf32>
    %mul3A_68 = arith.mulf %slice3A_56, %slice3A_56 : vector<2000x1xf32>
    %mul3A_69 = arith.mulf %slice3A_58, %slice3A_58 : vector<2000x1xf32>
    %add3A_70 = arith.addf %mul3A_68, %mul3A_69 : vector<2000x1xf32>
    %mul3A_71 = arith.constant 5.000000e-01 : f32
    %mul3A_72 = vector.broadcast %mul3A_71 : f32 to vector<2000x1xf32>
    %mul3A_73 = arith.mulf %mul3A_72, %add3A_70 : vector<2000x1xf32>
    %sub3A_74 = arith.subf %mul3A_67, %mul3A_73 : vector<2000x1xf32>
    %mul3A_75 = arith.constant 1.73205078 : f32
    %mul3A_76 = vector.broadcast %mul3A_75 : f32 to vector<2000x1xf32>
    %mul3A_77 = arith.mulf %mul3A_76, %slice3A_57 : vector<2000x1xf32>
    %mul3A_78 = arith.mulf %mul3A_77, %slice3A_58 : vector<2000x1xf32>
    %mul3A_79 = arith.mulf %slice3A_58, %slice3A_58 : vector<2000x1xf32>
    %mul3A_80 = arith.mulf %slice3A_56, %slice3A_56 : vector<2000x1xf32>
    %sub3A_81 = arith.subf %mul3A_79, %mul3A_80 : vector<2000x1xf32>
    %mul3A_82 = arith.constant 0.866025388 : f32
    %mul3A_83 = vector.broadcast %mul3A_82 : f32 to vector<2000x1xf32>
    %mul3A_84 = arith.mulf %mul3A_83, %sub3A_81 : vector<2000x1xf32>
    %concatenate3A = tpu.concatenate %mul3A_62, %mul3A_66, %sub3A_74, %mul3A_78, %mul3A_84 in 1 : vector<2000x1xf32>, vector<2000x1xf32>, vector<2000x1xf32>, vector<2000x1xf32>, vector<2000x1xf32> -> vector<2000x5xf32>
    %mul3A_85 = vector.broadcast %add3A_55 : vector<2000x1xf32> to vector<2000x5xf32>
    %mul3A_86 = arith.mulf %mul3A_85, %concatenate3A : vector<2000x5xf32>
    %add3A_87 = arith.addf %div3A_8, %mul3A_86 : vector<2000x5xf32>
    %broadcast_in_dim3A_88 = arith.constant 0.000000e+00 : f32
    %broadcast_in_dim3A_89 = vector.broadcast %broadcast_in_dim3A_88 : f32 to vector<2000x8xf32>
    %get3A_90 = arith.constant 0 : index
    %get3A_91 = arith.constant 0 : index
    %get3A_92 = vector.load %arg8[%get3A_90, %get3A_91] : memref<128x128xf32, #tpu.memory_space<vmem>>, vector<128x128xf32>
    %dot_general3A_93 = arith.constant dense<0.000000e+00> : vector<2000x128xf32>
    %dot_general3A_94 = tpu.matmul %get3A_27, %get3A_92, %dot_general3A_93 {dimension_numbers = #tpu.dot_dimension_numbers<[1], [0], [0], [1], [0, 0, 1, 1], [], []>, transpose_lhs_hint = false} : vector<2000x128xf32>, vector<128x128xf32>, vector<2000x128xf32> -> vector<2000x128xf32>
    %concatenate3A_95 = tpu.concatenate %dot_general3A_94, %get3A_16, %add3A_87, %broadcast_in_dim3A_89 in 1 : vector<2000x128xf32>, vector<2000x3xf32>, vector<2000x5xf32>, vector<2000x8xf32> -> vector<2000x144xf32>
    %swap3A = arith.constant 0 : index
    %swap3A_96 = arith.constant 0 : index
    %swap3A_97 = vector.load %arg10[%swap3A, %swap3A_96] : memref<2000x144xf32, #tpu.memory_space<vmem>>, vector<2000x144xf32>
    tpu.vector_store %arg10[%swap3A, %swap3A_96], %concatenate3A_95 {strides = array<i32>} : memref<2000x144xf32, #tpu.memory_space<vmem>>, vector<2000x144xf32>,
    %get3A_98 = arith.constant 0 : index
    %get3A_99 = arith.constant 0 : index
    %get3A_100 = vector.load %arg9[%get3A_98, %get3A_99] : memref<128x128xf32, #tpu.memory_space<vmem>>, vector<128x128xf32>
    %dot_general3A_101 = arith.constant dense<0.000000e+00> : vector<2000x128xf32>
    %dot_general3A_102 = tpu.matmul %get3A_27, %get3A_100, %dot_general3A_101 {dimension_numbers = #tpu.dot_dimension_numbers<[1], [0], [0], [1], [0, 0, 1, 1], [], []>, transpose_lhs_hint = false} : vector<2000x128xf32>, vector<128x128xf32>, vector<2000x128xf32> -> vector<2000x128xf32>
    %concatenate3A_103 = tpu.concatenate %dot_general3A_102, %get3A_16, %add3A_87, %broadcast_in_dim3A_89 in 1 : vector<2000x128xf32>, vector<2000x3xf32>, vector<2000x5xf32>, vector<2000x8xf32> -> vector<2000x144xf32>
    %swap3A_104 = arith.constant 0 : index
    %swap3A_105 = arith.constant 0 : index
    %swap3A_106 = vector.load %arg11[%swap3A_104, %swap3A_105] : memref<2000x144xf32, #tpu.memory_space<vmem>>, vector<2000x144xf32>
    tpu.vector_store %arg11[%swap3A_104, %swap3A_105], %concatenate3A_103 {strides = array<i32>} : memref<2000x144xf32, #tpu.memory_space<vmem>>, vector<2000x144xf32>,
    %broadcast_in_dim3A_107 = arith.constant 0.000000e+00 : f32
    %broadcast_in_dim3A_108 = vector.broadcast %broadcast_in_dim3A_107 : f32 to vector<2000x11xf32>
    %concatenate3A_109 = tpu.concatenate %add3A_87, %broadcast_in_dim3A_108 in 1 : vector<2000x5xf32>, vector<2000x11xf32> -> vector<2000x16xf32>
    %swap3A_110 = arith.constant 0 : index
    %swap3A_111 = arith.constant 0 : index
    %swap3A_112 = vector.load %arg12[%swap3A_110, %swap3A_111] : memref<2000x16xf32, #tpu.memory_space<vmem>>, vector<2000x16xf32>
    tpu.vector_store %arg12[%swap3A_110, %swap3A_111], %concatenate3A_109 {strides = array<i32>} : memref<2000x16xf32, #tpu.memory_space<vmem>>, vector<2000x16xf32>,
    return
  }
  func.func @transform_0(%arg0: i32) -> (i32, i32) {
    %c0_i32 = arith.constant 0 : i32
    %c0_i32_0 = arith.constant 0 : i32
    return %arg0, %c0_i32 : i32, i32
  }
  func.func @transform_1(%arg0: i32) -> (i32, i32) {
    %c0_i32 = arith.constant 0 : i32
    %c0_i32_0 = arith.constant 0 : i32
    return %arg0, %c0_i32 : i32, i32
  }
  func.func @transform_2(%arg0: i32) -> (i32, i32) {
    %c0_i32 = arith.constant 0 : i32
    %c0_i32_0 = arith.constant 0 : i32
    %c0_i32_1 = arith.constant 0 : i32
    return %c0_i32, %c0_i32_0 : i32, i32
  }
  func.func @transform_3(%arg0: i32) -> (i32, i32) {
    %c0_i32 = arith.constant 0 : i32
    %c0_i32_0 = arith.constant 0 : i32
    return %arg0, %c0_i32 : i32, i32
  }
  func.func @transform_4(%arg0: i32) -> (i32, i32) {
    %c0_i32 = arith.constant 0 : i32
    %c0_i32_0 = arith.constant 0 : i32
    return %arg0, %c0_i32 : i32, i32
  }
  func.func @transform_5(%arg0: i32) -> (i32, i32) {
    %c0_i32 = arith.constant 0 : i32
    %c0_i32_0 = arith.constant 0 : i32
    %c0_i32_1 = arith.constant 0 : i32
    return %c0_i32, %c0_i32_0 : i32, i32
  }
  func.func @transform_6(%arg0: i32) -> (i32, i32) {
    %c0_i32 = arith.constant 0 : i32
    %c0_i32_0 = arith.constant 0 : i32
    %c0_i32_1 = arith.constant 0 : i32
    return %c0_i32, %c0_i32_0 : i32, i32
  }
  func.func @transform_7(%arg0: i32) -> (i32, i32) {
    %c0_i32 = arith.constant 0 : i32
    %c0_i32_0 = arith.constant 0 : i32
    %c0_i32_1 = arith.constant 0 : i32
    return %c0_i32, %c0_i32_0 : i32, i32
  }
  func.func @transform_8(%arg0: i32) -> (i32, i32) {
    %c0_i32 = arith.constant 0 : i32
    %c0_i32_0 = arith.constant 0 : i32
    %c0_i32_1 = arith.constant 0 : i32
    return %c0_i32, %c0_i32_0 : i32, i32
  }
  func.func @transform_9(%arg0: i32) -> (i32, i32) {
    %c0_i32 = arith.constant 0 : i32
    %c0_i32_0 = arith.constant 0 : i32
    return %arg0, %c0_i32 : i32, i32
  }
  func.func @transform_10(%arg0: i32) -> (i32, i32) {
    %c0_i32 = arith.constant 0 : i32
    %c0_i32_0 = arith.constant 0 : i32
    return %arg0, %c0_i32 : i32, i32
  }
  func.func @transform_11(%arg0: i32) -> (i32, i32) {
    %c0_i32 = arith.constant 0 : i32
    %c0_i32_0 = arith.constant 0 : i32
    return %arg0, %c0_i32 : i32, i32
  }
}

module attributes {stable_mosaic.version = 14 : i64} {
  func.func @body(%arg0: i32, %arg1: memref<2000x144xf32, #tpu.memory_space<vmem>>, %arg2: memref<2000x144xf32, #tpu.memory_space<vmem>>, %arg3: memref<128x128xf32, #tpu.memory_space<vmem>>, %arg4: memref<128x128xf32, #tpu.memory_space<vmem>>, %arg5: memref<128x128xf32, #tpu.memory_space<vmem>>, %arg6: memref<16x128xf32, #tpu.memory_space<vmem>>, %arg7: memref<2000x144xf32, #tpu.memory_space<vmem>>) attributes {dimension_semantics = [#tpu.dimension_semantics<arbitrary>], iteration_bounds = array<i64: 160>, scalar_prefetch = 0 : i64, scratch_operands = 0 : i64, tpu.core_type = #tpu.core_type<tc>, window_params = [{transform_indices = @transform_0, window_bounds = array<i64: 2000, 144>}, {transform_indices = @transform_1, window_bounds = array<i64: 2000, 144>}, {pipeline_mode = #tpu.pipeline_mode<synchronous>, transform_indices = @transform_2, window_bounds = array<i64: 128, 128>}, {pipeline_mode = #tpu.pipeline_mode<synchronous>, transform_indices = @transform_3, window_bounds = array<i64: 128, 128>}, {pipeline_mode = #tpu.pipeline_mode<synchronous>, transform_indices = @transform_4, window_bounds = array<i64: 128, 128>}, {pipeline_mode = #tpu.pipeline_mode<synchronous>, transform_indices = @transform_5, window_bounds = array<i64: 16, 128>}, {transform_indices = @transform_6, window_bounds = array<i64: 2000, 144>}]} {
    %get3A = arith.constant 0 : index
    %get3A_0 = arith.constant 0 : index
    %get3A_1 = vector.load %arg1[%get3A, %get3A_0] : memref<2000x144xf32, #tpu.memory_space<vmem>>, vector<2000x128xf32>
    %get3A_2 = arith.constant 0 : index
    %get3A_3 = arith.constant 0 : index
    %get3A_4 = vector.load %arg2[%get3A_2, %get3A_3] : memref<2000x144xf32, #tpu.memory_space<vmem>>, vector<2000x128xf32>
    %get3A_5 = arith.constant 0 : index
    %get3A_6 = arith.constant 128 : index
    %get3A_7 = vector.load %arg1[%get3A_5, %get3A_6] : memref<2000x144xf32, #tpu.memory_space<vmem>>, vector<2000x3xf32>
    %get3A_8 = arith.constant 0 : index
    %get3A_9 = arith.constant 128 : index
    %get3A_10 = vector.load %arg2[%get3A_8, %get3A_9] : memref<2000x144xf32, #tpu.memory_space<vmem>>, vector<2000x3xf32>
    %get3A_11 = arith.constant 0 : index
    %get3A_12 = arith.constant 131 : index
    %get3A_13 = vector.load %arg1[%get3A_11, %get3A_12] : memref<2000x144xf32, #tpu.memory_space<vmem>>, vector<2000x5xf32>
    %get3A_14 = arith.constant 0 : index
    %get3A_15 = arith.constant 131 : index
    %get3A_16 = vector.load %arg2[%get3A_14, %get3A_15] : memref<2000x144xf32, #tpu.memory_space<vmem>>, vector<2000x5xf32>
    %sub3A = arith.subf %get3A_7, %get3A_10 : vector<2000x3xf32>
    %mul3A = arith.mulf %sub3A, %sub3A : vector<2000x3xf32>
    %reduce_sum3A = arith.constant dense<0.000000e+00> : vector<2000xf32>
    %reduce_sum3A_17 = vector.multi_reduction <add>, %mul3A, %reduce_sum3A [1] : vector<2000x3xf32> to vector<2000xf32>
    %broadcast_in_dim3A = vector.shape_cast %reduce_sum3A_17 : vector<2000xf32> to vector<2000x1xf32>
    %mul3A_18 = arith.mulf %get3A_13, %get3A_16 : vector<2000x5xf32>
    %reduce_sum3A_19 = arith.constant dense<0.000000e+00> : vector<2000xf32>
    %reduce_sum3A_20 = vector.multi_reduction <add>, %mul3A_18, %reduce_sum3A_19 [1] : vector<2000x5xf32> to vector<2000xf32>
    %broadcast_in_dim3A_21 = vector.shape_cast %reduce_sum3A_20 : vector<2000xf32> to vector<2000x1xf32>
    %add3A = arith.addf %get3A_1, %get3A_4 : vector<2000x128xf32>
    %get3A_22 = arith.constant 0 : index
    %get3A_23 = arith.constant 0 : index
    %get3A_24 = vector.load %arg6[%get3A_22, %get3A_23] : memref<16x128xf32, #tpu.memory_space<vmem>>, vector<1x128xf32>
    %mul3A_25 = vector.broadcast %broadcast_in_dim3A : vector<2000x1xf32> to vector<2000x128xf32>
    %mul3A_26 = vector.broadcast %get3A_24 : vector<1x128xf32> to vector<2000x128xf32>
    %mul3A_27 = arith.mulf %mul3A_25, %mul3A_26 : vector<2000x128xf32>
    %add3A_28 = arith.addf %add3A, %mul3A_27 : vector<2000x128xf32>
    %get3A_29 = arith.constant 1 : index
    %get3A_30 = arith.constant 0 : index
    %get3A_31 = vector.load %arg6[%get3A_29, %get3A_30] : memref<16x128xf32, #tpu.memory_space<vmem>>, vector<1x128xf32>
    %mul3A_32 = vector.broadcast %broadcast_in_dim3A_21 : vector<2000x1xf32> to vector<2000x128xf32>
    %mul3A_33 = vector.broadcast %get3A_31 : vector<1x128xf32> to vector<2000x128xf32>
    %mul3A_34 = arith.mulf %mul3A_32, %mul3A_33 : vector<2000x128xf32>
    %add3A_35 = arith.addf %add3A_28, %mul3A_34 : vector<2000x128xf32>
    %get3A_36 = arith.constant 2 : index
    %get3A_37 = arith.constant 0 : index
    %get3A_38 = vector.load %arg6[%get3A_36, %get3A_37] : memref<16x128xf32, #tpu.memory_space<vmem>>, vector<1x128xf32>
    %add3A_39 = vector.broadcast %get3A_38 : vector<1x128xf32> to vector<2000x128xf32>
    %add3A_40 = arith.addf %add3A_35, %add3A_39 : vector<2000x128xf32>
    %logistic3A = arith.negf %add3A_40 : vector<2000x128xf32>
    %logistic3A_41 = math.exp %logistic3A : vector<2000x128xf32>
    %logistic3A_42 = arith.constant 1.000000e+00 : f32
    %logistic3A_43 = vector.broadcast %logistic3A_42 : f32 to vector<2000x128xf32>
    %logistic3A_44 = arith.addf %logistic3A_43, %logistic3A_41 : vector<2000x128xf32>
    %logistic3A_45 = arith.divf %logistic3A_43, %logistic3A_44 : vector<2000x128xf32>
    %mul3A_46 = arith.mulf %add3A_40, %logistic3A_45 : vector<2000x128xf32>
    %get3A_47 = arith.constant 0 : index
    %get3A_48 = arith.constant 0 : index
    %get3A_49 = vector.load %arg3[%get3A_47, %get3A_48] : memref<128x128xf32, #tpu.memory_space<vmem>>, vector<128x128xf32>
    %dot_general3A = arith.constant dense<0.000000e+00> : vector<2000x128xf32>
    %dot_general3A_50 = tpu.matmul %mul3A_46, %get3A_49, %dot_general3A {dimension_numbers = #tpu.dot_dimension_numbers<[1], [0], [0], [1], [0, 0, 1, 1], [], []>, transpose_lhs_hint = false} : vector<2000x128xf32>, vector<128x128xf32>, vector<2000x128xf32> -> vector<2000x128xf32>
    %get3A_51 = arith.constant 3 : index
    %get3A_52 = arith.constant 0 : index
    %get3A_53 = vector.load %arg6[%get3A_51, %get3A_52] : memref<16x128xf32, #tpu.memory_space<vmem>>, vector<1x128xf32>
    %add3A_54 = vector.broadcast %get3A_53 : vector<1x128xf32> to vector<2000x128xf32>
    %add3A_55 = arith.addf %dot_general3A_50, %add3A_54 : vector<2000x128xf32>
    %logistic3A_56 = arith.negf %add3A_55 : vector<2000x128xf32>
    %logistic3A_57 = math.exp %logistic3A_56 : vector<2000x128xf32>
    %logistic3A_58 = arith.constant 1.000000e+00 : f32
    %logistic3A_59 = vector.broadcast %logistic3A_58 : f32 to vector<2000x128xf32>
    %logistic3A_60 = arith.addf %logistic3A_59, %logistic3A_57 : vector<2000x128xf32>
    %logistic3A_61 = arith.divf %logistic3A_59, %logistic3A_60 : vector<2000x128xf32>
    %mul3A_62 = arith.mulf %add3A_55, %logistic3A_61 : vector<2000x128xf32>
    %get3A_63 = arith.constant 0 : index
    %get3A_64 = arith.constant 0 : index
    %get3A_65 = vector.load %arg4[%get3A_63, %get3A_64] : memref<128x128xf32, #tpu.memory_space<vmem>>, vector<128x128xf32>
    %dot_general3A_66 = arith.constant dense<0.000000e+00> : vector<2000x128xf32>
    %dot_general3A_67 = tpu.matmul %mul3A_62, %get3A_65, %dot_general3A_66 {dimension_numbers = #tpu.dot_dimension_numbers<[1], [0], [0], [1], [0, 0, 1, 1], [], []>, transpose_lhs_hint = false} : vector<2000x128xf32>, vector<128x128xf32>, vector<2000x128xf32> -> vector<2000x128xf32>
    %get3A_68 = arith.constant 4 : index
    %get3A_69 = arith.constant 0 : index
    %get3A_70 = vector.load %arg6[%get3A_68, %get3A_69] : memref<16x128xf32, #tpu.memory_space<vmem>>, vector<1x128xf32>
    %add3A_71 = vector.broadcast %get3A_70 : vector<1x128xf32> to vector<2000x128xf32>
    %add3A_72 = arith.addf %dot_general3A_67, %add3A_71 : vector<2000x128xf32>
    %logistic3A_73 = arith.negf %add3A_72 : vector<2000x128xf32>
    %logistic3A_74 = math.exp %logistic3A_73 : vector<2000x128xf32>
    %logistic3A_75 = arith.constant 1.000000e+00 : f32
    %logistic3A_76 = vector.broadcast %logistic3A_75 : f32 to vector<2000x128xf32>
    %logistic3A_77 = arith.addf %logistic3A_76, %logistic3A_74 : vector<2000x128xf32>
    %logistic3A_78 = arith.divf %logistic3A_76, %logistic3A_77 : vector<2000x128xf32>
    %mul3A_79 = arith.mulf %add3A_72, %logistic3A_78 : vector<2000x128xf32>
    %get3A_80 = arith.constant 5 : index
    %get3A_81 = arith.constant 0 : index
    %get3A_82 = vector.load %arg6[%get3A_80, %get3A_81] : memref<16x128xf32, #tpu.memory_space<vmem>>, vector<1x128xf32>
    %mul3A_83 = vector.broadcast %get3A_82 : vector<1x128xf32> to vector<2000x128xf32>
    %mul3A_84 = arith.mulf %mul3A_79, %mul3A_83 : vector<2000x128xf32>
    %reduce_sum3A_85 = arith.constant dense<0.000000e+00> : vector<2000xf32>
    %reduce_sum3A_86 = vector.multi_reduction <add>, %mul3A_84, %reduce_sum3A_85 [1] : vector<2000x128xf32> to vector<2000xf32>
    %broadcast_in_dim3A_87 = vector.shape_cast %reduce_sum3A_86 : vector<2000xf32> to vector<2000x1xf32>
    %get3A_88 = arith.constant 8 : index
    %get3A_89 = arith.constant 0 : index
    %get3A_90 = vector.load %arg6[%get3A_88, %get3A_89] : memref<16x128xf32, #tpu.memory_space<vmem>>, vector<1x1xf32>
    %add3A_91 = vector.broadcast %get3A_90 : vector<1x1xf32> to vector<2000x1xf32>
    %add3A_92 = arith.addf %broadcast_in_dim3A_87, %add3A_91 : vector<2000x1xf32>
    %get3A_93 = arith.constant 0 : index
    %get3A_94 = arith.constant 0 : index
    %get3A_95 = vector.load %arg5[%get3A_93, %get3A_94] : memref<128x128xf32, #tpu.memory_space<vmem>>, vector<128x128xf32>
    %dot_general3A_96 = arith.constant dense<0.000000e+00> : vector<2000x128xf32>
    %dot_general3A_97 = tpu.matmul %mul3A_62, %get3A_95, %dot_general3A_96 {dimension_numbers = #tpu.dot_dimension_numbers<[1], [0], [0], [1], [0, 0, 1, 1], [], []>, transpose_lhs_hint = false} : vector<2000x128xf32>, vector<128x128xf32>, vector<2000x128xf32> -> vector<2000x128xf32>
    %get3A_98 = arith.constant 6 : index
    %get3A_99 = arith.constant 0 : index
    %get3A_100 = vector.load %arg6[%get3A_98, %get3A_99] : memref<16x128xf32, #tpu.memory_space<vmem>>, vector<1x128xf32>
    %add3A_101 = vector.broadcast %get3A_100 : vector<1x128xf32> to vector<2000x128xf32>
    %add3A_102 = arith.addf %dot_general3A_97, %add3A_101 : vector<2000x128xf32>
    %logistic3A_103 = arith.negf %add3A_102 : vector<2000x128xf32>
    %logistic3A_104 = math.exp %logistic3A_103 : vector<2000x128xf32>
    %logistic3A_105 = arith.constant 1.000000e+00 : f32
    %logistic3A_106 = vector.broadcast %logistic3A_105 : f32 to vector<2000x128xf32>
    %logistic3A_107 = arith.addf %logistic3A_106, %logistic3A_104 : vector<2000x128xf32>
    %logistic3A_108 = arith.divf %logistic3A_106, %logistic3A_107 : vector<2000x128xf32>
    %mul3A_109 = arith.mulf %add3A_102, %logistic3A_108 : vector<2000x128xf32>
    %get3A_110 = arith.constant 7 : index
    %get3A_111 = arith.constant 0 : index
    %get3A_112 = vector.load %arg6[%get3A_110, %get3A_111] : memref<16x128xf32, #tpu.memory_space<vmem>>, vector<1x128xf32>
    %mul3A_113 = vector.broadcast %get3A_112 : vector<1x128xf32> to vector<2000x128xf32>
    %mul3A_114 = arith.mulf %mul3A_109, %mul3A_113 : vector<2000x128xf32>
    %reduce_sum3A_115 = arith.constant dense<0.000000e+00> : vector<2000xf32>
    %reduce_sum3A_116 = vector.multi_reduction <add>, %mul3A_114, %reduce_sum3A_115 [1] : vector<2000x128xf32> to vector<2000xf32>
    %broadcast_in_dim3A_117 = vector.shape_cast %reduce_sum3A_116 : vector<2000xf32> to vector<2000x1xf32>
    %get3A_118 = arith.constant 8 : index
    %get3A_119 = arith.constant 1 : index
    %get3A_120 = vector.load %arg6[%get3A_118, %get3A_119] : memref<16x128xf32, #tpu.memory_space<vmem>>, vector<1x1xf32>
    %add3A_121 = vector.broadcast %get3A_120 : vector<1x1xf32> to vector<2000x1xf32>
    %add3A_122 = arith.addf %broadcast_in_dim3A_117, %add3A_121 : vector<2000x1xf32>
    %mul3A_123 = vector.broadcast %add3A_92 : vector<2000x1xf32> to vector<2000x3xf32>
    %mul3A_124 = arith.mulf %sub3A, %mul3A_123 : vector<2000x3xf32>
    %sub3A_125 = arith.subf %get3A_13, %get3A_16 : vector<2000x5xf32>
    %mul3A_126 = vector.broadcast %add3A_122 : vector<2000x1xf32> to vector<2000x5xf32>
    %mul3A_127 = arith.mulf %sub3A_125, %mul3A_126 : vector<2000x5xf32>
    %broadcast_in_dim3A_128 = arith.constant 1.000000e+00 : f32
    %broadcast_in_dim3A_129 = vector.broadcast %broadcast_in_dim3A_128 : f32 to vector<2000x1xf32>
    %broadcast_in_dim3A_130 = arith.constant 0.000000e+00 : f32
    %broadcast_in_dim3A_131 = vector.broadcast %broadcast_in_dim3A_130 : f32 to vector<2000x7xf32>
    %concatenate3A = tpu.concatenate %mul3A_62, %mul3A_124, %mul3A_127, %broadcast_in_dim3A_129, %broadcast_in_dim3A_131 in 1 : vector<2000x128xf32>, vector<2000x3xf32>, vector<2000x5xf32>, vector<2000x1xf32>, vector<2000x7xf32> -> vector<2000x144xf32>
    %swap3A = arith.constant 0 : index
    %swap3A_132 = arith.constant 0 : index
    %swap3A_133 = vector.load %arg7[%swap3A, %swap3A_132] : memref<2000x144xf32, #tpu.memory_space<vmem>>, vector<2000x144xf32>
    tpu.vector_store %arg7[%swap3A, %swap3A_132], %concatenate3A {strides = array<i32>} : memref<2000x144xf32, #tpu.memory_space<vmem>>, vector<2000x144xf32>,
    return
  }
  func.func @transform_0(%arg0: i32) -> (i32, i32) {
    %c0_i32 = arith.constant 0 : i32
    %c0_i32_0 = arith.constant 0 : i32
    return %arg0, %c0_i32 : i32, i32
  }
  func.func @transform_1(%arg0: i32) -> (i32, i32) {
    %c0_i32 = arith.constant 0 : i32
    %c0_i32_0 = arith.constant 0 : i32
    return %arg0, %c0_i32 : i32, i32
  }
  func.func @transform_2(%arg0: i32) -> (i32, i32) {
    %c0_i32 = arith.constant 0 : i32
    %c0_i32_0 = arith.constant 0 : i32
    %c0_i32_1 = arith.constant 0 : i32
    return %c0_i32, %c0_i32_0 : i32, i32
  }
  func.func @transform_3(%arg0: i32) -> (i32, i32) {
    %c0_i32 = arith.constant 0 : i32
    %c0_i32_0 = arith.constant 0 : i32
    %c0_i32_1 = arith.constant 0 : i32
    return %c0_i32, %c0_i32_0 : i32, i32
  }
  func.func @transform_4(%arg0: i32) -> (i32, i32) {
    %c0_i32 = arith.constant 0 : i32
    %c0_i32_0 = arith.constant 0 : i32
    %c0_i32_1 = arith.constant 0 : i32
    return %c0_i32, %c0_i32_0 : i32, i32
  }
  func.func @transform_5(%arg0: i32) -> (i32, i32) {
    %c0_i32 = arith.constant 0 : i32
    %c0_i32_0 = arith.constant 0 : i32
    %c0_i32_1 = arith.constant 0 : i32
    return %c0_i32, %c0_i32_0 : i32, i32
  }
  func.func @transform_6(%arg0: i32) -> (i32, i32) {
    %c0_i32 = arith.constant 0 : i32
    %c0_i32_0 = arith.constant 0 : i32
    return %arg0, %c0_i32 : i32, i32
  }
}

module attributes {stable_mosaic.version = 14 : i64} {
  func.func @body(%arg0: i32, %arg1: memref<2000x144xf32, #tpu.memory_space<vmem>>, %arg2: memref<2000x144xf32, #tpu.memory_space<vmem>>, %arg3: memref<2000x144xf32, #tpu.memory_space<vmem>>, %arg4: memref<2000x16xf32, #tpu.memory_space<vmem>>, %arg5: memref<2000x128xf32, #tpu.memory_space<vmem>>, %arg6: memref<128x128xf32, #tpu.memory_space<vmem>>, %arg7: memref<128x128xf32, #tpu.memory_space<vmem>>, %arg8: memref<128x128xf32, #tpu.memory_space<vmem>>, %arg9: memref<8x128xf32, #tpu.memory_space<vmem>>, %arg10: memref<128x128xf32, #tpu.memory_space<vmem>>, %arg11: memref<128x128xf32, #tpu.memory_space<vmem>>, %arg12: memref<2000x144xf32, #tpu.memory_space<vmem>>, %arg13: memref<2000x144xf32, #tpu.memory_space<vmem>>, %arg14: memref<2000x16xf32, #tpu.memory_space<vmem>>, %arg15: memref<2000x128xf32, #tpu.memory_space<vmem>>) attributes {dimension_semantics = [#tpu.dimension_semantics<arbitrary>], iteration_bounds = array<i64: 5>, scalar_prefetch = 0 : i64, scratch_operands = 0 : i64, tpu.core_type = #tpu.core_type<tc>, window_params = [{transform_indices = @transform_0, window_bounds = array<i64: 2000, 144>}, {transform_indices = @transform_1, window_bounds = array<i64: 2000, 144>}, {transform_indices = @transform_2, window_bounds = array<i64: 2000, 144>}, {transform_indices = @transform_3, window_bounds = array<i64: 2000, 16>}, {transform_indices = @transform_4, window_bounds = array<i64: 2000, 128>}, {pipeline_mode = #tpu.pipeline_mode<synchronous>, transform_indices = @transform_5, window_bounds = array<i64: 128, 128>}, {pipeline_mode = #tpu.pipeline_mode<synchronous>, transform_indices = @transform_6, window_bounds = array<i64: 128, 128>}, {pipeline_mode = #tpu.pipeline_mode<synchronous>, transform_indices = @transform_7, window_bounds = array<i64: 128, 128>}, {pipeline_mode = #tpu.pipeline_mode<synchronous>, transform_indices = @transform_8, window_bounds = array<i64: 8, 128>}, {pipeline_mode = #tpu.pipeline_mode<synchronous>, transform_indices = @transform_9, window_bounds = array<i64: 128, 128>}, {pipeline_mode = #tpu.pipeline_mode<synchronous>, transform_indices = @transform_10, window_bounds = array<i64: 128, 128>}, {transform_indices = @transform_11, window_bounds = array<i64: 2000, 144>}, {transform_indices = @transform_12, window_bounds = array<i64: 2000, 144>}, {transform_indices = @transform_13, window_bounds = array<i64: 2000, 16>}, {transform_indices = @transform_14, window_bounds = array<i64: 2000, 128>}]} {
    %get3A = arith.constant 0 : index
    %get3A_0 = arith.constant 0 : index
    %get3A_1 = vector.load %arg1[%get3A, %get3A_0] : memref<2000x144xf32, #tpu.memory_space<vmem>>, vector<2000x144xf32>
    %get3A_2 = arith.constant 0 : index
    %get3A_3 = arith.constant 0 : index
    %get3A_4 = vector.load %arg2[%get3A_2, %get3A_3] : memref<2000x144xf32, #tpu.memory_space<vmem>>, vector<2000x144xf32>
    %add3A = arith.addf %get3A_1, %get3A_4 : vector<2000x144xf32>
    %slice3A = vector.extract_strided_slice %add3A {offsets = [0, 136], sizes = [2000, 1], strides = [1, 1]} : vector<2000x144xf32> to vector<2000x1xf32>
    %max3A = arith.constant 1.000000e+00 : f32
    %max3A_5 = vector.broadcast %max3A : f32 to vector<2000x1xf32>
    %max3A_6 = arith.maximumf %slice3A, %max3A_5 : vector<2000x1xf32>
    %slice3A_7 = vector.extract_strided_slice %add3A {offsets = [0, 0], sizes = [2000, 128], strides = [1, 1]} : vector<2000x144xf32> to vector<2000x128xf32>
    %div3A = vector.broadcast %max3A_6 : vector<2000x1xf32> to vector<2000x128xf32>
    %div3A_8 = arith.divf %slice3A_7, %div3A : vector<2000x128xf32>
    %get3A_9 = arith.constant 0 : index
    %get3A_10 = arith.constant 128 : index
    %get3A_11 = vector.load %arg3[%get3A_9, %get3A_10] : memref<2000x144xf32, #tpu.memory_space<vmem>>, vector<2000x3xf32>
    %slice3A_12 = vector.extract_strided_slice %add3A {offsets = [0, 128], sizes = [2000, 3], strides = [1, 1]} : vector<2000x144xf32> to vector<2000x3xf32>
    %div3A_13 = vector.broadcast %max3A_6 : vector<2000x1xf32> to vector<2000x3xf32>
    %div3A_14 = arith.divf %slice3A_12, %div3A_13 : vector<2000x3xf32>
    %add3A_15 = arith.addf %get3A_11, %div3A_14 : vector<2000x3xf32>
    %get3A_16 = arith.constant 0 : index
    %get3A_17 = arith.constant 0 : index
    %get3A_18 = vector.load %arg4[%get3A_16, %get3A_17] : memref<2000x16xf32, #tpu.memory_space<vmem>>, vector<2000x5xf32>
    %slice3A_19 = vector.extract_strided_slice %add3A {offsets = [0, 131], sizes = [2000, 5], strides = [1, 1]} : vector<2000x144xf32> to vector<2000x5xf32>
    %div3A_20 = vector.broadcast %max3A_6 : vector<2000x1xf32> to vector<2000x5xf32>
    %div3A_21 = arith.divf %slice3A_19, %div3A_20 : vector<2000x5xf32>
    %add3A_22 = arith.addf %get3A_18, %div3A_21 : vector<2000x5xf32>
    %get3A_23 = arith.constant 0 : index
    %get3A_24 = arith.constant 0 : index
    %get3A_25 = vector.load %arg5[%get3A_23, %get3A_24] : memref<2000x128xf32, #tpu.memory_space<vmem>>, vector<2000x128xf32>
    %get3A_26 = arith.constant 0 : index
    %get3A_27 = arith.constant 0 : index
    %get3A_28 = vector.load %arg6[%get3A_26, %get3A_27] : memref<128x128xf32, #tpu.memory_space<vmem>>, vector<128x128xf32>
    %dot_general3A = arith.constant dense<0.000000e+00> : vector<2000x128xf32>
    %dot_general3A_29 = tpu.matmul %get3A_25, %get3A_28, %dot_general3A {dimension_numbers = #tpu.dot_dimension_numbers<[1], [0], [0], [1], [0, 0, 1, 1], [], []>, transpose_lhs_hint = false} : vector<2000x128xf32>, vector<128x128xf32>, vector<2000x128xf32> -> vector<2000x128xf32>
    %get3A_30 = arith.constant 0 : index
    %get3A_31 = arith.constant 0 : index
    %get3A_32 = vector.load %arg7[%get3A_30, %get3A_31] : memref<128x128xf32, #tpu.memory_space<vmem>>, vector<128x128xf32>
    %dot_general3A_33 = arith.constant dense<0.000000e+00> : vector<2000x128xf32>
    %dot_general3A_34 = tpu.matmul %div3A_8, %get3A_32, %dot_general3A_33 {dimension_numbers = #tpu.dot_dimension_numbers<[1], [0], [0], [1], [0, 0, 1, 1], [], []>, transpose_lhs_hint = false} : vector<2000x128xf32>, vector<128x128xf32>, vector<2000x128xf32> -> vector<2000x128xf32>
    %add3A_35 = arith.addf %dot_general3A_29, %dot_general3A_34 : vector<2000x128xf32>
    %get3A_36 = arith.constant 0 : index
    %get3A_37 = arith.constant 0 : index
    %get3A_38 = vector.load %arg9[%get3A_36, %get3A_37] : memref<8x128xf32, #tpu.memory_space<vmem>>, vector<1x128xf32>
    %add3A_39 = vector.broadcast %get3A_38 : vector<1x128xf32> to vector<2000x128xf32>
    %add3A_40 = arith.addf %add3A_35, %add3A_39 : vector<2000x128xf32>
    %logistic3A = arith.negf %add3A_40 : vector<2000x128xf32>
    %logistic3A_41 = math.exp %logistic3A : vector<2000x128xf32>
    %logistic3A_42 = arith.constant 1.000000e+00 : f32
    %logistic3A_43 = vector.broadcast %logistic3A_42 : f32 to vector<2000x128xf32>
    %logistic3A_44 = arith.addf %logistic3A_43, %logistic3A_41 : vector<2000x128xf32>
    %logistic3A_45 = arith.divf %logistic3A_43, %logistic3A_44 : vector<2000x128xf32>
    %mul3A = arith.mulf %add3A_40, %logistic3A_45 : vector<2000x128xf32>
    %get3A_46 = arith.constant 0 : index
    %get3A_47 = arith.constant 0 : index
    %get3A_48 = vector.load %arg8[%get3A_46, %get3A_47] : memref<128x128xf32, #tpu.memory_space<vmem>>, vector<128x128xf32>
    %dot_general3A_49 = arith.constant dense<0.000000e+00> : vector<2000x128xf32>
    %dot_general3A_50 = tpu.matmul %mul3A, %get3A_48, %dot_general3A_49 {dimension_numbers = #tpu.dot_dimension_numbers<[1], [0], [0], [1], [0, 0, 1, 1], [], []>, transpose_lhs_hint = false} : vector<2000x128xf32>, vector<128x128xf32>, vector<2000x128xf32> -> vector<2000x128xf32>
    %get3A_51 = arith.constant 1 : index
    %get3A_52 = arith.constant 0 : index
    %get3A_53 = vector.load %arg9[%get3A_51, %get3A_52] : memref<8x128xf32, #tpu.memory_space<vmem>>, vector<1x128xf32>
    %add3A_54 = vector.broadcast %get3A_53 : vector<1x128xf32> to vector<2000x128xf32>
    %add3A_55 = arith.addf %dot_general3A_50, %add3A_54 : vector<2000x128xf32>
    %swap3A = arith.constant 0 : index
    %swap3A_56 = arith.constant 0 : index
    %swap3A_57 = vector.load %arg15[%swap3A, %swap3A_56] : memref<2000x128xf32, #tpu.memory_space<vmem>>, vector<2000x128xf32>
    tpu.vector_store %arg15[%swap3A, %swap3A_56], %add3A_55 {strides = array<i32>} : memref<2000x128xf32, #tpu.memory_space<vmem>>, vector<2000x128xf32>,
    %broadcast_in_dim3A = arith.constant 0.000000e+00 : f32
    %broadcast_in_dim3A_58 = vector.broadcast %broadcast_in_dim3A : f32 to vector<2000x8xf32>
    %get3A_59 = arith.constant 0 : index
    %get3A_60 = arith.constant 0 : index
    %get3A_61 = vector.load %arg10[%get3A_59, %get3A_60] : memref<128x128xf32, #tpu.memory_space<vmem>>, vector<128x128xf32>
    %dot_general3A_62 = arith.constant dense<0.000000e+00> : vector<2000x128xf32>
    %dot_general3A_63 = tpu.matmul %add3A_55, %get3A_61, %dot_general3A_62 {dimension_numbers = #tpu.dot_dimension_numbers<[1], [0], [0], [1], [0, 0, 1, 1], [], []>, transpose_lhs_hint = false} : vector<2000x128xf32>, vector<128x128xf32>, vector<2000x128xf32> -> vector<2000x128xf32>
    %concatenate3A = tpu.concatenate %dot_general3A_63, %add3A_15, %add3A_22, %broadcast_in_dim3A_58 in 1 : vector<2000x128xf32>, vector<2000x3xf32>, vector<2000x5xf32>, vector<2000x8xf32> -> vector<2000x144xf32>
    %swap3A_64 = arith.constant 0 : index
    %swap3A_65 = arith.constant 0 : index
    %swap3A_66 = vector.load %arg12[%swap3A_64, %swap3A_65] : memref<2000x144xf32, #tpu.memory_space<vmem>>, vector<2000x144xf32>
    tpu.vector_store %arg12[%swap3A_64, %swap3A_65], %concatenate3A {strides = array<i32>} : memref<2000x144xf32, #tpu.memory_space<vmem>>, vector<2000x144xf32>,
    %get3A_67 = arith.constant 0 : index
    %get3A_68 = arith.constant 0 : index
    %get3A_69 = vector.load %arg11[%get3A_67, %get3A_68] : memref<128x128xf32, #tpu.memory_space<vmem>>, vector<128x128xf32>
    %dot_general3A_70 = arith.constant dense<0.000000e+00> : vector<2000x128xf32>
    %dot_general3A_71 = tpu.matmul %add3A_55, %get3A_69, %dot_general3A_70 {dimension_numbers = #tpu.dot_dimension_numbers<[1], [0], [0], [1], [0, 0, 1, 1], [], []>, transpose_lhs_hint = false} : vector<2000x128xf32>, vector<128x128xf32>, vector<2000x128xf32> -> vector<2000x128xf32>
    %concatenate3A_72 = tpu.concatenate %dot_general3A_71, %add3A_15, %add3A_22, %broadcast_in_dim3A_58 in 1 : vector<2000x128xf32>, vector<2000x3xf32>, vector<2000x5xf32>, vector<2000x8xf32> -> vector<2000x144xf32>
    %swap3A_73 = arith.constant 0 : index
    %swap3A_74 = arith.constant 0 : index
    %swap3A_75 = vector.load %arg13[%swap3A_73, %swap3A_74] : memref<2000x144xf32, #tpu.memory_space<vmem>>, vector<2000x144xf32>
    tpu.vector_store %arg13[%swap3A_73, %swap3A_74], %concatenate3A_72 {strides = array<i32>} : memref<2000x144xf32, #tpu.memory_space<vmem>>, vector<2000x144xf32>,
    %broadcast_in_dim3A_76 = arith.constant 0.000000e+00 : f32
    %broadcast_in_dim3A_77 = vector.broadcast %broadcast_in_dim3A_76 : f32 to vector<2000x11xf32>
    %concatenate3A_78 = tpu.concatenate %add3A_22, %broadcast_in_dim3A_77 in 1 : vector<2000x5xf32>, vector<2000x11xf32> -> vector<2000x16xf32>
    %swap3A_79 = arith.constant 0 : index
    %swap3A_80 = arith.constant 0 : index
    %swap3A_81 = vector.load %arg14[%swap3A_79, %swap3A_80] : memref<2000x16xf32, #tpu.memory_space<vmem>>, vector<2000x16xf32>
    tpu.vector_store %arg14[%swap3A_79, %swap3A_80], %concatenate3A_78 {strides = array<i32>} : memref<2000x16xf32, #tpu.memory_space<vmem>>, vector<2000x16xf32>,
    return
  }
  func.func @transform_0(%arg0: i32) -> (i32, i32) {
    %c0_i32 = arith.constant 0 : i32
    %c0_i32_0 = arith.constant 0 : i32
    return %arg0, %c0_i32 : i32, i32
  }
  func.func @transform_1(%arg0: i32) -> (i32, i32) {
    %c0_i32 = arith.constant 0 : i32
    %c0_i32_0 = arith.constant 0 : i32
    return %arg0, %c0_i32 : i32, i32
  }
  func.func @transform_2(%arg0: i32) -> (i32, i32) {
    %c0_i32 = arith.constant 0 : i32
    %c0_i32_0 = arith.constant 0 : i32
    return %arg0, %c0_i32 : i32, i32
  }
  func.func @transform_3(%arg0: i32) -> (i32, i32) {
    %c0_i32 = arith.constant 0 : i32
    %c0_i32_0 = arith.constant 0 : i32
    return %arg0, %c0_i32 : i32, i32
  }
  func.func @transform_4(%arg0: i32) -> (i32, i32) {
    %c0_i32 = arith.constant 0 : i32
    %c0_i32_0 = arith.constant 0 : i32
    return %arg0, %c0_i32 : i32, i32
  }
  func.func @transform_5(%arg0: i32) -> (i32, i32) {
    %c0_i32 = arith.constant 0 : i32
    %c0_i32_0 = arith.constant 0 : i32
    %c0_i32_1 = arith.constant 0 : i32
    return %c0_i32, %c0_i32_0 : i32, i32
  }
  func.func @transform_6(%arg0: i32) -> (i32, i32) {
    %c0_i32 = arith.constant 0 : i32
    %c0_i32_0 = arith.constant 0 : i32
    %c0_i32_1 = arith.constant 0 : i32
    return %c0_i32, %c0_i32_0 : i32, i32
  }
  func.func @transform_7(%arg0: i32) -> (i32, i32) {
    %c0_i32 = arith.constant 0 : i32
    %c0_i32_0 = arith.constant 0 : i32
    %c0_i32_1 = arith.constant 0 : i32
    return %c0_i32, %c0_i32_0 : i32, i32
  }
  func.func @transform_8(%arg0: i32) -> (i32, i32) {
    %c0_i32 = arith.constant 0 : i32
    %c0_i32_0 = arith.constant 0 : i32
    %c0_i32_1 = arith.constant 0 : i32
    return %c0_i32, %c0_i32_0 : i32, i32
  }
  func.func @transform_9(%arg0: i32) -> (i32, i32) {
    %c0_i32 = arith.constant 0 : i32
    %c0_i32_0 = arith.constant 0 : i32
    %c0_i32_1 = arith.constant 0 : i32
    return %c0_i32, %c0_i32_0 : i32, i32
  }
  func.func @transform_10(%arg0: i32) -> (i32, i32) {
    %c0_i32 = arith.constant 0 : i32
    %c0_i32_0 = arith.constant 0 : i32
    %c0_i32_1 = arith.constant 0 : i32
    return %c0_i32, %c0_i32_0 : i32, i32
  }
  func.func @transform_11(%arg0: i32) -> (i32, i32) {
    %c0_i32 = arith.constant 0 : i32
    %c0_i32_0 = arith.constant 0 : i32
    return %arg0, %c0_i32 : i32, i32
  }
  func.func @transform_12(%arg0: i32) -> (i32, i32) {
    %c0_i32 = arith.constant 0 : i32
    %c0_i32_0 = arith.constant 0 : i32
    return %arg0, %c0_i32 : i32, i32
  }
  func.func @transform_13(%arg0: i32) -> (i32, i32) {
    %c0_i32 = arith.constant 0 : i32
    %c0_i32_0 = arith.constant 0 : i32
    return %arg0, %c0_i32 : i32, i32
  }
  func.func @transform_14(%arg0: i32) -> (i32, i32) {
    %c0_i32 = arith.constant 0 : i32
    %c0_i32_0 = arith.constant 0 : i32
    return %arg0, %c0_i32 : i32, i32
  }
}

module attributes {stable_mosaic.version = 14 : i64} {
  func.func @body(%arg0: i32, %arg1: memref<2000x144xf32, #tpu.memory_space<vmem>>, %arg2: memref<2000x144xf32, #tpu.memory_space<vmem>>, %arg3: memref<2000x144xf32, #tpu.memory_space<vmem>>, %arg4: memref<2000x16xf32, #tpu.memory_space<vmem>>, %arg5: memref<2000x128xf32, #tpu.memory_space<vmem>>, %arg6: memref<128x128xf32, #tpu.memory_space<vmem>>, %arg7: memref<128x128xf32, #tpu.memory_space<vmem>>, %arg8: memref<128x128xf32, #tpu.memory_space<vmem>>, %arg9: memref<8x128xf32, #tpu.memory_space<vmem>>, %arg10: memref<8x128xf32, #tpu.memory_space<vmem>>) attributes {dimension_semantics = [#tpu.dimension_semantics<arbitrary>], iteration_bounds = array<i64: 5>, scalar_prefetch = 0 : i64, scratch_operands = 0 : i64, tpu.core_type = #tpu.core_type<tc>, window_params = [{transform_indices = @transform_0, window_bounds = array<i64: 2000, 144>}, {transform_indices = @transform_1, window_bounds = array<i64: 2000, 144>}, {transform_indices = @transform_2, window_bounds = array<i64: 2000, 144>}, {transform_indices = @transform_3, window_bounds = array<i64: 2000, 16>}, {transform_indices = @transform_4, window_bounds = array<i64: 2000, 128>}, {pipeline_mode = #tpu.pipeline_mode<synchronous>, transform_indices = @transform_5, window_bounds = array<i64: 128, 128>}, {pipeline_mode = #tpu.pipeline_mode<synchronous>, transform_indices = @transform_6, window_bounds = array<i64: 128, 128>}, {pipeline_mode = #tpu.pipeline_mode<synchronous>, transform_indices = @transform_7, window_bounds = array<i64: 128, 128>}, {pipeline_mode = #tpu.pipeline_mode<synchronous>, transform_indices = @transform_8, window_bounds = array<i64: 8, 128>}, {pipeline_mode = #tpu.pipeline_mode<synchronous>, transform_indices = @transform_9, window_bounds = array<i64: 8, 128>}]} {
    %get3A = arith.constant 0 : index
    %get3A_0 = arith.constant 0 : index
    %get3A_1 = vector.load %arg1[%get3A, %get3A_0] : memref<2000x144xf32, #tpu.memory_space<vmem>>, vector<2000x144xf32>
    %get3A_2 = arith.constant 0 : index
    %get3A_3 = arith.constant 0 : index
    %get3A_4 = vector.load %arg2[%get3A_2, %get3A_3] : memref<2000x144xf32, #tpu.memory_space<vmem>>, vector<2000x144xf32>
    %add3A = arith.addf %get3A_1, %get3A_4 : vector<2000x144xf32>
    %slice3A = vector.extract_strided_slice %add3A {offsets = [0, 136], sizes = [2000, 1], strides = [1, 1]} : vector<2000x144xf32> to vector<2000x1xf32>
    %max3A = arith.constant 1.000000e+00 : f32
    %max3A_5 = vector.broadcast %max3A : f32 to vector<2000x1xf32>
    %max3A_6 = arith.maximumf %slice3A, %max3A_5 : vector<2000x1xf32>
    %slice3A_7 = vector.extract_strided_slice %add3A {offsets = [0, 0], sizes = [2000, 128], strides = [1, 1]} : vector<2000x144xf32> to vector<2000x128xf32>
    %div3A = vector.broadcast %max3A_6 : vector<2000x1xf32> to vector<2000x128xf32>
    %div3A_8 = arith.divf %slice3A_7, %div3A : vector<2000x128xf32>
    %get3A_9 = arith.constant 0 : index
    %get3A_10 = arith.constant 128 : index
    %get3A_11 = vector.load %arg3[%get3A_9, %get3A_10] : memref<2000x144xf32, #tpu.memory_space<vmem>>, vector<2000x3xf32>
    %slice3A_12 = vector.extract_strided_slice %add3A {offsets = [0, 128], sizes = [2000, 3], strides = [1, 1]} : vector<2000x144xf32> to vector<2000x3xf32>
    %div3A_13 = vector.broadcast %max3A_6 : vector<2000x1xf32> to vector<2000x3xf32>
    %div3A_14 = arith.divf %slice3A_12, %div3A_13 : vector<2000x3xf32>
    %add3A_15 = arith.addf %get3A_11, %div3A_14 : vector<2000x3xf32>
    %get3A_16 = arith.constant 0 : index
    %get3A_17 = arith.constant 0 : index
    %get3A_18 = vector.load %arg4[%get3A_16, %get3A_17] : memref<2000x16xf32, #tpu.memory_space<vmem>>, vector<2000x5xf32>
    %slice3A_19 = vector.extract_strided_slice %add3A {offsets = [0, 131], sizes = [2000, 5], strides = [1, 1]} : vector<2000x144xf32> to vector<2000x5xf32>
    %div3A_20 = vector.broadcast %max3A_6 : vector<2000x1xf32> to vector<2000x5xf32>
    %div3A_21 = arith.divf %slice3A_19, %div3A_20 : vector<2000x5xf32>
    %add3A_22 = arith.addf %get3A_18, %div3A_21 : vector<2000x5xf32>
    %get3A_23 = arith.constant 0 : index
    %get3A_24 = arith.constant 0 : index
    %get3A_25 = vector.load %arg5[%get3A_23, %get3A_24] : memref<2000x128xf32, #tpu.memory_space<vmem>>, vector<2000x128xf32>
    %get3A_26 = arith.constant 0 : index
    %get3A_27 = arith.constant 0 : index
    %get3A_28 = vector.load %arg6[%get3A_26, %get3A_27] : memref<128x128xf32, #tpu.memory_space<vmem>>, vector<128x128xf32>
    %dot_general3A = arith.constant dense<0.000000e+00> : vector<2000x128xf32>
    %dot_general3A_29 = tpu.matmul %get3A_25, %get3A_28, %dot_general3A {dimension_numbers = #tpu.dot_dimension_numbers<[1], [0], [0], [1], [0, 0, 1, 1], [], []>, transpose_lhs_hint = false} : vector<2000x128xf32>, vector<128x128xf32>, vector<2000x128xf32> -> vector<2000x128xf32>
    %get3A_30 = arith.constant 0 : index
    %get3A_31 = arith.constant 0 : index
    %get3A_32 = vector.load %arg7[%get3A_30, %get3A_31] : memref<128x128xf32, #tpu.memory_space<vmem>>, vector<128x128xf32>
    %dot_general3A_33 = arith.constant dense<0.000000e+00> : vector<2000x128xf32>
    %dot_general3A_34 = tpu.matmul %div3A_8, %get3A_32, %dot_general3A_33 {dimension_numbers = #tpu.dot_dimension_numbers<[1], [0], [0], [1], [0, 0, 1, 1], [], []>, transpose_lhs_hint = false} : vector<2000x128xf32>, vector<128x128xf32>, vector<2000x128xf32> -> vector<2000x128xf32>
    %add3A_35 = arith.addf %dot_general3A_29, %dot_general3A_34 : vector<2000x128xf32>
    %get3A_36 = arith.constant 0 : index
    %get3A_37 = arith.constant 0 : index
    %get3A_38 = vector.load %arg9[%get3A_36, %get3A_37] : memref<8x128xf32, #tpu.memory_space<vmem>>, vector<1x128xf32>
    %add3A_39 = vector.broadcast %get3A_38 : vector<1x128xf32> to vector<2000x128xf32>
    %add3A_40 = arith.addf %add3A_35, %add3A_39 : vector<2000x128xf32>
    %logistic3A = arith.negf %add3A_40 : vector<2000x128xf32>
    %logistic3A_41 = math.exp %logistic3A : vector<2000x128xf32>
    %logistic3A_42 = arith.constant 1.000000e+00 : f32
    %logistic3A_43 = vector.broadcast %logistic3A_42 : f32 to vector<2000x128xf32>
    %logistic3A_44 = arith.addf %logistic3A_43, %logistic3A_41 : vector<2000x128xf32>
    %logistic3A_45 = arith.divf %logistic3A_43, %logistic3A_44 : vector<2000x128xf32>
    %mul3A = arith.mulf %add3A_40, %logistic3A_45 : vector<2000x128xf32>
    %get3A_46 = arith.constant 0 : index
    %get3A_47 = arith.constant 0 : index
    %get3A_48 = vector.load %arg8[%get3A_46, %get3A_47] : memref<128x128xf32, #tpu.memory_space<vmem>>, vector<128x128xf32>
    %dot_general3A_49 = arith.constant dense<0.000000e+00> : vector<2000x128xf32>
    %dot_general3A_50 = tpu.matmul %mul3A, %get3A_48, %dot_general3A_49 {dimension_numbers = #tpu.dot_dimension_numbers<[1], [0], [0], [1], [0, 0, 1, 1], [], []>, transpose_lhs_hint = false} : vector<2000x128xf32>, vector<128x128xf32>, vector<2000x128xf32> -> vector<2000x128xf32>
    %get3A_51 = arith.constant 1 : index
    %get3A_52 = arith.constant 0 : index
    %get3A_53 = vector.load %arg9[%get3A_51, %get3A_52] : memref<8x128xf32, #tpu.memory_space<vmem>>, vector<1x128xf32>
    %add3A_54 = vector.broadcast %get3A_53 : vector<1x128xf32> to vector<2000x128xf32>
    %add3A_55 = arith.addf %dot_general3A_50, %add3A_54 : vector<2000x128xf32>
    %get3A_56 = arith.constant 2 : index
    %get3A_57 = arith.constant 0 : index
    %get3A_58 = vector.load %arg9[%get3A_56, %get3A_57] : memref<8x128xf32, #tpu.memory_space<vmem>>, vector<1x128xf32>
    %mul3A_59 = vector.broadcast %get3A_58 : vector<1x128xf32> to vector<2000x128xf32>
    %mul3A_60 = arith.mulf %add3A_55, %mul3A_59 : vector<2000x128xf32>
    %reduce_sum3A = vector.shape_cast %mul3A_60 : vector<2000x128xf32> to vector<1x2000x128xf32>
    %reduce_sum3A_61 = arith.constant dense<0.000000e+00> : vector<1xf32>
    %reduce_sum3A_62 = vector.multi_reduction <add>, %reduce_sum3A, %reduce_sum3A_61 [1, 2] : vector<1x2000x128xf32> to vector<1xf32>
    %reduce_sum3A_63 = vector.shape_cast %reduce_sum3A_62 : vector<1xf32> to vector<1x1x1xf32>
    %reduce_sum3A_64 = vector.extract %reduce_sum3A_63[0, 0, 0] : f32 from vector<1x1x1xf32>
    %get3A_65 = arith.constant 3 : index
    %get3A_66 = arith.constant 0 : index
    %get3A_67 = vector.load %arg9[%get3A_65, %get3A_66] : memref<8x128xf32, #tpu.memory_space<vmem>>, vector<1x3xf32>
    %mul3A_68 = vector.broadcast %get3A_67 : vector<1x3xf32> to vector<2000x3xf32>
    %mul3A_69 = arith.mulf %add3A_15, %mul3A_68 : vector<2000x3xf32>
    %reduce_sum3A_70 = vector.shape_cast %mul3A_69 : vector<2000x3xf32> to vector<1x2000x3xf32>
    %reduce_sum3A_71 = arith.constant dense<0.000000e+00> : vector<1xf32>
    %reduce_sum3A_72 = vector.multi_reduction <add>, %reduce_sum3A_70, %reduce_sum3A_71 [1, 2] : vector<1x2000x3xf32> to vector<1xf32>
    %reduce_sum3A_73 = vector.shape_cast %reduce_sum3A_72 : vector<1xf32> to vector<1x1x1xf32>
    %reduce_sum3A_74 = vector.extract %reduce_sum3A_73[0, 0, 0] : f32 from vector<1x1x1xf32>
    %add3A_75 = arith.addf %reduce_sum3A_64, %reduce_sum3A_74 : f32
    %get3A_76 = arith.constant 3 : index
    %get3A_77 = arith.constant 3 : index
    %get3A_78 = vector.load %arg9[%get3A_76, %get3A_77] : memref<8x128xf32, #tpu.memory_space<vmem>>, vector<1x5xf32>
    %mul3A_79 = vector.broadcast %get3A_78 : vector<1x5xf32> to vector<2000x5xf32>
    %mul3A_80 = arith.mulf %add3A_22, %mul3A_79 : vector<2000x5xf32>
    %reduce_sum3A_81 = vector.shape_cast %mul3A_80 : vector<2000x5xf32> to vector<1x2000x5xf32>
    %reduce_sum3A_82 = arith.constant dense<0.000000e+00> : vector<1xf32>
    %reduce_sum3A_83 = vector.multi_reduction <add>, %reduce_sum3A_81, %reduce_sum3A_82 [1, 2] : vector<1x2000x5xf32> to vector<1xf32>
    %reduce_sum3A_84 = vector.shape_cast %reduce_sum3A_83 : vector<1xf32> to vector<1x1x1xf32>
    %reduce_sum3A_85 = vector.extract %reduce_sum3A_84[0, 0, 0] : f32 from vector<1x1x1xf32>
    %add3A_86 = arith.addf %add3A_75, %reduce_sum3A_85 : f32
    %eq3A = arith.constant 0 : i32
    %eq3A_87 = arith.cmpi eq, %arg0, %eq3A : i32
    %convert_element_type3A = arith.extui %eq3A_87 : i1 to i32
    %cond3A = arith.constant 0 : i32
    %cond3A_88 = arith.cmpi ne, %convert_element_type3A, %cond3A : i32
    scf.if %cond3A_88 {
      %get3A_96 = arith.constant 3 : index
      %get3A_97 = arith.constant 8 : index
      %get3A_98 = vector.load %arg9[%get3A_96, %get3A_97] : memref<8x128xf32, #tpu.memory_space<vmem>>, vector<1x1xf32>
      %broadcast_in_dim3A = vector.shape_cast %get3A_98 : vector<1x1xf32> to vector<1x1xf32>
      %broadcast_in_dim3A_99 = vector.broadcast %broadcast_in_dim3A : vector<1x1xf32> to vector<8x128xf32>
      %swap3A_100 = arith.constant 0 : index
      %swap3A_101 = arith.constant 0 : index
      %swap3A_102 = vector.load %arg10[%swap3A_100, %swap3A_101] : memref<8x128xf32, #tpu.memory_space<vmem>>, vector<8x128xf32>
      tpu.vector_store %arg10[%swap3A_100, %swap3A_101], %broadcast_in_dim3A_99 {strides = array<i32>} : memref<8x128xf32, #tpu.memory_space<vmem>>, vector<8x128xf32>,
    } else {
    }
    %get3A_89 = arith.constant 0 : index
    %get3A_90 = arith.constant 0 : index
    %get3A_91 = vector.load %arg10[%get3A_89, %get3A_90] : memref<8x128xf32, #tpu.memory_space<vmem>>, vector<8x128xf32>
    %add3A_92 = vector.broadcast %add3A_86 : f32 to vector<8x128xf32>
    %add3A_93 = arith.addf %get3A_91, %add3A_92 : vector<8x128xf32>
    %swap3A = arith.constant 0 : index
    %swap3A_94 = arith.constant 0 : index
    %swap3A_95 = vector.load %arg10[%swap3A, %swap3A_94] : memref<8x128xf32, #tpu.memory_space<vmem>>, vector<8x128xf32>
    tpu.vector_store %arg10[%swap3A, %swap3A_94], %add3A_93 {strides = array<i32>} : memref<8x128xf32, #tpu.memory_space<vmem>>, vector<8x128xf32>,
    return
  }
  func.func @transform_0(%arg0: i32) -> (i32, i32) {
    %c0_i32 = arith.constant 0 : i32
    %c0_i32_0 = arith.constant 0 : i32
    return %arg0, %c0_i32 : i32, i32
  }
  func.func @transform_1(%arg0: i32) -> (i32, i32) {
    %c0_i32 = arith.constant 0 : i32
    %c0_i32_0 = arith.constant 0 : i32
    return %arg0, %c0_i32 : i32, i32
  }
  func.func @transform_2(%arg0: i32) -> (i32, i32) {
    %c0_i32 = arith.constant 0 : i32
    %c0_i32_0 = arith.constant 0 : i32
    return %arg0, %c0_i32 : i32, i32
  }
  func.func @transform_3(%arg0: i32) -> (i32, i32) {
    %c0_i32 = arith.constant 0 : i32
    %c0_i32_0 = arith.constant 0 : i32
    return %arg0, %c0_i32 : i32, i32
  }
  func.func @transform_4(%arg0: i32) -> (i32, i32) {
    %c0_i32 = arith.constant 0 : i32
    %c0_i32_0 = arith.constant 0 : i32
    return %arg0, %c0_i32 : i32, i32
  }
  func.func @transform_5(%arg0: i32) -> (i32, i32) {
    %c0_i32 = arith.constant 0 : i32
    %c0_i32_0 = arith.constant 0 : i32
    %c0_i32_1 = arith.constant 0 : i32
    return %c0_i32, %c0_i32_0 : i32, i32
  }
  func.func @transform_6(%arg0: i32) -> (i32, i32) {
    %c0_i32 = arith.constant 0 : i32
    %c0_i32_0 = arith.constant 0 : i32
    %c0_i32_1 = arith.constant 0 : i32
    return %c0_i32, %c0_i32_0 : i32, i32
  }
  func.func @transform_7(%arg0: i32) -> (i32, i32) {
    %c0_i32 = arith.constant 0 : i32
    %c0_i32_0 = arith.constant 0 : i32
    %c0_i32_1 = arith.constant 0 : i32
    return %c0_i32, %c0_i32_0 : i32, i32
  }
  func.func @transform_8(%arg0: i32) -> (i32, i32) {
    %c0_i32 = arith.constant 0 : i32
    %c0_i32_0 = arith.constant 0 : i32
    %c0_i32_1 = arith.constant 0 : i32
    return %c0_i32, %c0_i32_0 : i32, i32
  }
  func.func @transform_9(%arg0: i32) -> (i32, i32) {
    %c0_i32 = arith.constant 0 : i32
    %c0_i32_0 = arith.constant 0 : i32
    %c0_i32_1 = arith.constant 0 : i32
    return %c0_i32, %c0_i32_0 : i32, i32
  }
}

</mosaic_0001>

<sc_bundles>
// kernel: kernel.15.cloned.1.call-start
scs
__scs_entry_jumppad:
0x0: {  	(pc) =	sbr.rel $0x88, $3  }
0x1: {  	(tag) =	ssettag $0x0;
	lr =	simm.s32 $0x1  }
0x2: {  	[smem:$0x3F73] =	sst lr;
	_ =	strace $0xD0000000  }
0x3: {  	_ = 	snop  }
0x4: {  	_ = 	snop  }
0x5: {  	_ = 	snop  }
0x6: {  	_ = 	snop  }
0x7: {  	_ = 	snop  }
__scs_overlays_trampoline_lowered:
0x8: {  	[smem:$0x3F82] =	sst s0  }
0x9: {  	[smem:$0x3F83] =	sst s1  }
0xa: {  	[smem:$0x3F84] =	sst s2  }
0xb: {  	[smem:$0x3F85] =	sst s3  }
0xc: {  	[smem:$0x3F86] =	sst s4  }
0xd: {  	[smem:$0x3F87] =	sst s5  }
0xe: {  	[smem:$0x3F88] =	sst s6  }
0xf: {  	[smem:$0x3F89] =	sst s7  }
0x10: {  	[smem:$0x3F8A] =	sst s8  }
0x11: {  	[smem:$0x3F8B] =	sst s9;
	s0 =	simm.s32 @!p0 $0x0  }
0x12: {  	s1 =	sld [smem:$0x3F71];
	s0 =	simm.s32 @p0 $0x1  }
0x13: {  	[smem:$0x3F8C] =	sst s0;
	s0 =	simm.s32 @!p1 $0x0  }
0x14: {  	s2 =	sld [smem:$0x3F70];
	s0 =	simm.s32 @p1 $0x1  }
0x15: {  	[smem:$0x3F8D] =	sst s0;
	s0 =	simm.s32 @!p2 $0x0  }
0x16: {  	s3 =	sld [smem:$0x3FDB];
	s0 =	simm.s32 @p2 $0x1  }
0x17: {  	s4 =	simm.s32 $0x1BF5;
	[smem:$0x3F8F] =	sst s0  }
0x18: {  	s0 =	sld [smem:$0x3F72];
	_ =	swait.ge [sflag:s4], $0x0  }
0x19: {  	s7 =	sld [smem:$0x3F73]  }
0x1a: {  	s8 =	sadd.s32 $0xFFFFE003, lr  }
0x1b: {  	s9 =	sadd.s32 $0xFFFFFEF7, lr;
	s5 =	simm.s32 $0xFFFFFFFF;
	p2 =	slt.u32 s8, $0xFFFFF086  }
0x1c: {  	p1 =	slt.u32 s9, $0xF7A;
	s5 =	simm.s32 @!p2 $0x0  }
0x1d: {  	s5 =	simm.s32 @p1 $0x1;
	p0 =	seq.s32 s7, s2  }
0x1e: {  	s7 =	smul.u32 @!p0 $0xF7A, s2;
	p2 =	seq.s32 @!p0 s5, $0x0  }
0x1f: {  	s9 =	smul.u32 $0xF7A, s1;
	s8 =	simm.s32 @!p0 $0x1BF5;
	p2 =	por !p2, p0  }
0x20: {  	[sflag:s8] =	ssyncset.s32 @!p0 $0xFFFFF086;
	s6 =	sadd.s32 @!p0 s3, s7;
	s7 =	simm.s32 @!p0 $0x108  }
0x21: {  	s3 =	sadd.s32 s3, s9;
	s6 =	sadd.s32 @!p0 $0x88, s6;
	s7 =	simm.s32 @p2 $0x1082  }
0x22: {  	[simem:s7], [sflag:s8] =	dma.local @!p0 [hbm:s6], $0xF7A  }
0x23: {  	s9 =	sor.u32 $0xD0000000, s2;
	s6 =	simm.s32 $0x108;
	_ =	swait.ge @!p0 [sflag:s8], $0x0  }
0x24: {  	s3 =	sadd.s32 $0x88, s3;
	s6 =	simm.s32 @!p1 $0x1082;
	[sflag:s4] =	ssyncset.s32 $0xFFFFF086  }
0x25: {  	[simem:s6], [sflag:s4] =	dma.local [hbm:s3], $0xF7A  }
0x26: {  	[smem:$0x3F73] =	sst s1;
	(tag) =	ssettag s2;
	_ =	strace s9  }
0x27: {  	s1 =	sld [smem:$0x3F83]  }
0x28: {  	s2 =	sld [smem:$0x3F84]  }
0x29: {  	s4 =	sld [smem:$0x3F86]  }
0x2a: {  	p0 =	seq.s32 s5, $0x0;
	s5 =	sld [smem:$0x3F87]  }
0x2b: {  	s6 =	sld [smem:$0x3F88]  }
0x2c: {  	s7 =	sld [smem:$0x3F89]  }
0x2d: {  	s3 =	simm.s32 $0x108;
	s8 =	sld [smem:$0x3F8A]  }
0x2e: {  	s3 =	simm.s32 @!p0 $0x1082;
	s9 =	sld [smem:$0x3F8B]  }
0x2f: {  	lr =	sadd.s32 s0, s3;
	s0 =	sld [smem:$0x3F82]  }
0x30: {  	s3 =	sld [smem:$0x3F85]  }
0x31: {  	[smem:$0x3F8E] =	sst s10  }
0x32: {  	s10 =	sld [smem:$0x3F8C];
	_ =	sdelay $0x3  }
0x33: {  	p0 =	seq.s32 s10, $0x1;
	s10 =	sld [smem:$0x3F8E];
	_ =	sdelay $0x3  }
0x34: {  	[smem:$0x3F8E] =	sst s10  }
0x35: {  	s10 =	sld [smem:$0x3F8D];
	_ =	sdelay $0x3  }
0x36: {  	p1 =	seq.s32 s10, $0x1;
	s10 =	sld [smem:$0x3F8E];
	_ =	sdelay $0x3  }
0x37: {  	[smem:$0x3F8E] =	sst s10  }
0x38: {  	s10 =	sld [smem:$0x3F8F]  }
0x39: {  	_ = 	snop;
	(pc) =	sbr.ind lr, $3  }
0x3a: {  	_ = 	snop  }
0x3b: {  	_ = 	snop  }
0x3c: {  	p2 =	seq.s32 s10, $0x1;
	s10 =	sld [smem:$0x3F8E]  }
0x3d: {  	_ =	shalt  }
0x3e: {  	_ =	shalt  }
0x3f: {  	_ =	shalt  }
0x40: {  	_ =	shalt  }
0x41: {  	_ =	shalt  }
0x42: {  	_ =	shalt  }
0x43: {  	_ =	shalt  }
0x44: {  	_ =	shalt  }
0x45: {  	_ =	shalt  }
0x46: {  	_ =	shalt  }
0x47: {  	_ =	shalt  }
0x48: {  	_ =	shalt  }
0x49: {  	_ =	shalt  }
0x4a: {  	_ =	shalt  }
0x4b: {  	_ =	shalt  }
0x4c: {  	_ =	shalt  }
0x4d: {  	_ =	shalt  }
0x4e: {  	_ =	shalt  }
0x4f: {  	_ =	shalt  }
0x50: {  	_ =	shalt  }
0x51: {  	_ =	shalt  }
0x52: {  	_ =	shalt  }
0x53: {  	_ =	shalt  }
0x54: {  	_ =	shalt  }
0x55: {  	_ =	shalt  }
0x56: {  	_ =	shalt  }
0x57: {  	_ =	shalt  }
0x58: {  	_ =	shalt  }
0x59: {  	_ =	shalt  }
0x5a: {  	_ =	shalt  }
0x5b: {  	_ =	shalt  }
0x5c: {  	_ =	shalt  }
0x5d: {  	_ =	shalt  }
0x5e: {  	_ =	shalt  }
0x5f: {  	_ =	shalt  }
0x60: {  	_ =	shalt  }
0x61: {  	_ =	shalt  }
0x62: {  	_ =	shalt  }
0x63: {  	_ =	shalt  }
0x64: {  	_ =	shalt  }
0x65: {  	_ =	shalt  }
0x66: {  	_ =	shalt  }
0x67: {  	_ =	shalt  }
0x68: {  	_ =	shalt  }
0x69: {  	_ =	shalt  }
0x6a: {  	_ =	shalt  }
0x6b: {  	_ =	shalt  }
0x6c: {  	_ =	shalt  }
0x6d: {  	_ =	shalt  }
0x6e: {  	_ =	shalt  }
0x6f: {  	_ =	shalt  }
0x70: {  	_ =	shalt  }
0x71: {  	_ =	shalt  }
0x72: {  	_ =	shalt  }
0x73: {  	_ =	shalt  }
0x74: {  	_ =	shalt  }
0x75: {  	_ =	shalt  }
0x76: {  	_ =	shalt  }
0x77: {  	_ =	shalt  }
0x78: {  	_ =	shalt  }
0x79: {  	_ =	shalt  }
0x7a: {  	_ =	shalt  }
0x7b: {  	_ =	shalt  }
0x7c: {  	_ =	shalt  }
0x7d: {  	_ =	shalt  }
0x7e: {  	_ =	shalt  }
0x7f: {  	_ =	shalt  }
0x80: {  	_ =	shalt  }
0x81: {  	_ =	shalt  }
0x82: {  	_ =	shalt  }
0x83: {  	_ =	shalt  }
0x84: {  	_ =	shalt  }
0x85: {  	_ =	shalt  }
0x86: {  	_ =	shalt  }
0x87: {  	_ =	shalt  }
.Lfunc_end0:
.L_simem_size_0:
called_computation_lowered:
.L_overlay_start_0:
0x88: {  	s2 =	sld [smem:$0x3FD9]  }
0x89: {  	s3 =	sld [smem:$0x3FFE];
	_ =	sdelay $0x1  }
0x8a: {  	s1 =	srdreg.scid  }
0x8b: {  	s0 =	sand.u32 $0x1, s1  }
0x8c: {  	s16 =	sshll.u32 s0, $0xA;
	s2 =	sadd.s32 s3, s2  }
0x8d: {  	s2 =	sadd.s32 s2, s16  }
0x8e: {  	[smem:$0x3F9A] =	sst s2  }
0x8f: {  	_ = 	snop  }
0x90: {  	(tm) =	ssettm $0x1  }
0x91: {  	s17 =	sld [smem:$0x3FFB];
	_ =	sdelay $0x3  }
0x92: {  	_ =	strace s17  }
0x93: {  	s2 =	sld [smem:$0x3FFC];
	_ =	sdelay $0x3  }
0x94: {  	_ =	strace s2  }
0x95: {  	s2 =	sld [smem:$0x3FFD];
	_ =	sdelay $0x3  }
0x96: {  	_ =	strace s2  }
0x97: {  	_ =	strace $0x8FFFFFFF  }
0x98: {  	s18 =	sld [smem:$0x3FDB];
	_ =	sdelay $0x1  }
0x99: {  	s19 =	simm.s32 $_scs_section_size  }
0x9a: {  	s4 =	simm.s32 $_size__tile_overlayer_lowered;
	s5 =	simm.s32 $_tile_overlayer_lowered  }
0x9b: {  	s22 =	simm.s32 $0x1BFF;
	s21 =	sshll.u32 s5, $0x1;
	s2 =	sadd.s32 s19, s18  }
0x9c: {  	s6 =	simm.s32 $0x0;
	s20 =	sshll.u32 s4, $0x1;
	s4 =	sadd.s32 s21, s2  }
0x9d: {  	[timem:s6], [sflag:s22] =	dma.local [hbm:s4], s20  }
0x9e: {  	_ =	swait.ge [sflag:s22], s20  }
0x9f: {  	s3 =	ssub.s32 $0x0, s20;
	[sflag:s22] =	ssyncset.done $0x0  }
0xa0: {  	[sflag:s22] =	ssyncadd.s32 s3;
	_ =	sdelay $0x1  }
0xa1: {  	s23 =	simm.s32 $0x1B8B  }
0xa2: {  	_ =	swait.ge [sflag:s23], $0x1  }
0xa3: {  	[sflag:s23] =	ssyncset.done $0x0  }
0xa4: {  	s25 =	simm.s32 $0x1B8E;
	s24 =	sld [smem:$0x3FFE];
	[sflag:s23] =	ssyncadd.s32 $0xFFFFFFFF  }
0xa5: {  	s26 =	simm.s32 $execute0_lowered;
	[smem:$0x3FD2] =	sst s25  }
0xa6: {  	s4 =	sshll.u32 s26, $0x1;
	_ =	strace $0x80000046;
	[dreg:$0x1] =	wrdreg $0xFFFFFFFF  }
0xa7: {  	s28 =	simm.s32 $_size_execute0_lowered;
	s2 =	sadd.s32 s2, s4;
	[dreg:$0x0] =	wrdreg $0x0  }
0xa8: {  	s4 =	sshll.u32 s28, $0x1;
	[dreg:$0x2] =	wrdreg s2  }
0xa9: {  	[dreg:$0x3] =	wrdreg s4  }
0xaa: {  	[dreg:$0x4] =	wrdreg $0xC0  }
0xab: {  	_ =	task [dreg:s6], $0x5FFFF  }
0xac: {  	[dreg:$0x1] =	wrdreg $0xFFFFFFFF  }
0xad: {  	[dreg:$0x0] =	wrdreg $0x60  }
0xae: {  	[dreg:$0x2] =	wrdreg s24  }
0xaf: {  	[dreg:$0x3] =	wrdreg $0x9  }
0xb0: {  	_ =	task.clear_ibuf [dreg:s6], $0x4FFFF;
	_ =	strace $0x90000046  }
0xb1: {  	s29 =	simm.s32 $0x9;
	_ =	strace $0x80000048  }
0xb2: {  	_ =	swait.ge [sflag:s29], $0x1  }
0xb3: {  	[sflag:s29] =	ssyncadd.s32 $0xFFFFFFFF  }
0xb4: {  	_ =	strace $0x90000048  }
0xb5: {  	_ =	sfence  }
0xb6: {  	s30 =	sld [smem:$0x0];
	_ =	sdelay $0x2  }
0xb7: {  	s31 =	sshll.u32 s1, $0xD;
	s1 =	sshrl.u32 s1, $0x2  }
0xb8: {  	s3 =	sand.u32 $0x4000, s31;
	s1 =	sadd.s32 s1, s30  }
0xb9: {  	s0 =	sor.u32 s3, s0;
	s1 =	sshll.u32 s1, $0x11  }
0xba: {  	s0 =	sor.u32 s1, s0  }
0xbb: {  	s0 =	sadd.s32 $0x8F2B, s0  }
0xbc: {  	[sflag:s0] =	ssyncadd.remote.s32 $0x1  }
0xbd: {  	_ =	sfence.sel $0xFFFF  }
0xbe: {  	[dreg:$0x0] =	wrdreg $0xFFFFFFFF;
	(pc) =	sbr.abs _section_cstart, $3  }
0xbf: {  	[dreg:$0x1] =	wrdreg $0xFFFFFFFF  }
0xc0: {  	_ =	task.clear_ibuf [dreg:s6], $0x2FFFF;
	_ =	strace $0x9FFFFFFF  }
0xc1: {  	(tm) =	ssettm $0x7FFFFFFF  }
tec
execute0_lowered:
.L_overlay_start_1:
0x0: {  	(tag) =	ssettag $0x1  }
0x1: {  	s5 =	rddreg [dreg:$0x0]  }
0x2: {  	s0 =	rddreg [dreg:$0x1];
	s2 =	simm.s32 $0x0;
	s3 =	srdreg.scid  }
0x3: {  	s1 =	stileid.u32;
	s12 =	simm.s32 $0xA0;
	s13 =	simm.s32 $0x2DA0  }
0x4: {  	s14 =	simm.s32 $0x1;
	s15 =	simm.s32 $0x2;
	s7 =	smul.u32 $0x4E20, s1  }
0x5: {  	s16 =	simm.s32 $0x0;
	s6 =	sand.u32 $0x1, s3;
	s9 =	smul.u32 $0x57E40, s1  }
0x6: {  	[smem:$0x7FF] =	sst s2;
	s3 =	sadd.s32 $0x34400, s5;
	s8 =	smul.u32 $0x2710, s6  }
0x7: {  	s4 =	sadd.s32 $0xF7C00, s5;
	s29 =	ssub.s32 $0x2, s6;
	s6 =	smul.u32 $0x2BF20, s6  }
0x8: {  	_ =	strace $0x80000047;
	s9 =	sadd.s32 s9, s5;
	s10 =	sshrl.u32 s29, $0x1  }
0x9: {  	s7 =	sadd.s32 s8, s7;
	s30 =	ssub.s32 s29, s10;
	s31 =	sadd.s32 s6, s9  }
0xa: {  	s10 =	simm.s32 $0x3;
	s7 =	sshrl.u32 s7, $0x3;
	s6 =	sadd.s32 $0x6A2000, s31  }
0xb: {  	s11 =	sadd.s32 s7, s5;
	s5 =	smax.u32 s30, $0x1;
	s7 =	sadd.s32 $0x123C00, s31  }
0xc: {  	s8 =	sadd.s32 $0x60400, s11;
	s9 =	sadd.s32 $0x6A200, s11;
	s11 =	simm.s32 $0x50  }
.LBB2_1:
0xd: {  	s17 =	sadd.s32 $0x0, s9  }
0xe: {  	[tilespmem:s2], [sflag:$0x3] =	stream.linear.gather [hbm4b:s17+s2], $0x50, $0x38;
	[tilespmem:$0x5AA0] =	vst v63  }
0xf: {  	_ =	swait.ge [sflag:s10], $0x50  }
0x10: {  	[sflag:s10] =	ssyncset.done $0x0  }
0x11: {  	s31 =	sadd.s32 $0x0, s8;
	[sflag:s10] =	ssyncadd.s32 $0xFFFFFFB0  }
0x12: {  	[tilespmem:s11], [sflag:$0x3] =	stream.linear.gather [hbm4b:s31+s2], $0x50, $0x38;
	[tilespmem:$0x5AA0] =	vst v63  }
0x13: {  	_ =	swait.ge [sflag:s10], $0x50  }
0x14: {  	[sflag:s10] =	ssyncset.done $0x0  }
0x15: {  	[sflag:s10] =	ssyncadd.s32 $0xFFFFFFB0  }
0x16: {  	[tilespmem:s12], [sflag:$0x1] =	stream.indirect.gather [hbm4b:s3+s11], $0x90, s2, s11, $0xb8;
	[tilespmem:$0x5AA0] =	vst v63  }
0x17: {  	_ = 	snop  }
0x18: {  	[tilespmem:s13], [sflag:$0x2] =	stream.indirect.gather [hbm4b:s4+s11], $0x90, s11, s11, $0xb8;
	[tilespmem:$0x5AA0] =	vst v63  }
0x19: {  	_ =	swait.ge [sflag:s14], $0x2D00  }
0x1a: {  	[sflag:s14] =	ssyncset.done $0x0  }
0x1b: {  	[sflag:s14] =	ssyncadd.s32 $0xFFFFD300  }
0x1c: {  	_ =	swait.ge [sflag:s15], $0x2D00  }
0x1d: {  	[sflag:s15] =	ssyncset.done $0x0  }
0x1e: {  	[sflag:s15] =	ssyncadd.s32 $0xFFFFD300  }
0x1f: {  	[hbm4b:s6+s2] =	stream.linear.scatter [tilespmem:s12], [sflag:$0x3], $0x2D00, $0x38;
	[tilespmem:$0x5AA0] =	vst v63  }
0x20: {  	_ =	swait.ge [sflag:s10], $0x2D00  }
0x21: {  	[sflag:s10] =	ssyncset.done $0x0  }
0x22: {  	[sflag:s10] =	ssyncadd.s32 $0xFFFFD300  }
0x23: {  	[hbm4b:s7+s2] =	stream.linear.scatter [tilespmem:s13], [sflag:$0x3], $0x2D00, $0x38;
	[tilespmem:$0x5AA0] =	vst v63  }
0x24: {  	s19 =	simm.s32 $0xA;
	s20 =	simm.s32 $0x14;
	_ =	swait.ge [sflag:s10], $0x2D00  }
0x25: {  	s18 =	sadd.s32 $0x5A0, s6;
	s17 =	sadd.s32 $0x5A0, s7;
	[sflag:s10] =	ssyncset.done $0x0  }
.LBB2_2:
0x26: {  	s21 =	sadd.s32 s19, s9  }
0x27: {  	[sflag:s10] =	ssyncadd.s32 $0xFFFFD300;
	s22 =	smov.u32 s20;
	s23 =	sadd.s32 $0xA, s20  }
0x28: {  	[tilespmem:s2], [sflag:$0x3] =	stream.linear.gather [hbm4b:s21+s2], $0x50, $0x38;
	[tilespmem:$0x5AA0] =	vst v63  }
0x29: {  	p0 =	sne.s32 s20, $0x4D8;
	_ =	swait.ge [sflag:s10], $0x50  }
0x2a: {  	[sflag:s10] =	ssyncset.done $0x0  }
0x2b: {  	s20 =	sadd.s32 s19, s8;
	s19 =	smov.u32 s22;
	[sflag:s10] =	ssyncadd.s32 $0xFFFFFFB0  }
0x2c: {  	[tilespmem:s11], [sflag:$0x3] =	stream.linear.gather [hbm4b:s20+s2], $0x50, $0x38;
	[tilespmem:$0x5AA0] =	vst v63  }
0x2d: {  	_ =	swait.ge [sflag:s10], $0x50  }
0x2e: {  	[sflag:s10] =	ssyncset.done $0x0  }
0x2f: {  	[sflag:s10] =	ssyncadd.s32 $0xFFFFFFB0  }
0x30: {  	[tilespmem:s12], [sflag:$0x1] =	stream.indirect.gather [hbm4b:s3+s11], $0x90, s2, s11, $0xb8;
	[tilespmem:$0x5AA0] =	vst v63  }
0x31: {  	_ = 	snop  }
0x32: {  	[tilespmem:s13], [sflag:$0x2] =	stream.indirect.gather [hbm4b:s4+s11], $0x90, s11, s11, $0xb8;
	[tilespmem:$0x5AA0] =	vst v63  }
0x33: {  	_ =	swait.ge [sflag:s14], $0x2D00  }
0x34: {  	[sflag:s14] =	ssyncset.done $0x0  }
0x35: {  	[sflag:s14] =	ssyncadd.s32 $0xFFFFD300  }
0x36: {  	_ =	swait.ge [sflag:s15], $0x2D00  }
0x37: {  	[sflag:s15] =	ssyncset.done $0x0  }
0x38: {  	[sflag:s15] =	ssyncadd.s32 $0xFFFFD300  }
0x39: {  	[hbm4b:s18+s2] =	stream.linear.scatter [tilespmem:s12], [sflag:$0x3], $0x2D00, $0x38;
	[tilespmem:$0x5AA0] =	vst v63  }
0x3a: {  	_ =	swait.ge [sflag:s10], $0x2D00  }
.Ltmp0:
0x3b: {  	[sflag:s10] =	ssyncset.done $0x0;
	(pc) =	sbr.rel @p0 .LBB2_2-.Ltmp0, $4  }
0x3c: {  	[sflag:s10] =	ssyncadd.s32 $0xFFFFD300  }
0x3d: {  	[hbm4b:s17+s2] =	stream.linear.scatter [tilespmem:s13], [sflag:$0x3], $0x2D00, $0x38;
	[tilespmem:$0x5AA0] =	vst v63  }
0x3e: {  	s20 =	smov.u32 s23;
	_ =	swait.ge [sflag:s10], $0x2D00  }
0x3f: {  	s18 =	sadd.s32 $0x5A0, s18;
	s17 =	sadd.s32 $0x5A0, s17;
	[sflag:s10] =	ssyncset.done $0x0  }
0x40: {  	s20 =	sadd.s32 s19, s9;
	[sflag:s10] =	ssyncadd.s32 $0xFFFFD300  }
0x41: {  	[tilespmem:s2], [sflag:$0x3] =	stream.linear.gather [hbm4b:s20+s2], $0x50, $0x38;
	[tilespmem:$0x5AA0] =	vst v63  }
0x42: {  	_ =	swait.ge [sflag:s10], $0x50  }
0x43: {  	[sflag:s10] =	ssyncset.done $0x0  }
0x44: {  	s31 =	sadd.s32 s19, s8;
	[sflag:s10] =	ssyncadd.s32 $0xFFFFFFB0  }
0x45: {  	[tilespmem:s11], [sflag:$0x3] =	stream.linear.gather [hbm4b:s31+s2], $0x50, $0x38;
	[tilespmem:$0x5AA0] =	vst v63  }
0x46: {  	_ =	swait.ge [sflag:s10], $0x50  }
0x47: {  	[sflag:s10] =	ssyncset.done $0x0  }
0x48: {  	[sflag:s10] =	ssyncadd.s32 $0xFFFFFFB0  }
0x49: {  	[tilespmem:s12], [sflag:$0x1] =	stream.indirect.gather [hbm4b:s3+s11], $0x90, s2, s11, $0xb8;
	[tilespmem:$0x5AA0] =	vst v63  }
0x4a: {  	_ = 	snop  }
0x4b: {  	[tilespmem:s13], [sflag:$0x2] =	stream.indirect.gather [hbm4b:s4+s11], $0x90, s11, s11, $0xb8;
	[tilespmem:$0x5AA0] =	vst v63  }
0x4c: {  	_ =	swait.ge [sflag:s14], $0x2D00  }
0x4d: {  	[sflag:s14] =	ssyncset.done $0x0  }
0x4e: {  	[sflag:s14] =	ssyncadd.s32 $0xFFFFD300  }
0x4f: {  	_ =	swait.ge [sflag:s15], $0x2D00  }
0x50: {  	[sflag:s15] =	ssyncset.done $0x0  }
0x51: {  	[sflag:s15] =	ssyncadd.s32 $0xFFFFD300  }
0x52: {  	[hbm4b:s18+s2] =	stream.linear.scatter [tilespmem:s12], [sflag:$0x3], $0x2D00, $0x38;
	[tilespmem:$0x5AA0] =	vst v63  }
0x53: {  	s16 =	sadd.s32 $0x1, s16;
	_ =	swait.ge [sflag:s10], $0x2D00  }
0x54: {  	p0 =	sne.s32 s16, s5;
	[sflag:s10] =	ssyncset.done $0x0  }
.Ltmp1:
0x55: {  	[sflag:s10] =	ssyncadd.s32 $0xFFFFD300;
	(pc) =	sbr.rel @p0 .LBB2_1-.Ltmp1, $4  }
0x56: {  	[hbm4b:s17+s2] =	stream.linear.scatter [tilespmem:s13], [sflag:$0x3], $0x2D00, $0x38;
	[tilespmem:$0x5AA0] =	vst v63  }
0x57: {  	_ =	swait.ge [sflag:s10], $0x2D00  }
0x58: {  	[sflag:s10] =	ssyncset.done $0x0  }
0x59: {  	[sflag:s10] =	ssyncadd.s32 $0xFFFFD300  }
0x5a: {  	_ =	sfence.sel $0x180000  }
0x5b: {  	[bflag:$0x0] =	sbarrier.arrive $0xFFFF  }
0x5c: {  	p0 =	sne.s32 s1, $0x0;
	_ =	strace $0x90000047  }
0x5d: {  	s0 =	sadd.s32 @!p0 $0x100000, s0;
	[bflag:$0x2] =	sbarrier.arrive $0xFFFF  }
0x5e: {  	[sflag:s0] =	ssyncadd.tile.s32 @!p0 $0x1;
	_ =	shalt  }
.Lfunc_end2:
_tile_overlayer_lowered:
.L_overlay_start_2:
0x5f: {  	(tag) =	ssettag $0x2  }
0x60: {  	s0 =	rddreg [dreg:$0x0];
	s2 =	stileid.u32  }
0x61: {  	s1 =	rddreg [dreg:$0x1];
	p0 =	sne.s32 s2, $0x0  }
0x62: {  	s3 =	rddreg [dreg:$0x2];
	[bflag:$0x3] =	sbarrier.arrive $0xFFFF;
	s2 =	simm.s32 @!p0 $0x1C03  }
0x63: {  	[timem:s3], [sflag:s2] =	dma.local @!p0 [hbm:s0], s1  }
0x64: {  	s0 =	simm.s32 @!p0 $0x3  }
0x65: {  	_ =	swait.ge @!p0 [sflag:s0], s1  }
0x66: {  	s1 =	ssub.s32 @!p0 $0x0, s1;
	[sflag:s0] =	ssyncset.done @!p0 $0x0  }
0x67: {  	[sflag:s0] =	ssyncadd.s32 @!p0 s1  }
0x68: {  	[bflag:$0x3] =	sbarrier.arrive $0xFFFF  }
0x69: {  	_ =	shalt  }

// kernel: kernel.18.cloned.1.call-start
scs
__scs_entry_jumppad:
0x0: {  	(pc) =	sbr.rel $0x88, $3  }
0x1: {  	(tag) =	ssettag $0x0;
	lr =	simm.s32 $0x1  }
0x2: {  	[smem:$0x3F73] =	sst lr;
	_ =	strace $0xD0000000  }
0x3: {  	_ = 	snop  }
0x4: {  	_ = 	snop  }
0x5: {  	_ = 	snop  }
0x6: {  	_ = 	snop  }
0x7: {  	_ = 	snop  }
__scs_overlays_trampoline_lowered:
0x8: {  	[smem:$0x3F82] =	sst s0  }
0x9: {  	[smem:$0x3F83] =	sst s1  }
0xa: {  	[smem:$0x3F84] =	sst s2  }
0xb: {  	[smem:$0x3F85] =	sst s3  }
0xc: {  	[smem:$0x3F86] =	sst s4  }
0xd: {  	[smem:$0x3F87] =	sst s5  }
0xe: {  	[smem:$0x3F88] =	sst s6  }
0xf: {  	[smem:$0x3F89] =	sst s7  }
0x10: {  	[smem:$0x3F8A] =	sst s8  }
0x11: {  	[smem:$0x3F8B] =	sst s9;
	s0 =	simm.s32 @!p0 $0x0  }
0x12: {  	s1 =	sld [smem:$0x3F71];
	s0 =	simm.s32 @p0 $0x1  }
0x13: {  	[smem:$0x3F8C] =	sst s0;
	s0 =	simm.s32 @!p1 $0x0  }
0x14: {  	s2 =	sld [smem:$0x3F70];
	s0 =	simm.s32 @p1 $0x1  }
0x15: {  	[smem:$0x3F8D] =	sst s0;
	s0 =	simm.s32 @!p2 $0x0  }
0x16: {  	s3 =	sld [smem:$0x3FDB];
	s0 =	simm.s32 @p2 $0x1  }
0x17: {  	s4 =	simm.s32 $0x1BF5;
	[smem:$0x3F8F] =	sst s0  }
0x18: {  	s0 =	sld [smem:$0x3F72];
	_ =	swait.ge [sflag:s4], $0x0  }
0x19: {  	s7 =	sld [smem:$0x3F73]  }
0x1a: {  	s8 =	sadd.s32 $0xFFFFE003, lr  }
0x1b: {  	s9 =	sadd.s32 $0xFFFFFEF7, lr;
	s5 =	simm.s32 $0xFFFFFFFF;
	p2 =	slt.u32 s8, $0xFFFFF086  }
0x1c: {  	p1 =	slt.u32 s9, $0xF7A;
	s5 =	simm.s32 @!p2 $0x0  }
0x1d: {  	s5 =	simm.s32 @p1 $0x1;
	p0 =	seq.s32 s7, s2  }
0x1e: {  	s7 =	smul.u32 @!p0 $0xF7A, s2;
	p2 =	seq.s32 @!p0 s5, $0x0  }
0x1f: {  	s9 =	smul.u32 $0xF7A, s1;
	s8 =	simm.s32 @!p0 $0x1BF5;
	p2 =	por !p2, p0  }
0x20: {  	[sflag:s8] =	ssyncset.s32 @!p0 $0xFFFFF086;
	s6 =	sadd.s32 @!p0 s3, s7;
	s7 =	simm.s32 @!p0 $0x108  }
0x21: {  	s3 =	sadd.s32 s3, s9;
	s6 =	sadd.s32 @!p0 $0x88, s6;
	s7 =	simm.s32 @p2 $0x1082  }
0x22: {  	[simem:s7], [sflag:s8] =	dma.local @!p0 [hbm:s6], $0xF7A  }
0x23: {  	s9 =	sor.u32 $0xD0000000, s2;
	s6 =	simm.s32 $0x108;
	_ =	swait.ge @!p0 [sflag:s8], $0x0  }
0x24: {  	s3 =	sadd.s32 $0x88, s3;
	s6 =	simm.s32 @!p1 $0x1082;
	[sflag:s4] =	ssyncset.s32 $0xFFFFF086  }
0x25: {  	[simem:s6], [sflag:s4] =	dma.local [hbm:s3], $0xF7A  }
0x26: {  	[smem:$0x3F73] =	sst s1;
	(tag) =	ssettag s2;
	_ =	strace s9  }
0x27: {  	s1 =	sld [smem:$0x3F83]  }
0x28: {  	s2 =	sld [smem:$0x3F84]  }
0x29: {  	s4 =	sld [smem:$0x3F86]  }
0x2a: {  	p0 =	seq.s32 s5, $0x0;
	s5 =	sld [smem:$0x3F87]  }
0x2b: {  	s6 =	sld [smem:$0x3F88]  }
0x2c: {  	s7 =	sld [smem:$0x3F89]  }
0x2d: {  	s3 =	simm.s32 $0x108;
	s8 =	sld [smem:$0x3F8A]  }
0x2e: {  	s3 =	simm.s32 @!p0 $0x1082;
	s9 =	sld [smem:$0x3F8B]  }
0x2f: {  	lr =	sadd.s32 s0, s3;
	s0 =	sld [smem:$0x3F82]  }
0x30: {  	s3 =	sld [smem:$0x3F85]  }
0x31: {  	[smem:$0x3F8E] =	sst s10  }
0x32: {  	s10 =	sld [smem:$0x3F8C];
	_ =	sdelay $0x3  }
0x33: {  	p0 =	seq.s32 s10, $0x1;
	s10 =	sld [smem:$0x3F8E];
	_ =	sdelay $0x3  }
0x34: {  	[smem:$0x3F8E] =	sst s10  }
0x35: {  	s10 =	sld [smem:$0x3F8D];
	_ =	sdelay $0x3  }
0x36: {  	p1 =	seq.s32 s10, $0x1;
	s10 =	sld [smem:$0x3F8E];
	_ =	sdelay $0x3  }
0x37: {  	[smem:$0x3F8E] =	sst s10  }
0x38: {  	s10 =	sld [smem:$0x3F8F]  }
0x39: {  	_ = 	snop;
	(pc) =	sbr.ind lr, $3  }
0x3a: {  	_ = 	snop  }
0x3b: {  	_ = 	snop  }
0x3c: {  	p2 =	seq.s32 s10, $0x1;
	s10 =	sld [smem:$0x3F8E]  }
0x3d: {  	_ =	shalt  }
0x3e: {  	_ =	shalt  }
0x3f: {  	_ =	shalt  }
0x40: {  	_ =	shalt  }
0x41: {  	_ =	shalt  }
0x42: {  	_ =	shalt  }
0x43: {  	_ =	shalt  }
0x44: {  	_ =	shalt  }
0x45: {  	_ =	shalt  }
0x46: {  	_ =	shalt  }
0x47: {  	_ =	shalt  }
0x48: {  	_ =	shalt  }
0x49: {  	_ =	shalt  }
0x4a: {  	_ =	shalt  }
0x4b: {  	_ =	shalt  }
0x4c: {  	_ =	shalt  }
0x4d: {  	_ =	shalt  }
0x4e: {  	_ =	shalt  }
0x4f: {  	_ =	shalt  }
0x50: {  	_ =	shalt  }
0x51: {  	_ =	shalt  }
0x52: {  	_ =	shalt  }
0x53: {  	_ =	shalt  }
0x54: {  	_ =	shalt  }
0x55: {  	_ =	shalt  }
0x56: {  	_ =	shalt  }
0x57: {  	_ =	shalt  }
0x58: {  	_ =	shalt  }
0x59: {  	_ =	shalt  }
0x5a: {  	_ =	shalt  }
0x5b: {  	_ =	shalt  }
0x5c: {  	_ =	shalt  }
0x5d: {  	_ =	shalt  }
0x5e: {  	_ =	shalt  }
0x5f: {  	_ =	shalt  }
0x60: {  	_ =	shalt  }
0x61: {  	_ =	shalt  }
0x62: {  	_ =	shalt  }
0x63: {  	_ =	shalt  }
0x64: {  	_ =	shalt  }
0x65: {  	_ =	shalt  }
0x66: {  	_ =	shalt  }
0x67: {  	_ =	shalt  }
0x68: {  	_ =	shalt  }
0x69: {  	_ =	shalt  }
0x6a: {  	_ =	shalt  }
0x6b: {  	_ =	shalt  }
0x6c: {  	_ =	shalt  }
0x6d: {  	_ =	shalt  }
0x6e: {  	_ =	shalt  }
0x6f: {  	_ =	shalt  }
0x70: {  	_ =	shalt  }
0x71: {  	_ =	shalt  }
0x72: {  	_ =	shalt  }
0x73: {  	_ =	shalt  }
0x74: {  	_ =	shalt  }
0x75: {  	_ =	shalt  }
0x76: {  	_ =	shalt  }
0x77: {  	_ =	shalt  }
0x78: {  	_ =	shalt  }
0x79: {  	_ =	shalt  }
0x7a: {  	_ =	shalt  }
0x7b: {  	_ =	shalt  }
0x7c: {  	_ =	shalt  }
0x7d: {  	_ =	shalt  }
0x7e: {  	_ =	shalt  }
0x7f: {  	_ =	shalt  }
0x80: {  	_ =	shalt  }
0x81: {  	_ =	shalt  }
0x82: {  	_ =	shalt  }
0x83: {  	_ =	shalt  }
0x84: {  	_ =	shalt  }
0x85: {  	_ =	shalt  }
0x86: {  	_ =	shalt  }
0x87: {  	_ =	shalt  }
.Lfunc_end0:
.L_simem_size_0:
called_computation.1_lowered:
.L_overlay_start_0:
0x88: {  	s2 =	sld [smem:$0x3FD9]  }
0x89: {  	s3 =	sld [smem:$0x3FFE];
	_ =	sdelay $0x1  }
0x8a: {  	s1 =	srdreg.scid  }
0x8b: {  	s0 =	sand.u32 $0x1, s1  }
0x8c: {  	s16 =	sshll.u32 s0, $0xA;
	s2 =	sadd.s32 s3, s2  }
0x8d: {  	s2 =	sadd.s32 s2, s16  }
0x8e: {  	[smem:$0x3F9A] =	sst s2  }
0x8f: {  	_ = 	snop  }
0x90: {  	(tm) =	ssettm $0x1  }
0x91: {  	s17 =	sld [smem:$0x3FFB];
	_ =	sdelay $0x3  }
0x92: {  	_ =	strace s17  }
0x93: {  	s2 =	sld [smem:$0x3FFC];
	_ =	sdelay $0x3  }
0x94: {  	_ =	strace s2  }
0x95: {  	s2 =	sld [smem:$0x3FFD];
	_ =	sdelay $0x3  }
0x96: {  	_ =	strace s2  }
0x97: {  	_ =	strace $0x8FFFFFFF  }
0x98: {  	s18 =	sld [smem:$0x3FDB];
	_ =	sdelay $0x1  }
0x99: {  	s19 =	simm.s32 $_scs_section_size  }
0x9a: {  	s4 =	simm.s32 $_size__tile_overlayer_lowered;
	s5 =	simm.s32 $_tile_overlayer_lowered  }
0x9b: {  	s22 =	simm.s32 $0x1BFF;
	s21 =	sshll.u32 s5, $0x1;
	s2 =	sadd.s32 s19, s18  }
0x9c: {  	s6 =	simm.s32 $0x0;
	s20 =	sshll.u32 s4, $0x1;
	s4 =	sadd.s32 s21, s2  }
0x9d: {  	[timem:s6], [sflag:s22] =	dma.local [hbm:s4], s20  }
0x9e: {  	_ =	swait.ge [sflag:s22], s20  }
0x9f: {  	s3 =	ssub.s32 $0x0, s20;
	[sflag:s22] =	ssyncset.done $0x0  }
0xa0: {  	[sflag:s22] =	ssyncadd.s32 s3;
	_ =	sdelay $0x1  }
0xa1: {  	s23 =	simm.s32 $0x1B8B  }
0xa2: {  	_ =	swait.ge [sflag:s23], $0x1  }
0xa3: {  	[sflag:s23] =	ssyncset.done $0x0  }
0xa4: {  	s25 =	simm.s32 $0x1B8E;
	s24 =	sld [smem:$0x3FFE];
	[sflag:s23] =	ssyncadd.s32 $0xFFFFFFFF  }
0xa5: {  	s26 =	simm.s32 $execute0_lowered;
	[smem:$0x3FD2] =	sst s25  }
0xa6: {  	s4 =	sshll.u32 s26, $0x1;
	_ =	strace $0x80000049;
	[dreg:$0x1] =	wrdreg $0xFFFFFFFF  }
0xa7: {  	s28 =	simm.s32 $_size_execute0_lowered;
	s2 =	sadd.s32 s2, s4;
	[dreg:$0x0] =	wrdreg $0x0  }
0xa8: {  	s4 =	sshll.u32 s28, $0x1;
	[dreg:$0x2] =	wrdreg s2  }
0xa9: {  	[dreg:$0x3] =	wrdreg s4  }
0xaa: {  	[dreg:$0x4] =	wrdreg $0xC0  }
0xab: {  	_ =	task [dreg:s6], $0x5FFFF  }
0xac: {  	[dreg:$0x1] =	wrdreg $0xFFFFFFFF  }
0xad: {  	[dreg:$0x0] =	wrdreg $0x60  }
0xae: {  	[dreg:$0x2] =	wrdreg s24  }
0xaf: {  	[dreg:$0x3] =	wrdreg $0x5500  }
0xb0: {  	[dreg:$0x4] =	wrdreg $0x9  }
0xb1: {  	_ =	task.clear_ibuf [dreg:s6], $0x5FFFF;
	_ =	strace $0x90000049  }
0xb2: {  	s29 =	simm.s32 $0x9;
	_ =	strace $0x8000004B  }
0xb3: {  	_ =	swait.ge [sflag:s29], $0x1  }
0xb4: {  	[sflag:s29] =	ssyncadd.s32 $0xFFFFFFFF  }
0xb5: {  	_ =	strace $0x9000004B  }
0xb6: {  	_ =	sfence  }
0xb7: {  	s30 =	sld [smem:$0x0];
	_ =	sdelay $0x2  }
0xb8: {  	s31 =	sshll.u32 s1, $0xD;
	s1 =	sshrl.u32 s1, $0x2  }
0xb9: {  	s3 =	sand.u32 $0x4000, s31;
	s1 =	sadd.s32 s1, s30  }
0xba: {  	s0 =	sor.u32 s3, s0;
	s1 =	sshll.u32 s1, $0x11  }
0xbb: {  	s0 =	sor.u32 s1, s0  }
0xbc: {  	s0 =	sadd.s32 $0x8F2B, s0  }
0xbd: {  	[sflag:s0] =	ssyncadd.remote.s32 $0x1  }
0xbe: {  	_ =	sfence.sel $0xFFFF  }
0xbf: {  	[dreg:$0x0] =	wrdreg $0xFFFFFFFF;
	(pc) =	sbr.abs _section_cstart, $3  }
0xc0: {  	[dreg:$0x1] =	wrdreg $0xFFFFFFFF  }
0xc1: {  	_ =	task.clear_ibuf [dreg:s6], $0x2FFFF;
	_ =	strace $0x9FFFFFFF  }
0xc2: {  	(tm) =	ssettm $0x7FFFFFFF  }
0xc3: {  	_ =	shalt  }
tec
execute0_lowered:
.L_overlay_start_1:
0x0: {  	(tag) =	ssettag $0x1  }
0x1: {  	s0 =	stileid.u32  }
0x2: {  	s1 =	srdreg.scid;
	s4 =	smul.u32 $0x4E20, s0  }
0x3: {  	s6 =	rddreg [dreg:$0x0];
	s8 =	smul.u32 $0x2710, s0  }
0x4: {  	s2 =	rddreg [dreg:$0x1];
	s5 =	sand.u32 $0x1, s1;
	s10 =	smul.u32 $0x9C40, s0  }
0x5: {  	s3 =	simm.s32 $0x0;
	s1 =	rddreg [dreg:$0x2];
	s7 =	smul.u32 $0x2710, s5  }
0x6: {  	[smem:$0x7FF] =	sst s3;
	s12 =	sshll.u32 s0, $0x6;
	s9 =	smul.u32 $0x27100, s5  }
0x7: {  	_ =	strace $0x8000004A;
	s29 =	ssub.s32 $0x2, s5;
	s13 =	smul.u32 $0x4E20, s5  }
0x8: {  	s5 =	sor.u32 $0x1C01, s12;
	s12 =	simm.s32 $0x50;
	s26 =	sadd.s32 s10, s6  }
0x9: {  	s11 =	sshrl.u32 s29, $0x1;
	s30 =	sadd.s32 s8, s2;
	s4 =	sadd.s32 s7, s4  }
0xa: {  	s25 =	sadd.s32 s8, s9;
	s31 =	sadd.s32 s13, s26;
	s10 =	sshrl.u32 s30, $0x3  }
0xb: {  	s13 =	simm.s32 $0x0;
	s4 =	sshrl.u32 s4, $0x3;
	s7 =	sshrl.u32 s25, $0x3  }
0xc: {  	s8 =	sadd.s32 $0x5D9C00, s31;
	s28 =	sadd.s32 s4, s6;
	s4 =	sadd.s32 $0x34400, s6  }
0xd: {  	s6 =	sadd.s32 s7, s6;
	s7 =	ssub.s32 s29, s11;
	s11 =	simm.s32 $0x1  }
0xe: {  	s6 =	sadd.s32 $0x34A00, s6;
	s7 =	smax.u32 s7, $0x1;
	s9 =	sadd.s32 $0x6A200, s28  }
.LBB2_1:
0xf: {  	[spmem:s10], [sflag:s5] =	dma.local [hbm:s4], $0x4E2  }
0x10: {  	_ =	swait.ge [sflag:s11], $0x4E2  }
0x11: {  	[sflag:s11] =	ssyncset.done $0x0  }
0x12: {  	[sflag:s11] =	ssyncadd.s32 $0xFFFFFB1E  }
0x13: {  	s14 =	sadd.s32 $0x0, s9;
	[bflag:$0x0] =	sbarrier.arrive $0xFFFF  }
0x14: {  	[tilespmem:s3], [sflag:$0x1] =	stream.linear.gather [hbm4b:s14+s3], $0x50, $0x38;
	[tilespmem:$0x2C60] =	vst v63  }
0x15: {  	_ =	swait.ge [sflag:s11], $0x50  }
0x16: {  	[sflag:s11] =	ssyncset.done $0x0  }
0x17: {  	[sflag:s11] =	ssyncadd.s32 $0xFFFFFFB0  }
0x18: {  	[tilespmem:s12], [sflag:$0x1] =	stream.linear.gather [hbm4b:s8+s3], $0x500, $0x38;
	[tilespmem:$0x2C60] =	vst v63  }
0x19: {  	_ =	swait.ge [sflag:s11], $0x500  }
0x1a: {  	[sflag:s11] =	ssyncset.done $0x0  }
0x1b: {  	[sflag:s11] =	ssyncadd.s32 $0xFFFFFB00  }
0x1c: {  	[spmem:s2] =	stream.indirect.scatter.add.f32 [tilespmem:s12], [sflag:$0x1], $0x10, s3, s12, $0xb8;
	[tilespmem:$0x2C60] =	vst v63  }
0x1d: {  	s15 =	simm.s32 $0xA;
	_ =	swait.ge [sflag:s11], $0x500  }
0x1e: {  	s16 =	simm.s32 $0x14;
	s14 =	sadd.s32 $0xA0, s8;
	[sflag:s11] =	ssyncset.done $0x0  }
.LBB2_2:
0x1f: {  	s17 =	sadd.s32 s15, s9  }
0x20: {  	[sflag:s11] =	ssyncadd.s32 $0xFFFFFB00;
	s15 =	smov.u32 s16;
	s18 =	sadd.s32 $0xA, s16  }
0x21: {  	[tilespmem:s3], [sflag:$0x1] =	stream.linear.gather [hbm4b:s17+s3], $0x50, $0x38;
	[tilespmem:$0x2C60] =	vst v63  }
0x22: {  	p0 =	sne.s32 s16, $0x4D8;
	_ =	swait.ge [sflag:s11], $0x50  }
0x23: {  	[sflag:s11] =	ssyncset.done $0x0  }
0x24: {  	[sflag:s11] =	ssyncadd.s32 $0xFFFFFFB0  }
0x25: {  	[tilespmem:s12], [sflag:$0x1] =	stream.linear.gather [hbm4b:s14+s3], $0x500, $0x38;
	[tilespmem:$0x2C60] =	vst v63  }
0x26: {  	_ =	swait.ge [sflag:s11], $0x500  }
.Ltmp0:
0x27: {  	[sflag:s11] =	ssyncset.done $0x0;
	(pc) =	sbr.rel @p0 .LBB2_2-.Ltmp0, $4  }
0x28: {  	[sflag:s11] =	ssyncadd.s32 $0xFFFFFB00  }
0x29: {  	[spmem:s2] =	stream.indirect.scatter.add.f32 [tilespmem:s12], [sflag:$0x1], $0x10, s3, s12, $0xb8;
	[tilespmem:$0x2C60] =	vst v63  }
0x2a: {  	_ =	swait.ge [sflag:s11], $0x500  }
0x2b: {  	s16 =	smov.u32 s18;
	s14 =	sadd.s32 $0xA0, s14;
	[sflag:s11] =	ssyncset.done $0x0  }
0x2c: {  	s15 =	sadd.s32 s15, s9;
	[sflag:s11] =	ssyncadd.s32 $0xFFFFFB00  }
0x2d: {  	[tilespmem:s3], [sflag:$0x1] =	stream.linear.gather [hbm4b:s15+s3], $0x50, $0x38;
	[tilespmem:$0x2C60] =	vst v63  }
0x2e: {  	_ =	swait.ge [sflag:s11], $0x50  }
0x2f: {  	[sflag:s11] =	ssyncset.done $0x0  }
0x30: {  	[sflag:s11] =	ssyncadd.s32 $0xFFFFFFB0  }
0x31: {  	[tilespmem:s12], [sflag:$0x1] =	stream.linear.gather [hbm4b:s14+s3], $0x500, $0x38;
	[tilespmem:$0x2C60] =	vst v63  }
0x32: {  	_ =	swait.ge [sflag:s11], $0x500  }
0x33: {  	[sflag:s11] =	ssyncset.done $0x0  }
0x34: {  	[sflag:s11] =	ssyncadd.s32 $0xFFFFFB00  }
0x35: {  	[spmem:s2] =	stream.indirect.scatter.add.f32 [tilespmem:s12], [sflag:$0x1], $0x10, s3, s12, $0xb8;
	[tilespmem:$0x2C60] =	vst v63  }
0x36: {  	_ =	swait.ge [sflag:s11], $0x500  }
0x37: {  	s13 =	sadd.s32 $0x1, s13;
	[sflag:s11] =	ssyncset.done $0x0  }
0x38: {  	p0 =	sne.s32 s13, s7;
	[sflag:s11] =	ssyncadd.s32 $0xFFFFFB00  }
.Ltmp1:
0x39: {  	[bflag:$0x0] =	sbarrier.arrive $0xFFFF;
	(pc) =	sbr.rel @p0 .LBB2_1-.Ltmp1, $4  }
0x3a: {  	[hbm:s6], [sflag:s5] =	dma.local [spmem:s10], $0x4E2  }
0x3b: {  	_ =	swait.ge [sflag:s11], $0x4E2  }
0x3c: {  	[sflag:s11] =	ssyncset.done $0x0  }
0x3d: {  	[sflag:s11] =	ssyncadd.s32 $0xFFFFFB1E  }
0x3e: {  	_ =	sfence.sel $0x180000  }
0x3f: {  	[bflag:$0x0] =	sbarrier.arrive $0xFFFF  }
0x40: {  	p0 =	sne.s32 s0, $0x0;
	_ =	strace $0x9000004A  }
0x41: {  	s0 =	sadd.s32 @!p0 $0x100000, s1;
	[bflag:$0x2] =	sbarrier.arrive $0xFFFF  }
0x42: {  	[sflag:s0] =	ssyncadd.tile.s32 @!p0 $0x1;
	_ =	shalt  }
.Lfunc_end2:
_tile_overlayer_lowered:
.L_overlay_start_2:
0x43: {  	(tag) =	ssettag $0x2  }
0x44: {  	s0 =	rddreg [dreg:$0x0];
	s2 =	stileid.u32  }
0x45: {  	s1 =	rddreg [dreg:$0x1];
	p0 =	sne.s32 s2, $0x0  }
0x46: {  	s3 =	rddreg [dreg:$0x2];
	[bflag:$0x3] =	sbarrier.arrive $0xFFFF;
	s2 =	simm.s32 @!p0 $0x1C01  }
0x47: {  	[timem:s3], [sflag:s2] =	dma.local @!p0 [hbm:s0], s1  }
0x48: {  	s0 =	simm.s32 @!p0 $0x1  }
0x49: {  	_ =	swait.ge @!p0 [sflag:s0], s1  }
0x4a: {  	s1 =	ssub.s32 @!p0 $0x0, s1;
	[sflag:s0] =	ssyncset.done @!p0 $0x0  }
0x4b: {  	[sflag:s0] =	ssyncadd.s32 @!p0 s1  }
0x4c: {  	[bflag:$0x3] =	sbarrier.arrive $0xFFFF  }
0x4d: {  	_ =	shalt  }

// kernel: kernel.21.cloned.1.call-start
scs
__scs_entry_jumppad:
0x0: {  	(pc) =	sbr.rel $0x88, $3  }
0x1: {  	(tag) =	ssettag $0x0;
	lr =	simm.s32 $0x1  }
0x2: {  	[smem:$0x3F73] =	sst lr;
	_ =	strace $0xD0000000  }
0x3: {  	_ = 	snop  }
0x4: {  	_ = 	snop  }
0x5: {  	_ = 	snop  }
0x6: {  	_ = 	snop  }
0x7: {  	_ = 	snop  }
__scs_overlays_trampoline_lowered:
0x8: {  	[smem:$0x3F82] =	sst s0  }
0x9: {  	[smem:$0x3F83] =	sst s1  }
0xa: {  	[smem:$0x3F84] =	sst s2  }
0xb: {  	[smem:$0x3F85] =	sst s3  }
0xc: {  	[smem:$0x3F86] =	sst s4  }
0xd: {  	[smem:$0x3F87] =	sst s5  }
0xe: {  	[smem:$0x3F88] =	sst s6  }
0xf: {  	[smem:$0x3F89] =	sst s7  }
0x10: {  	[smem:$0x3F8A] =	sst s8  }
0x11: {  	[smem:$0x3F8B] =	sst s9;
	s0 =	simm.s32 @!p0 $0x0  }
0x12: {  	s1 =	sld [smem:$0x3F71];
	s0 =	simm.s32 @p0 $0x1  }
0x13: {  	[smem:$0x3F8C] =	sst s0;
	s0 =	simm.s32 @!p1 $0x0  }
0x14: {  	s2 =	sld [smem:$0x3F70];
	s0 =	simm.s32 @p1 $0x1  }
0x15: {  	[smem:$0x3F8D] =	sst s0;
	s0 =	simm.s32 @!p2 $0x0  }
0x16: {  	s3 =	sld [smem:$0x3FDB];
	s0 =	simm.s32 @p2 $0x1  }
0x17: {  	s4 =	simm.s32 $0x1BF5;
	[smem:$0x3F8F] =	sst s0  }
0x18: {  	s0 =	sld [smem:$0x3F72];
	_ =	swait.ge [sflag:s4], $0x0  }
0x19: {  	s7 =	sld [smem:$0x3F73]  }
0x1a: {  	s8 =	sadd.s32 $0xFFFFE003, lr  }
0x1b: {  	s9 =	sadd.s32 $0xFFFFFEF7, lr;
	s5 =	simm.s32 $0xFFFFFFFF;
	p2 =	slt.u32 s8, $0xFFFFF086  }
0x1c: {  	p1 =	slt.u32 s9, $0xF7A;
	s5 =	simm.s32 @!p2 $0x0  }
0x1d: {  	s5 =	simm.s32 @p1 $0x1;
	p0 =	seq.s32 s7, s2  }
0x1e: {  	s7 =	smul.u32 @!p0 $0xF7A, s2;
	p2 =	seq.s32 @!p0 s5, $0x0  }
0x1f: {  	s9 =	smul.u32 $0xF7A, s1;
	s8 =	simm.s32 @!p0 $0x1BF5;
	p2 =	por !p2, p0  }
0x20: {  	[sflag:s8] =	ssyncset.s32 @!p0 $0xFFFFF086;
	s6 =	sadd.s32 @!p0 s3, s7;
	s7 =	simm.s32 @!p0 $0x108  }
0x21: {  	s3 =	sadd.s32 s3, s9;
	s6 =	sadd.s32 @!p0 $0x88, s6;
	s7 =	simm.s32 @p2 $0x1082  }
0x22: {  	[simem:s7], [sflag:s8] =	dma.local @!p0 [hbm:s6], $0xF7A  }
0x23: {  	s9 =	sor.u32 $0xD0000000, s2;
	s6 =	simm.s32 $0x108;
	_ =	swait.ge @!p0 [sflag:s8], $0x0  }
0x24: {  	s3 =	sadd.s32 $0x88, s3;
	s6 =	simm.s32 @!p1 $0x1082;
	[sflag:s4] =	ssyncset.s32 $0xFFFFF086  }
0x25: {  	[simem:s6], [sflag:s4] =	dma.local [hbm:s3], $0xF7A  }
0x26: {  	[smem:$0x3F73] =	sst s1;
	(tag) =	ssettag s2;
	_ =	strace s9  }
0x27: {  	s1 =	sld [smem:$0x3F83]  }
0x28: {  	s2 =	sld [smem:$0x3F84]  }
0x29: {  	s4 =	sld [smem:$0x3F86]  }
0x2a: {  	p0 =	seq.s32 s5, $0x0;
	s5 =	sld [smem:$0x3F87]  }
0x2b: {  	s6 =	sld [smem:$0x3F88]  }
0x2c: {  	s7 =	sld [smem:$0x3F89]  }
0x2d: {  	s3 =	simm.s32 $0x108;
	s8 =	sld [smem:$0x3F8A]  }
0x2e: {  	s3 =	simm.s32 @!p0 $0x1082;
	s9 =	sld [smem:$0x3F8B]  }
0x2f: {  	lr =	sadd.s32 s0, s3;
	s0 =	sld [smem:$0x3F82]  }
0x30: {  	s3 =	sld [smem:$0x3F85]  }
0x31: {  	[smem:$0x3F8E] =	sst s10  }
0x32: {  	s10 =	sld [smem:$0x3F8C];
	_ =	sdelay $0x3  }
0x33: {  	p0 =	seq.s32 s10, $0x1;
	s10 =	sld [smem:$0x3F8E];
	_ =	sdelay $0x3  }
0x34: {  	[smem:$0x3F8E] =	sst s10  }
0x35: {  	s10 =	sld [smem:$0x3F8D];
	_ =	sdelay $0x3  }
0x36: {  	p1 =	seq.s32 s10, $0x1;
	s10 =	sld [smem:$0x3F8E];
	_ =	sdelay $0x3  }
0x37: {  	[smem:$0x3F8E] =	sst s10  }
0x38: {  	s10 =	sld [smem:$0x3F8F]  }
0x39: {  	_ = 	snop;
	(pc) =	sbr.ind lr, $3  }
0x3a: {  	_ = 	snop  }
0x3b: {  	_ = 	snop  }
0x3c: {  	p2 =	seq.s32 s10, $0x1;
	s10 =	sld [smem:$0x3F8E]  }
0x3d: {  	_ =	shalt  }
0x3e: {  	_ =	shalt  }
0x3f: {  	_ =	shalt  }
0x40: {  	_ =	shalt  }
0x41: {  	_ =	shalt  }
0x42: {  	_ =	shalt  }
0x43: {  	_ =	shalt  }
0x44: {  	_ =	shalt  }
0x45: {  	_ =	shalt  }
0x46: {  	_ =	shalt  }
0x47: {  	_ =	shalt  }
0x48: {  	_ =	shalt  }
0x49: {  	_ =	shalt  }
0x4a: {  	_ =	shalt  }
0x4b: {  	_ =	shalt  }
0x4c: {  	_ =	shalt  }
0x4d: {  	_ =	shalt  }
0x4e: {  	_ =	shalt  }
0x4f: {  	_ =	shalt  }
0x50: {  	_ =	shalt  }
0x51: {  	_ =	shalt  }
0x52: {  	_ =	shalt  }
0x53: {  	_ =	shalt  }
0x54: {  	_ =	shalt  }
0x55: {  	_ =	shalt  }
0x56: {  	_ =	shalt  }
0x57: {  	_ =	shalt  }
0x58: {  	_ =	shalt  }
0x59: {  	_ =	shalt  }
0x5a: {  	_ =	shalt  }
0x5b: {  	_ =	shalt  }
0x5c: {  	_ =	shalt  }
0x5d: {  	_ =	shalt  }
0x5e: {  	_ =	shalt  }
0x5f: {  	_ =	shalt  }
0x60: {  	_ =	shalt  }
0x61: {  	_ =	shalt  }
0x62: {  	_ =	shalt  }
0x63: {  	_ =	shalt  }
0x64: {  	_ =	shalt  }
0x65: {  	_ =	shalt  }
0x66: {  	_ =	shalt  }
0x67: {  	_ =	shalt  }
0x68: {  	_ =	shalt  }
0x69: {  	_ =	shalt  }
0x6a: {  	_ =	shalt  }
0x6b: {  	_ =	shalt  }
0x6c: {  	_ =	shalt  }
0x6d: {  	_ =	shalt  }
0x6e: {  	_ =	shalt  }
0x6f: {  	_ =	shalt  }
0x70: {  	_ =	shalt  }
0x71: {  	_ =	shalt  }
0x72: {  	_ =	shalt  }
0x73: {  	_ =	shalt  }
0x74: {  	_ =	shalt  }
0x75: {  	_ =	shalt  }
0x76: {  	_ =	shalt  }
0x77: {  	_ =	shalt  }
0x78: {  	_ =	shalt  }
0x79: {  	_ =	shalt  }
0x7a: {  	_ =	shalt  }
0x7b: {  	_ =	shalt  }
0x7c: {  	_ =	shalt  }
0x7d: {  	_ =	shalt  }
0x7e: {  	_ =	shalt  }
0x7f: {  	_ =	shalt  }
0x80: {  	_ =	shalt  }
0x81: {  	_ =	shalt  }
0x82: {  	_ =	shalt  }
0x83: {  	_ =	shalt  }
0x84: {  	_ =	shalt  }
0x85: {  	_ =	shalt  }
0x86: {  	_ =	shalt  }
0x87: {  	_ =	shalt  }
.Lfunc_end0:
.L_simem_size_0:
called_computation.2_lowered:
.L_overlay_start_0:
0x88: {  	s2 =	sld [smem:$0x3FD9]  }
0x89: {  	s3 =	sld [smem:$0x3FFE];
	_ =	sdelay $0x1  }
0x8a: {  	s1 =	srdreg.scid  }
0x8b: {  	s0 =	sand.u32 $0x1, s1  }
0x8c: {  	s16 =	sshll.u32 s0, $0xA;
	s2 =	sadd.s32 s3, s2  }
0x8d: {  	s2 =	sadd.s32 s2, s16  }
0x8e: {  	[smem:$0x3F9A] =	sst s2  }
0x8f: {  	_ = 	snop  }
0x90: {  	(tm) =	ssettm $0x1  }
0x91: {  	s17 =	sld [smem:$0x3FFB];
	_ =	sdelay $0x3  }
0x92: {  	_ =	strace s17  }
0x93: {  	s2 =	sld [smem:$0x3FFC];
	_ =	sdelay $0x3  }
0x94: {  	_ =	strace s2  }
0x95: {  	s2 =	sld [smem:$0x3FFD];
	_ =	sdelay $0x3  }
0x96: {  	_ =	strace s2  }
0x97: {  	_ =	strace $0x8FFFFFFF  }
0x98: {  	s18 =	sld [smem:$0x3FDB];
	_ =	sdelay $0x1  }
0x99: {  	s19 =	simm.s32 $_scs_section_size  }
0x9a: {  	s4 =	simm.s32 $_size__tile_overlayer_lowered;
	s5 =	simm.s32 $_tile_overlayer_lowered  }
0x9b: {  	s22 =	simm.s32 $0x1BFF;
	s21 =	sshll.u32 s5, $0x1;
	s2 =	sadd.s32 s19, s18  }
0x9c: {  	s6 =	simm.s32 $0x0;
	s20 =	sshll.u32 s4, $0x1;
	s4 =	sadd.s32 s21, s2  }
0x9d: {  	[timem:s6], [sflag:s22] =	dma.local [hbm:s4], s20  }
0x9e: {  	_ =	swait.ge [sflag:s22], s20  }
0x9f: {  	s3 =	ssub.s32 $0x0, s20;
	[sflag:s22] =	ssyncset.done $0x0  }
0xa0: {  	[sflag:s22] =	ssyncadd.s32 s3;
	_ =	sdelay $0x1  }
0xa1: {  	s23 =	simm.s32 $0x1B8B  }
0xa2: {  	_ =	swait.ge [sflag:s23], $0x1  }
0xa3: {  	[sflag:s23] =	ssyncset.done $0x0  }
0xa4: {  	s25 =	simm.s32 $0x1B8E;
	s24 =	sld [smem:$0x3FFE];
	[sflag:s23] =	ssyncadd.s32 $0xFFFFFFFF  }
0xa5: {  	s26 =	simm.s32 $execute0_lowered;
	[smem:$0x3FD2] =	sst s25  }
0xa6: {  	s4 =	sshll.u32 s26, $0x1;
	_ =	strace $0x8000004C;
	[dreg:$0x1] =	wrdreg $0xFFFFFFFF  }
0xa7: {  	s28 =	simm.s32 $_size_execute0_lowered;
	s2 =	sadd.s32 s2, s4;
	[dreg:$0x0] =	wrdreg $0x0  }
0xa8: {  	s4 =	sshll.u32 s28, $0x1;
	[dreg:$0x2] =	wrdreg s2  }
0xa9: {  	[dreg:$0x3] =	wrdreg s4  }
0xaa: {  	[dreg:$0x4] =	wrdreg $0xC0  }
0xab: {  	_ =	task [dreg:s6], $0x5FFFF  }
0xac: {  	[dreg:$0x1] =	wrdreg $0xFFFFFFFF  }
0xad: {  	[dreg:$0x0] =	wrdreg $0x60  }
0xae: {  	[dreg:$0x2] =	wrdreg s24  }
0xaf: {  	[dreg:$0x3] =	wrdreg $0x9  }
0xb0: {  	_ =	task.clear_ibuf [dreg:s6], $0x4FFFF;
	_ =	strace $0x9000004C  }
0xb1: {  	s29 =	simm.s32 $0x9;
	_ =	strace $0x8000004E  }
0xb2: {  	_ =	swait.ge [sflag:s29], $0x1  }
0xb3: {  	[sflag:s29] =	ssyncadd.s32 $0xFFFFFFFF  }
0xb4: {  	_ =	strace $0x9000004E  }
0xb5: {  	_ =	sfence  }
0xb6: {  	s30 =	sld [smem:$0x0];
	_ =	sdelay $0x2  }
0xb7: {  	s31 =	sshll.u32 s1, $0xD;
	s1 =	sshrl.u32 s1, $0x2  }
0xb8: {  	s3 =	sand.u32 $0x4000, s31;
	s1 =	sadd.s32 s1, s30  }
0xb9: {  	s0 =	sor.u32 s3, s0;
	s1 =	sshll.u32 s1, $0x11  }
0xba: {  	s0 =	sor.u32 s1, s0  }
0xbb: {  	s0 =	sadd.s32 $0x8F2B, s0  }
0xbc: {  	[sflag:s0] =	ssyncadd.remote.s32 $0x1  }
0xbd: {  	_ =	sfence.sel $0xFFFF  }
0xbe: {  	[dreg:$0x0] =	wrdreg $0xFFFFFFFF;
	(pc) =	sbr.abs _section_cstart, $3  }
0xbf: {  	[dreg:$0x1] =	wrdreg $0xFFFFFFFF  }
0xc0: {  	_ =	task.clear_ibuf [dreg:s6], $0x2FFFF;
	_ =	strace $0x9FFFFFFF  }
0xc1: {  	(tm) =	ssettm $0x7FFFFFFF  }
tec
execute0_lowered:
.L_overlay_start_1:
0x0: {  	(tag) =	ssettag $0x1  }
0x1: {  	s5 =	rddreg [dreg:$0x0]  }
0x2: {  	s0 =	rddreg [dreg:$0x1];
	s2 =	simm.s32 $0x0;
	s3 =	srdreg.scid  }
0x3: {  	s1 =	stileid.u32;
	s12 =	simm.s32 $0xA0;
	s13 =	simm.s32 $0x2DA0  }
0x4: {  	s14 =	simm.s32 $0x1;
	s15 =	simm.s32 $0x2;
	s7 =	smul.u32 $0x4E20, s1  }
0x5: {  	s16 =	simm.s32 $0x0;
	s6 =	sand.u32 $0x1, s3;
	s9 =	smul.u32 $0x57E40, s1  }
0x6: {  	[smem:$0x7FF] =	sst s2;
	s3 =	sadd.s32 $0x145C00, s5;
	s8 =	smul.u32 $0x2710, s6  }
0x7: {  	s4 =	sadd.s32 $0x74200, s5;
	s29 =	ssub.s32 $0x2, s6;
	s6 =	smul.u32 $0x2BF20, s6  }
0x8: {  	_ =	strace $0x8000004D;
	s9 =	sadd.s32 s9, s5;
	s10 =	sshrl.u32 s29, $0x1  }
0x9: {  	s7 =	sadd.s32 s8, s7;
	s30 =	ssub.s32 s29, s10;
	s31 =	sadd.s32 s6, s9  }
0xa: {  	s10 =	simm.s32 $0x3;
	s7 =	sshrl.u32 s7, $0x3;
	s6 =	sadd.s32 $0x6F0000, s31  }
0xb: {  	s11 =	sadd.s32 s7, s5;
	s5 =	smax.u32 s30, $0x1;
	s7 =	sadd.s32 $0x171C00, s31  }
0xc: {  	s8 =	sadd.s32 $0x60400, s11;
	s9 =	sadd.s32 $0x6A200, s11;
	s11 =	simm.s32 $0x50  }
.LBB2_1:
0xd: {  	s17 =	sadd.s32 $0x0, s9  }
0xe: {  	[tilespmem:s2], [sflag:$0x3] =	stream.linear.gather [hbm4b:s17+s2], $0x50, $0x38;
	[tilespmem:$0x5AA0] =	vst v63  }
0xf: {  	_ =	swait.ge [sflag:s10], $0x50  }
0x10: {  	[sflag:s10] =	ssyncset.done $0x0  }
0x11: {  	s31 =	sadd.s32 $0x0, s8;
	[sflag:s10] =	ssyncadd.s32 $0xFFFFFFB0  }
0x12: {  	[tilespmem:s11], [sflag:$0x3] =	stream.linear.gather [hbm4b:s31+s2], $0x50, $0x38;
	[tilespmem:$0x5AA0] =	vst v63  }
0x13: {  	_ =	swait.ge [sflag:s10], $0x50  }
0x14: {  	[sflag:s10] =	ssyncset.done $0x0  }
0x15: {  	[sflag:s10] =	ssyncadd.s32 $0xFFFFFFB0  }
0x16: {  	[tilespmem:s12], [sflag:$0x1] =	stream.indirect.gather [hbm4b:s3+s11], $0x90, s2, s11, $0xb8;
	[tilespmem:$0x5AA0] =	vst v63  }
0x17: {  	_ = 	snop  }
0x18: {  	[tilespmem:s13], [sflag:$0x2] =	stream.indirect.gather [hbm4b:s4+s11], $0x90, s11, s11, $0xb8;
	[tilespmem:$0x5AA0] =	vst v63  }
0x19: {  	_ =	swait.ge [sflag:s14], $0x2D00  }
0x1a: {  	[sflag:s14] =	ssyncset.done $0x0  }
0x1b: {  	[sflag:s14] =	ssyncadd.s32 $0xFFFFD300  }
0x1c: {  	_ =	swait.ge [sflag:s15], $0x2D00  }
0x1d: {  	[sflag:s15] =	ssyncset.done $0x0  }
0x1e: {  	[sflag:s15] =	ssyncadd.s32 $0xFFFFD300  }
0x1f: {  	[hbm4b:s6+s2] =	stream.linear.scatter [tilespmem:s12], [sflag:$0x3], $0x2D00, $0x38;
	[tilespmem:$0x5AA0] =	vst v63  }
0x20: {  	_ =	swait.ge [sflag:s10], $0x2D00  }
0x21: {  	[sflag:s10] =	ssyncset.done $0x0  }
0x22: {  	[sflag:s10] =	ssyncadd.s32 $0xFFFFD300  }
0x23: {  	[hbm4b:s7+s2] =	stream.linear.scatter [tilespmem:s13], [sflag:$0x3], $0x2D00, $0x38;
	[tilespmem:$0x5AA0] =	vst v63  }
0x24: {  	s19 =	simm.s32 $0xA;
	s20 =	simm.s32 $0x14;
	_ =	swait.ge [sflag:s10], $0x2D00  }
0x25: {  	s18 =	sadd.s32 $0x5A0, s6;
	s17 =	sadd.s32 $0x5A0, s7;
	[sflag:s10] =	ssyncset.done $0x0  }
.LBB2_2:
0x26: {  	s21 =	sadd.s32 s19, s9  }
0x27: {  	[sflag:s10] =	ssyncadd.s32 $0xFFFFD300;
	s22 =	smov.u32 s20;
	s23 =	sadd.s32 $0xA, s20  }
0x28: {  	[tilespmem:s2], [sflag:$0x3] =	stream.linear.gather [hbm4b:s21+s2], $0x50, $0x38;
	[tilespmem:$0x5AA0] =	vst v63  }
0x29: {  	p0 =	sne.s32 s20, $0x4D8;
	_ =	swait.ge [sflag:s10], $0x50  }
0x2a: {  	[sflag:s10] =	ssyncset.done $0x0  }
0x2b: {  	s20 =	sadd.s32 s19, s8;
	s19 =	smov.u32 s22;
	[sflag:s10] =	ssyncadd.s32 $0xFFFFFFB0  }
0x2c: {  	[tilespmem:s11], [sflag:$0x3] =	stream.linear.gather [hbm4b:s20+s2], $0x50, $0x38;
	[tilespmem:$0x5AA0] =	vst v63  }
0x2d: {  	_ =	swait.ge [sflag:s10], $0x50  }
0x2e: {  	[sflag:s10] =	ssyncset.done $0x0  }
0x2f: {  	[sflag:s10] =	ssyncadd.s32 $0xFFFFFFB0  }
0x30: {  	[tilespmem:s12], [sflag:$0x1] =	stream.indirect.gather [hbm4b:s3+s11], $0x90, s2, s11, $0xb8;
	[tilespmem:$0x5AA0] =	vst v63  }
0x31: {  	_ = 	snop  }
0x32: {  	[tilespmem:s13], [sflag:$0x2] =	stream.indirect.gather [hbm4b:s4+s11], $0x90, s11, s11, $0xb8;
	[tilespmem:$0x5AA0] =	vst v63  }
0x33: {  	_ =	swait.ge [sflag:s14], $0x2D00  }
0x34: {  	[sflag:s14] =	ssyncset.done $0x0  }
0x35: {  	[sflag:s14] =	ssyncadd.s32 $0xFFFFD300  }
0x36: {  	_ =	swait.ge [sflag:s15], $0x2D00  }
0x37: {  	[sflag:s15] =	ssyncset.done $0x0  }
0x38: {  	[sflag:s15] =	ssyncadd.s32 $0xFFFFD300  }
0x39: {  	[hbm4b:s18+s2] =	stream.linear.scatter [tilespmem:s12], [sflag:$0x3], $0x2D00, $0x38;
	[tilespmem:$0x5AA0] =	vst v63  }
0x3a: {  	_ =	swait.ge [sflag:s10], $0x2D00  }
.Ltmp0:
0x3b: {  	[sflag:s10] =	ssyncset.done $0x0;
	(pc) =	sbr.rel @p0 .LBB2_2-.Ltmp0, $4  }
0x3c: {  	[sflag:s10] =	ssyncadd.s32 $0xFFFFD300  }
0x3d: {  	[hbm4b:s17+s2] =	stream.linear.scatter [tilespmem:s13], [sflag:$0x3], $0x2D00, $0x38;
	[tilespmem:$0x5AA0] =	vst v63  }
0x3e: {  	s20 =	smov.u32 s23;
	_ =	swait.ge [sflag:s10], $0x2D00  }
0x3f: {  	s18 =	sadd.s32 $0x5A0, s18;
	s17 =	sadd.s32 $0x5A0, s17;
	[sflag:s10] =	ssyncset.done $0x0  }
0x40: {  	s20 =	sadd.s32 s19, s9;
	[sflag:s10] =	ssyncadd.s32 $0xFFFFD300  }
0x41: {  	[tilespmem:s2], [sflag:$0x3] =	stream.linear.gather [hbm4b:s20+s2], $0x50, $0x38;
	[tilespmem:$0x5AA0] =	vst v63  }
0x42: {  	_ =	swait.ge [sflag:s10], $0x50  }
0x43: {  	[sflag:s10] =	ssyncset.done $0x0  }
0x44: {  	s31 =	sadd.s32 s19, s8;
	[sflag:s10] =	ssyncadd.s32 $0xFFFFFFB0  }
0x45: {  	[tilespmem:s11], [sflag:$0x3] =	stream.linear.gather [hbm4b:s31+s2], $0x50, $0x38;
	[tilespmem:$0x5AA0] =	vst v63  }
0x46: {  	_ =	swait.ge [sflag:s10], $0x50  }
0x47: {  	[sflag:s10] =	ssyncset.done $0x0  }
0x48: {  	[sflag:s10] =	ssyncadd.s32 $0xFFFFFFB0  }
0x49: {  	[tilespmem:s12], [sflag:$0x1] =	stream.indirect.gather [hbm4b:s3+s11], $0x90, s2, s11, $0xb8;
	[tilespmem:$0x5AA0] =	vst v63  }
0x4a: {  	_ = 	snop  }
0x4b: {  	[tilespmem:s13], [sflag:$0x2] =	stream.indirect.gather [hbm4b:s4+s11], $0x90, s11, s11, $0xb8;
	[tilespmem:$0x5AA0] =	vst v63  }
0x4c: {  	_ =	swait.ge [sflag:s14], $0x2D00  }
0x4d: {  	[sflag:s14] =	ssyncset.done $0x0  }
0x4e: {  	[sflag:s14] =	ssyncadd.s32 $0xFFFFD300  }
0x4f: {  	_ =	swait.ge [sflag:s15], $0x2D00  }
0x50: {  	[sflag:s15] =	ssyncset.done $0x0  }
0x51: {  	[sflag:s15] =	ssyncadd.s32 $0xFFFFD300  }
0x52: {  	[hbm4b:s18+s2] =	stream.linear.scatter [tilespmem:s12], [sflag:$0x3], $0x2D00, $0x38;
	[tilespmem:$0x5AA0] =	vst v63  }
0x53: {  	s16 =	sadd.s32 $0x1, s16;
	_ =	swait.ge [sflag:s10], $0x2D00  }
0x54: {  	p0 =	sne.s32 s16, s5;
	[sflag:s10] =	ssyncset.done $0x0  }
.Ltmp1:
0x55: {  	[sflag:s10] =	ssyncadd.s32 $0xFFFFD300;
	(pc) =	sbr.rel @p0 .LBB2_1-.Ltmp1, $4  }
0x56: {  	[hbm4b:s17+s2] =	stream.linear.scatter [tilespmem:s13], [sflag:$0x3], $0x2D00, $0x38;
	[tilespmem:$0x5AA0] =	vst v63  }
0x57: {  	_ =	swait.ge [sflag:s10], $0x2D00  }
0x58: {  	[sflag:s10] =	ssyncset.done $0x0  }
0x59: {  	[sflag:s10] =	ssyncadd.s32 $0xFFFFD300  }
0x5a: {  	_ =	sfence.sel $0x180000  }
0x5b: {  	[bflag:$0x0] =	sbarrier.arrive $0xFFFF  }
0x5c: {  	p0 =	sne.s32 s1, $0x0;
	_ =	strace $0x9000004D  }
0x5d: {  	s0 =	sadd.s32 @!p0 $0x100000, s0;
	[bflag:$0x2] =	sbarrier.arrive $0xFFFF  }
0x5e: {  	[sflag:s0] =	ssyncadd.tile.s32 @!p0 $0x1;
	_ =	shalt  }
.Lfunc_end2:
_tile_overlayer_lowered:
.L_overlay_start_2:
0x5f: {  	(tag) =	ssettag $0x2  }
0x60: {  	s0 =	rddreg [dreg:$0x0];
	s2 =	stileid.u32  }
0x61: {  	s1 =	rddreg [dreg:$0x1];
	p0 =	sne.s32 s2, $0x0  }
0x62: {  	s3 =	rddreg [dreg:$0x2];
	[bflag:$0x3] =	sbarrier.arrive $0xFFFF;
	s2 =	simm.s32 @!p0 $0x1C03  }
0x63: {  	[timem:s3], [sflag:s2] =	dma.local @!p0 [hbm:s0], s1  }
0x64: {  	s0 =	simm.s32 @!p0 $0x3  }
0x65: {  	_ =	swait.ge @!p0 [sflag:s0], s1  }
0x66: {  	s1 =	ssub.s32 @!p0 $0x0, s1;
	[sflag:s0] =	ssyncset.done @!p0 $0x0  }
0x67: {  	[sflag:s0] =	ssyncadd.s32 @!p0 s1  }
0x68: {  	[bflag:$0x3] =	sbarrier.arrive $0xFFFF  }
0x69: {  	_ =	shalt  }

// kernel: kernel.24.cloned.1.call-start
scs
__scs_entry_jumppad:
0x0: {  	(pc) =	sbr.rel $0x88, $3  }
0x1: {  	(tag) =	ssettag $0x0;
	lr =	simm.s32 $0x1  }
0x2: {  	[smem:$0x3F73] =	sst lr;
	_ =	strace $0xD0000000  }
0x3: {  	_ = 	snop  }
0x4: {  	_ = 	snop  }
0x5: {  	_ = 	snop  }
0x6: {  	_ = 	snop  }
0x7: {  	_ = 	snop  }
__scs_overlays_trampoline_lowered:
0x8: {  	[smem:$0x3F82] =	sst s0  }
0x9: {  	[smem:$0x3F83] =	sst s1  }
0xa: {  	[smem:$0x3F84] =	sst s2  }
0xb: {  	[smem:$0x3F85] =	sst s3  }
0xc: {  	[smem:$0x3F86] =	sst s4  }
0xd: {  	[smem:$0x3F87] =	sst s5  }
0xe: {  	[smem:$0x3F88] =	sst s6  }
0xf: {  	[smem:$0x3F89] =	sst s7  }
0x10: {  	[smem:$0x3F8A] =	sst s8  }
0x11: {  	[smem:$0x3F8B] =	sst s9;
	s0 =	simm.s32 @!p0 $0x0  }
0x12: {  	s1 =	sld [smem:$0x3F71];
	s0 =	simm.s32 @p0 $0x1  }
0x13: {  	[smem:$0x3F8C] =	sst s0;
	s0 =	simm.s32 @!p1 $0x0  }
0x14: {  	s2 =	sld [smem:$0x3F70];
	s0 =	simm.s32 @p1 $0x1  }
0x15: {  	[smem:$0x3F8D] =	sst s0;
	s0 =	simm.s32 @!p2 $0x0  }
0x16: {  	s3 =	sld [smem:$0x3FDB];
	s0 =	simm.s32 @p2 $0x1  }
0x17: {  	s4 =	simm.s32 $0x1BF5;
	[smem:$0x3F8F] =	sst s0  }
0x18: {  	s0 =	sld [smem:$0x3F72];
	_ =	swait.ge [sflag:s4], $0x0  }
0x19: {  	s7 =	sld [smem:$0x3F73]  }
0x1a: {  	s8 =	sadd.s32 $0xFFFFE003, lr  }
0x1b: {  	s9 =	sadd.s32 $0xFFFFFEF7, lr;
	s5 =	simm.s32 $0xFFFFFFFF;
	p2 =	slt.u32 s8, $0xFFFFF086  }
0x1c: {  	p1 =	slt.u32 s9, $0xF7A;
	s5 =	simm.s32 @!p2 $0x0  }
0x1d: {  	s5 =	simm.s32 @p1 $0x1;
	p0 =	seq.s32 s7, s2  }
0x1e: {  	s7 =	smul.u32 @!p0 $0xF7A, s2;
	p2 =	seq.s32 @!p0 s5, $0x0  }
0x1f: {  	s9 =	smul.u32 $0xF7A, s1;
	s8 =	simm.s32 @!p0 $0x1BF5;
	p2 =	por !p2, p0  }
0x20: {  	[sflag:s8] =	ssyncset.s32 @!p0 $0xFFFFF086;
	s6 =	sadd.s32 @!p0 s3, s7;
	s7 =	simm.s32 @!p0 $0x108  }
0x21: {  	s3 =	sadd.s32 s3, s9;
	s6 =	sadd.s32 @!p0 $0x88, s6;
	s7 =	simm.s32 @p2 $0x1082  }
0x22: {  	[simem:s7], [sflag:s8] =	dma.local @!p0 [hbm:s6], $0xF7A  }
0x23: {  	s9 =	sor.u32 $0xD0000000, s2;
	s6 =	simm.s32 $0x108;
	_ =	swait.ge @!p0 [sflag:s8], $0x0  }
0x24: {  	s3 =	sadd.s32 $0x88, s3;
	s6 =	simm.s32 @!p1 $0x1082;
	[sflag:s4] =	ssyncset.s32 $0xFFFFF086  }
0x25: {  	[simem:s6], [sflag:s4] =	dma.local [hbm:s3], $0xF7A  }
0x26: {  	[smem:$0x3F73] =	sst s1;
	(tag) =	ssettag s2;
	_ =	strace s9  }
0x27: {  	s1 =	sld [smem:$0x3F83]  }
0x28: {  	s2 =	sld [smem:$0x3F84]  }
0x29: {  	s4 =	sld [smem:$0x3F86]  }
0x2a: {  	p0 =	seq.s32 s5, $0x0;
	s5 =	sld [smem:$0x3F87]  }
0x2b: {  	s6 =	sld [smem:$0x3F88]  }
0x2c: {  	s7 =	sld [smem:$0x3F89]  }
0x2d: {  	s3 =	simm.s32 $0x108;
	s8 =	sld [smem:$0x3F8A]  }
0x2e: {  	s3 =	simm.s32 @!p0 $0x1082;
	s9 =	sld [smem:$0x3F8B]  }
0x2f: {  	lr =	sadd.s32 s0, s3;
	s0 =	sld [smem:$0x3F82]  }
0x30: {  	s3 =	sld [smem:$0x3F85]  }
0x31: {  	[smem:$0x3F8E] =	sst s10  }
0x32: {  	s10 =	sld [smem:$0x3F8C];
	_ =	sdelay $0x3  }
0x33: {  	p0 =	seq.s32 s10, $0x1;
	s10 =	sld [smem:$0x3F8E];
	_ =	sdelay $0x3  }
0x34: {  	[smem:$0x3F8E] =	sst s10  }
0x35: {  	s10 =	sld [smem:$0x3F8D];
	_ =	sdelay $0x3  }
0x36: {  	p1 =	seq.s32 s10, $0x1;
	s10 =	sld [smem:$0x3F8E];
	_ =	sdelay $0x3  }
0x37: {  	[smem:$0x3F8E] =	sst s10  }
0x38: {  	s10 =	sld [smem:$0x3F8F]  }
0x39: {  	_ = 	snop;
	(pc) =	sbr.ind lr, $3  }
0x3a: {  	_ = 	snop  }
0x3b: {  	_ = 	snop  }
0x3c: {  	p2 =	seq.s32 s10, $0x1;
	s10 =	sld [smem:$0x3F8E]  }
0x3d: {  	_ =	shalt  }
0x3e: {  	_ =	shalt  }
0x3f: {  	_ =	shalt  }
0x40: {  	_ =	shalt  }
0x41: {  	_ =	shalt  }
0x42: {  	_ =	shalt  }
0x43: {  	_ =	shalt  }
0x44: {  	_ =	shalt  }
0x45: {  	_ =	shalt  }
0x46: {  	_ =	shalt  }
0x47: {  	_ =	shalt  }
0x48: {  	_ =	shalt  }
0x49: {  	_ =	shalt  }
0x4a: {  	_ =	shalt  }
0x4b: {  	_ =	shalt  }
0x4c: {  	_ =	shalt  }
0x4d: {  	_ =	shalt  }
0x4e: {  	_ =	shalt  }
0x4f: {  	_ =	shalt  }
0x50: {  	_ =	shalt  }
0x51: {  	_ =	shalt  }
0x52: {  	_ =	shalt  }
0x53: {  	_ =	shalt  }
0x54: {  	_ =	shalt  }
0x55: {  	_ =	shalt  }
0x56: {  	_ =	shalt  }
0x57: {  	_ =	shalt  }
0x58: {  	_ =	shalt  }
0x59: {  	_ =	shalt  }
0x5a: {  	_ =	shalt  }
0x5b: {  	_ =	shalt  }
0x5c: {  	_ =	shalt  }
0x5d: {  	_ =	shalt  }
0x5e: {  	_ =	shalt  }
0x5f: {  	_ =	shalt  }
0x60: {  	_ =	shalt  }
0x61: {  	_ =	shalt  }
0x62: {  	_ =	shalt  }
0x63: {  	_ =	shalt  }
0x64: {  	_ =	shalt  }
0x65: {  	_ =	shalt  }
0x66: {  	_ =	shalt  }
0x67: {  	_ =	shalt  }
0x68: {  	_ =	shalt  }
0x69: {  	_ =	shalt  }
0x6a: {  	_ =	shalt  }
0x6b: {  	_ =	shalt  }
0x6c: {  	_ =	shalt  }
0x6d: {  	_ =	shalt  }
0x6e: {  	_ =	shalt  }
0x6f: {  	_ =	shalt  }
0x70: {  	_ =	shalt  }
0x71: {  	_ =	shalt  }
0x72: {  	_ =	shalt  }
0x73: {  	_ =	shalt  }
0x74: {  	_ =	shalt  }
0x75: {  	_ =	shalt  }
0x76: {  	_ =	shalt  }
0x77: {  	_ =	shalt  }
0x78: {  	_ =	shalt  }
0x79: {  	_ =	shalt  }
0x7a: {  	_ =	shalt  }
0x7b: {  	_ =	shalt  }
0x7c: {  	_ =	shalt  }
0x7d: {  	_ =	shalt  }
0x7e: {  	_ =	shalt  }
0x7f: {  	_ =	shalt  }
0x80: {  	_ =	shalt  }
0x81: {  	_ =	shalt  }
0x82: {  	_ =	shalt  }
0x83: {  	_ =	shalt  }
0x84: {  	_ =	shalt  }
0x85: {  	_ =	shalt  }
0x86: {  	_ =	shalt  }
0x87: {  	_ =	shalt  }
.Lfunc_end0:
.L_simem_size_0:
called_computation.3_lowered:
.L_overlay_start_0:
0x88: {  	s2 =	sld [smem:$0x3FD9]  }
0x89: {  	s3 =	sld [smem:$0x3FFE];
	_ =	sdelay $0x1  }
0x8a: {  	s1 =	srdreg.scid  }
0x8b: {  	s0 =	sand.u32 $0x1, s1  }
0x8c: {  	s16 =	sshll.u32 s0, $0xA;
	s2 =	sadd.s32 s3, s2  }
0x8d: {  	s2 =	sadd.s32 s2, s16  }
0x8e: {  	[smem:$0x3F9A] =	sst s2  }
0x8f: {  	_ = 	snop  }
0x90: {  	(tm) =	ssettm $0x1  }
0x91: {  	s17 =	sld [smem:$0x3FFB];
	_ =	sdelay $0x3  }
0x92: {  	_ =	strace s17  }
0x93: {  	s2 =	sld [smem:$0x3FFC];
	_ =	sdelay $0x3  }
0x94: {  	_ =	strace s2  }
0x95: {  	s2 =	sld [smem:$0x3FFD];
	_ =	sdelay $0x3  }
0x96: {  	_ =	strace s2  }
0x97: {  	_ =	strace $0x8FFFFFFF  }
0x98: {  	s18 =	sld [smem:$0x3FDB];
	_ =	sdelay $0x1  }
0x99: {  	s19 =	simm.s32 $_scs_section_size  }
0x9a: {  	s4 =	simm.s32 $_size__tile_overlayer_lowered;
	s5 =	simm.s32 $_tile_overlayer_lowered  }
0x9b: {  	s22 =	simm.s32 $0x1BFF;
	s21 =	sshll.u32 s5, $0x1;
	s2 =	sadd.s32 s19, s18  }
0x9c: {  	s6 =	simm.s32 $0x0;
	s20 =	sshll.u32 s4, $0x1;
	s4 =	sadd.s32 s21, s2  }
0x9d: {  	[timem:s6], [sflag:s22] =	dma.local [hbm:s4], s20  }
0x9e: {  	_ =	swait.ge [sflag:s22], s20  }
0x9f: {  	s3 =	ssub.s32 $0x0, s20;
	[sflag:s22] =	ssyncset.done $0x0  }
0xa0: {  	[sflag:s22] =	ssyncadd.s32 s3;
	_ =	sdelay $0x1  }
0xa1: {  	s23 =	simm.s32 $0x1B8B  }
0xa2: {  	_ =	swait.ge [sflag:s23], $0x1  }
0xa3: {  	[sflag:s23] =	ssyncset.done $0x0  }
0xa4: {  	s25 =	simm.s32 $0x1B8E;
	s24 =	sld [smem:$0x3FFE];
	[sflag:s23] =	ssyncadd.s32 $0xFFFFFFFF  }
0xa5: {  	s26 =	simm.s32 $execute0_lowered;
	[smem:$0x3FD2] =	sst s25  }
0xa6: {  	s4 =	sshll.u32 s26, $0x1;
	_ =	strace $0x8000004F;
	[dreg:$0x1] =	wrdreg $0xFFFFFFFF  }
0xa7: {  	s28 =	simm.s32 $_size_execute0_lowered;
	s2 =	sadd.s32 s2, s4;
	[dreg:$0x0] =	wrdreg $0x0  }
0xa8: {  	s4 =	sshll.u32 s28, $0x1;
	[dreg:$0x2] =	wrdreg s2  }
0xa9: {  	[dreg:$0x3] =	wrdreg s4  }
0xaa: {  	[dreg:$0x4] =	wrdreg $0xC0  }
0xab: {  	_ =	task [dreg:s6], $0x5FFFF  }
0xac: {  	[dreg:$0x1] =	wrdreg $0xFFFFFFFF  }
0xad: {  	[dreg:$0x0] =	wrdreg $0x60  }
0xae: {  	[dreg:$0x2] =	wrdreg s24  }
0xaf: {  	[dreg:$0x3] =	wrdreg $0x2D500  }
0xb0: {  	[dreg:$0x4] =	wrdreg $0x9  }
0xb1: {  	_ =	task.clear_ibuf [dreg:s6], $0x5FFFF;
	_ =	strace $0x9000004F  }
0xb2: {  	s29 =	simm.s32 $0x9;
	_ =	strace $0x80000051  }
0xb3: {  	_ =	swait.ge [sflag:s29], $0x1  }
0xb4: {  	[sflag:s29] =	ssyncadd.s32 $0xFFFFFFFF  }
0xb5: {  	_ =	strace $0x90000051  }
0xb6: {  	_ =	sfence  }
0xb7: {  	s30 =	sld [smem:$0x0];
	_ =	sdelay $0x2  }
0xb8: {  	s31 =	sshll.u32 s1, $0xD;
	s1 =	sshrl.u32 s1, $0x2  }
0xb9: {  	s3 =	sand.u32 $0x4000, s31;
	s1 =	sadd.s32 s1, s30  }
0xba: {  	s0 =	sor.u32 s3, s0;
	s1 =	sshll.u32 s1, $0x11  }
0xbb: {  	s0 =	sor.u32 s1, s0  }
0xbc: {  	s0 =	sadd.s32 $0x8F2B, s0  }
0xbd: {  	[sflag:s0] =	ssyncadd.remote.s32 $0x1  }
0xbe: {  	_ =	sfence.sel $0xFFFF  }
0xbf: {  	[dreg:$0x0] =	wrdreg $0xFFFFFFFF;
	(pc) =	sbr.abs _section_cstart, $3  }
0xc0: {  	[dreg:$0x1] =	wrdreg $0xFFFFFFFF  }
0xc1: {  	_ =	task.clear_ibuf [dreg:s6], $0x2FFFF;
	_ =	strace $0x9FFFFFFF  }
0xc2: {  	(tm) =	ssettm $0x7FFFFFFF  }
0xc3: {  	_ =	shalt  }
tec
execute0_lowered:
.L_overlay_start_1:
0x0: {  	(tag) =	ssettag $0x1  }
0x1: {  	s0 =	stileid.u32  }
0x2: {  	s1 =	srdreg.scid;
	s4 =	smul.u32 $0x4E20, s0  }
0x3: {  	s6 =	rddreg [dreg:$0x0];
	s8 =	smul.u32 $0x15F90, s0  }
0x4: {  	s2 =	rddreg [dreg:$0x1];
	s5 =	sand.u32 $0x1, s1;
	s10 =	smul.u32 $0x57E40, s0  }
0x5: {  	s3 =	simm.s32 $0x0;
	s1 =	rddreg [dreg:$0x2];
	s7 =	smul.u32 $0x2710, s5  }
0x6: {  	[smem:$0x7FF] =	sst s3;
	s12 =	sshll.u32 s0, $0x6;
	s9 =	smul.u32 $0x15F900, s5  }
0x7: {  	_ =	strace $0x80000050;
	s29 =	ssub.s32 $0x2, s5;
	s13 =	smul.u32 $0x2BF20, s5  }
0x8: {  	s5 =	sor.u32 $0x1C01, s12;
	s12 =	simm.s32 $0x50;
	s26 =	sadd.s32 s10, s6  }
0x9: {  	s11 =	sshrl.u32 s29, $0x1;
	s30 =	sadd.s32 s8, s2;
	s4 =	sadd.s32 s7, s4  }
0xa: {  	s25 =	sadd.s32 s8, s9;
	s31 =	sadd.s32 s13, s26;
	s10 =	sshrl.u32 s30, $0x3  }
0xb: {  	s13 =	simm.s32 $0x0;
	s4 =	sshrl.u32 s4, $0x3;
	s7 =	sshrl.u32 s25, $0x3  }
0xc: {  	s8 =	sadd.s32 $0xB09C00, s31;
	s28 =	sadd.s32 s4, s6;
	s4 =	sadd.s32 $0x34600, s6  }
0xd: {  	s6 =	sadd.s32 s7, s6;
	s7 =	ssub.s32 s29, s11;
	s11 =	simm.s32 $0x1  }
0xe: {  	s6 =	sadd.s32 $0x74200, s6;
	s7 =	smax.u32 s7, $0x1;
	s9 =	sadd.s32 $0x6A200, s28  }
.LBB2_1:
0xf: {  	[spmem:s10], [sflag:s5] =	dma.local [hbm:s4], $0x2BF2  }
0x10: {  	_ =	swait.ge [sflag:s11], $0x2BF2  }
0x11: {  	[sflag:s11] =	ssyncset.done $0x0  }
0x12: {  	[sflag:s11] =	ssyncadd.s32 $0xFFFFD40E  }
0x13: {  	s14 =	sadd.s32 $0x0, s9;
	[bflag:$0x0] =	sbarrier.arrive $0xFFFF  }
0x14: {  	[tilespmem:s3], [sflag:$0x1] =	stream.linear.gather [hbm4b:s14+s3], $0x50, $0x38;
	[tilespmem:$0x18CE0] =	vst v63  }
0x15: {  	_ =	swait.ge [sflag:s11], $0x50  }
0x16: {  	[sflag:s11] =	ssyncset.done $0x0  }
0x17: {  	[sflag:s11] =	ssyncadd.s32 $0xFFFFFFB0  }
0x18: {  	[tilespmem:s12], [sflag:$0x1] =	stream.linear.gather [hbm4b:s8+s3], $0x2D00, $0x38;
	[tilespmem:$0x18CE0] =	vst v63  }
0x19: {  	_ =	swait.ge [sflag:s11], $0x2D00  }
0x1a: {  	[sflag:s11] =	ssyncset.done $0x0  }
0x1b: {  	[sflag:s11] =	ssyncadd.s32 $0xFFFFD300  }
0x1c: {  	[spmem:s2] =	stream.indirect.scatter.add.f32 [tilespmem:s12], [sflag:$0x1], $0x90, s3, s12, $0xb8;
	[tilespmem:$0x18CE0] =	vst v63  }
0x1d: {  	s15 =	simm.s32 $0xA;
	_ =	swait.ge [sflag:s11], $0x2D00  }
0x1e: {  	s16 =	simm.s32 $0x14;
	s14 =	sadd.s32 $0x5A0, s8;
	[sflag:s11] =	ssyncset.done $0x0  }
.LBB2_2:
0x1f: {  	s17 =	sadd.s32 s15, s9  }
0x20: {  	[sflag:s11] =	ssyncadd.s32 $0xFFFFD300;
	s15 =	smov.u32 s16;
	s18 =	sadd.s32 $0xA, s16  }
0x21: {  	[tilespmem:s3], [sflag:$0x1] =	stream.linear.gather [hbm4b:s17+s3], $0x50, $0x38;
	[tilespmem:$0x18CE0] =	vst v63  }
0x22: {  	p0 =	sne.s32 s16, $0x4D8;
	_ =	swait.ge [sflag:s11], $0x50  }
0x23: {  	[sflag:s11] =	ssyncset.done $0x0  }
0x24: {  	[sflag:s11] =	ssyncadd.s32 $0xFFFFFFB0  }
0x25: {  	[tilespmem:s12], [sflag:$0x1] =	stream.linear.gather [hbm4b:s14+s3], $0x2D00, $0x38;
	[tilespmem:$0x18CE0] =	vst v63  }
0x26: {  	_ =	swait.ge [sflag:s11], $0x2D00  }
.Ltmp0:
0x27: {  	[sflag:s11] =	ssyncset.done $0x0;
	(pc) =	sbr.rel @p0 .LBB2_2-.Ltmp0, $4  }
0x28: {  	[sflag:s11] =	ssyncadd.s32 $0xFFFFD300  }
0x29: {  	[spmem:s2] =	stream.indirect.scatter.add.f32 [tilespmem:s12], [sflag:$0x1], $0x90, s3, s12, $0xb8;
	[tilespmem:$0x18CE0] =	vst v63  }
0x2a: {  	_ =	swait.ge [sflag:s11], $0x2D00  }
0x2b: {  	s16 =	smov.u32 s18;
	s14 =	sadd.s32 $0x5A0, s14;
	[sflag:s11] =	ssyncset.done $0x0  }
0x2c: {  	s15 =	sadd.s32 s15, s9;
	[sflag:s11] =	ssyncadd.s32 $0xFFFFD300  }
0x2d: {  	[tilespmem:s3], [sflag:$0x1] =	stream.linear.gather [hbm4b:s15+s3], $0x50, $0x38;
	[tilespmem:$0x18CE0] =	vst v63  }
0x2e: {  	_ =	swait.ge [sflag:s11], $0x50  }
0x2f: {  	[sflag:s11] =	ssyncset.done $0x0  }
0x30: {  	[sflag:s11] =	ssyncadd.s32 $0xFFFFFFB0  }
0x31: {  	[tilespmem:s12], [sflag:$0x1] =	stream.linear.gather [hbm4b:s14+s3], $0x2D00, $0x38;
	[tilespmem:$0x18CE0] =	vst v63  }
0x32: {  	_ =	swait.ge [sflag:s11], $0x2D00  }
0x33: {  	[sflag:s11] =	ssyncset.done $0x0  }
0x34: {  	[sflag:s11] =	ssyncadd.s32 $0xFFFFD300  }
0x35: {  	[spmem:s2] =	stream.indirect.scatter.add.f32 [tilespmem:s12], [sflag:$0x1], $0x90, s3, s12, $0xb8;
	[tilespmem:$0x18CE0] =	vst v63  }
0x36: {  	_ =	swait.ge [sflag:s11], $0x2D00  }
0x37: {  	s13 =	sadd.s32 $0x1, s13;
	[sflag:s11] =	ssyncset.done $0x0  }
0x38: {  	p0 =	sne.s32 s13, s7;
	[sflag:s11] =	ssyncadd.s32 $0xFFFFD300  }
.Ltmp1:
0x39: {  	[bflag:$0x0] =	sbarrier.arrive $0xFFFF;
	(pc) =	sbr.rel @p0 .LBB2_1-.Ltmp1, $4  }
0x3a: {  	[hbm:s6], [sflag:s5] =	dma.local [spmem:s10], $0x2BF2  }
0x3b: {  	_ =	swait.ge [sflag:s11], $0x2BF2  }
0x3c: {  	[sflag:s11] =	ssyncset.done $0x0  }
0x3d: {  	[sflag:s11] =	ssyncadd.s32 $0xFFFFD40E  }
0x3e: {  	_ =	sfence.sel $0x180000  }
0x3f: {  	[bflag:$0x0] =	sbarrier.arrive $0xFFFF  }
0x40: {  	p0 =	sne.s32 s0, $0x0;
	_ =	strace $0x90000050  }
0x41: {  	s0 =	sadd.s32 @!p0 $0x100000, s1;
	[bflag:$0x2] =	sbarrier.arrive $0xFFFF  }
0x42: {  	[sflag:s0] =	ssyncadd.tile.s32 @!p0 $0x1;
	_ =	shalt  }
.Lfunc_end2:
_tile_overlayer_lowered:
.L_overlay_start_2:
0x43: {  	(tag) =	ssettag $0x2  }
0x44: {  	s0 =	rddreg [dreg:$0x0];
	s2 =	stileid.u32  }
0x45: {  	s1 =	rddreg [dreg:$0x1];
	p0 =	sne.s32 s2, $0x0  }
0x46: {  	s3 =	rddreg [dreg:$0x2];
	[bflag:$0x3] =	sbarrier.arrive $0xFFFF;
	s2 =	simm.s32 @!p0 $0x1C01  }
0x47: {  	[timem:s3], [sflag:s2] =	dma.local @!p0 [hbm:s0], s1  }
0x48: {  	s0 =	simm.s32 @!p0 $0x1  }
0x49: {  	_ =	swait.ge @!p0 [sflag:s0], s1  }
0x4a: {  	s1 =	ssub.s32 @!p0 $0x0, s1;
	[sflag:s0] =	ssyncset.done @!p0 $0x0  }
0x4b: {  	[sflag:s0] =	ssyncadd.s32 @!p0 s1  }
0x4c: {  	[bflag:$0x3] =	sbarrier.arrive $0xFFFF  }
0x4d: {  	_ =	shalt  }

// kernel: kernel.27.cloned.1.call-start
scs
__scs_entry_jumppad:
0x0: {  	(pc) =	sbr.rel $0x88, $3  }
0x1: {  	(tag) =	ssettag $0x0;
	lr =	simm.s32 $0x1  }
0x2: {  	[smem:$0x3F73] =	sst lr;
	_ =	strace $0xD0000000  }
0x3: {  	_ = 	snop  }
0x4: {  	_ = 	snop  }
0x5: {  	_ = 	snop  }
0x6: {  	_ = 	snop  }
0x7: {  	_ = 	snop  }
__scs_overlays_trampoline_lowered:
0x8: {  	[smem:$0x3F82] =	sst s0  }
0x9: {  	[smem:$0x3F83] =	sst s1  }
0xa: {  	[smem:$0x3F84] =	sst s2  }
0xb: {  	[smem:$0x3F85] =	sst s3  }
0xc: {  	[smem:$0x3F86] =	sst s4  }
0xd: {  	[smem:$0x3F87] =	sst s5  }
0xe: {  	[smem:$0x3F88] =	sst s6  }
0xf: {  	[smem:$0x3F89] =	sst s7  }
0x10: {  	[smem:$0x3F8A] =	sst s8  }
0x11: {  	[smem:$0x3F8B] =	sst s9;
	s0 =	simm.s32 @!p0 $0x0  }
0x12: {  	s1 =	sld [smem:$0x3F71];
	s0 =	simm.s32 @p0 $0x1  }
0x13: {  	[smem:$0x3F8C] =	sst s0;
	s0 =	simm.s32 @!p1 $0x0  }
0x14: {  	s2 =	sld [smem:$0x3F70];
	s0 =	simm.s32 @p1 $0x1  }
0x15: {  	[smem:$0x3F8D] =	sst s0;
	s0 =	simm.s32 @!p2 $0x0  }
0x16: {  	s3 =	sld [smem:$0x3FDB];
	s0 =	simm.s32 @p2 $0x1  }
0x17: {  	s4 =	simm.s32 $0x1BF5;
	[smem:$0x3F8F] =	sst s0  }
0x18: {  	s0 =	sld [smem:$0x3F72];
	_ =	swait.ge [sflag:s4], $0x0  }
0x19: {  	s7 =	sld [smem:$0x3F73]  }
0x1a: {  	s8 =	sadd.s32 $0xFFFFE003, lr  }
0x1b: {  	s9 =	sadd.s32 $0xFFFFFEF7, lr;
	s5 =	simm.s32 $0xFFFFFFFF;
	p2 =	slt.u32 s8, $0xFFFFF086  }
0x1c: {  	p1 =	slt.u32 s9, $0xF7A;
	s5 =	simm.s32 @!p2 $0x0  }
0x1d: {  	s5 =	simm.s32 @p1 $0x1;
	p0 =	seq.s32 s7, s2  }
0x1e: {  	s7 =	smul.u32 @!p0 $0xF7A, s2;
	p2 =	seq.s32 @!p0 s5, $0x0  }
0x1f: {  	s9 =	smul.u32 $0xF7A, s1;
	s8 =	simm.s32 @!p0 $0x1BF5;
	p2 =	por !p2, p0  }
0x20: {  	[sflag:s8] =	ssyncset.s32 @!p0 $0xFFFFF086;
	s6 =	sadd.s32 @!p0 s3, s7;
	s7 =	simm.s32 @!p0 $0x108  }
0x21: {  	s3 =	sadd.s32 s3, s9;
	s6 =	sadd.s32 @!p0 $0x88, s6;
	s7 =	simm.s32 @p2 $0x1082  }
0x22: {  	[simem:s7], [sflag:s8] =	dma.local @!p0 [hbm:s6], $0xF7A  }
0x23: {  	s9 =	sor.u32 $0xD0000000, s2;
	s6 =	simm.s32 $0x108;
	_ =	swait.ge @!p0 [sflag:s8], $0x0  }
0x24: {  	s3 =	sadd.s32 $0x88, s3;
	s6 =	simm.s32 @!p1 $0x1082;
	[sflag:s4] =	ssyncset.s32 $0xFFFFF086  }
0x25: {  	[simem:s6], [sflag:s4] =	dma.local [hbm:s3], $0xF7A  }
0x26: {  	[smem:$0x3F73] =	sst s1;
	(tag) =	ssettag s2;
	_ =	strace s9  }
0x27: {  	s1 =	sld [smem:$0x3F83]  }
0x28: {  	s2 =	sld [smem:$0x3F84]  }
0x29: {  	s4 =	sld [smem:$0x3F86]  }
0x2a: {  	p0 =	seq.s32 s5, $0x0;
	s5 =	sld [smem:$0x3F87]  }
0x2b: {  	s6 =	sld [smem:$0x3F88]  }
0x2c: {  	s7 =	sld [smem:$0x3F89]  }
0x2d: {  	s3 =	simm.s32 $0x108;
	s8 =	sld [smem:$0x3F8A]  }
0x2e: {  	s3 =	simm.s32 @!p0 $0x1082;
	s9 =	sld [smem:$0x3F8B]  }
0x2f: {  	lr =	sadd.s32 s0, s3;
	s0 =	sld [smem:$0x3F82]  }
0x30: {  	s3 =	sld [smem:$0x3F85]  }
0x31: {  	[smem:$0x3F8E] =	sst s10  }
0x32: {  	s10 =	sld [smem:$0x3F8C];
	_ =	sdelay $0x3  }
0x33: {  	p0 =	seq.s32 s10, $0x1;
	s10 =	sld [smem:$0x3F8E];
	_ =	sdelay $0x3  }
0x34: {  	[smem:$0x3F8E] =	sst s10  }
0x35: {  	s10 =	sld [smem:$0x3F8D];
	_ =	sdelay $0x3  }
0x36: {  	p1 =	seq.s32 s10, $0x1;
	s10 =	sld [smem:$0x3F8E];
	_ =	sdelay $0x3  }
0x37: {  	[smem:$0x3F8E] =	sst s10  }
0x38: {  	s10 =	sld [smem:$0x3F8F]  }
0x39: {  	_ = 	snop;
	(pc) =	sbr.ind lr, $3  }
0x3a: {  	_ = 	snop  }
0x3b: {  	_ = 	snop  }
0x3c: {  	p2 =	seq.s32 s10, $0x1;
	s10 =	sld [smem:$0x3F8E]  }
0x3d: {  	_ =	shalt  }
0x3e: {  	_ =	shalt  }
0x3f: {  	_ =	shalt  }
0x40: {  	_ =	shalt  }
0x41: {  	_ =	shalt  }
0x42: {  	_ =	shalt  }
0x43: {  	_ =	shalt  }
0x44: {  	_ =	shalt  }
0x45: {  	_ =	shalt  }
0x46: {  	_ =	shalt  }
0x47: {  	_ =	shalt  }
0x48: {  	_ =	shalt  }
0x49: {  	_ =	shalt  }
0x4a: {  	_ =	shalt  }
0x4b: {  	_ =	shalt  }
0x4c: {  	_ =	shalt  }
0x4d: {  	_ =	shalt  }
0x4e: {  	_ =	shalt  }
0x4f: {  	_ =	shalt  }
0x50: {  	_ =	shalt  }
0x51: {  	_ =	shalt  }
0x52: {  	_ =	shalt  }
0x53: {  	_ =	shalt  }
0x54: {  	_ =	shalt  }
0x55: {  	_ =	shalt  }
0x56: {  	_ =	shalt  }
0x57: {  	_ =	shalt  }
0x58: {  	_ =	shalt  }
0x59: {  	_ =	shalt  }
0x5a: {  	_ =	shalt  }
0x5b: {  	_ =	shalt  }
0x5c: {  	_ =	shalt  }
0x5d: {  	_ =	shalt  }
0x5e: {  	_ =	shalt  }
0x5f: {  	_ =	shalt  }
0x60: {  	_ =	shalt  }
0x61: {  	_ =	shalt  }
0x62: {  	_ =	shalt  }
0x63: {  	_ =	shalt  }
0x64: {  	_ =	shalt  }
0x65: {  	_ =	shalt  }
0x66: {  	_ =	shalt  }
0x67: {  	_ =	shalt  }
0x68: {  	_ =	shalt  }
0x69: {  	_ =	shalt  }
0x6a: {  	_ =	shalt  }
0x6b: {  	_ =	shalt  }
0x6c: {  	_ =	shalt  }
0x6d: {  	_ =	shalt  }
0x6e: {  	_ =	shalt  }
0x6f: {  	_ =	shalt  }
0x70: {  	_ =	shalt  }
0x71: {  	_ =	shalt  }
0x72: {  	_ =	shalt  }
0x73: {  	_ =	shalt  }
0x74: {  	_ =	shalt  }
0x75: {  	_ =	shalt  }
0x76: {  	_ =	shalt  }
0x77: {  	_ =	shalt  }
0x78: {  	_ =	shalt  }
0x79: {  	_ =	shalt  }
0x7a: {  	_ =	shalt  }
0x7b: {  	_ =	shalt  }
0x7c: {  	_ =	shalt  }
0x7d: {  	_ =	shalt  }
0x7e: {  	_ =	shalt  }
0x7f: {  	_ =	shalt  }
0x80: {  	_ =	shalt  }
0x81: {  	_ =	shalt  }
0x82: {  	_ =	shalt  }
0x83: {  	_ =	shalt  }
0x84: {  	_ =	shalt  }
0x85: {  	_ =	shalt  }
0x86: {  	_ =	shalt  }
0x87: {  	_ =	shalt  }
.Lfunc_end0:
.L_simem_size_0:
called_computation.4_lowered:
.L_overlay_start_0:
0x88: {  	s2 =	sld [smem:$0x3FD9]  }
0x89: {  	s3 =	sld [smem:$0x3FFE];
	_ =	sdelay $0x1  }
0x8a: {  	s1 =	srdreg.scid  }
0x8b: {  	s0 =	sand.u32 $0x1, s1  }
0x8c: {  	s16 =	sshll.u32 s0, $0xA;
	s2 =	sadd.s32 s3, s2  }
0x8d: {  	s2 =	sadd.s32 s2, s16  }
0x8e: {  	[smem:$0x3F9A] =	sst s2  }
0x8f: {  	_ = 	snop  }
0x90: {  	(tm) =	ssettm $0x1  }
0x91: {  	s17 =	sld [smem:$0x3FFB];
	_ =	sdelay $0x3  }
0x92: {  	_ =	strace s17  }
0x93: {  	s2 =	sld [smem:$0x3FFC];
	_ =	sdelay $0x3  }
0x94: {  	_ =	strace s2  }
0x95: {  	s2 =	sld [smem:$0x3FFD];
	_ =	sdelay $0x3  }
0x96: {  	_ =	strace s2  }
0x97: {  	_ =	strace $0x8FFFFFFF  }
0x98: {  	s18 =	sld [smem:$0x3FDB];
	_ =	sdelay $0x1  }
0x99: {  	s19 =	simm.s32 $_scs_section_size  }
0x9a: {  	s4 =	simm.s32 $_size__tile_overlayer_lowered;
	s5 =	simm.s32 $_tile_overlayer_lowered  }
0x9b: {  	s22 =	simm.s32 $0x1BFF;
	s21 =	sshll.u32 s5, $0x1;
	s2 =	sadd.s32 s19, s18  }
0x9c: {  	s6 =	simm.s32 $0x0;
	s20 =	sshll.u32 s4, $0x1;
	s4 =	sadd.s32 s21, s2  }
0x9d: {  	[timem:s6], [sflag:s22] =	dma.local [hbm:s4], s20  }
0x9e: {  	_ =	swait.ge [sflag:s22], s20  }
0x9f: {  	s3 =	ssub.s32 $0x0, s20;
	[sflag:s22] =	ssyncset.done $0x0  }
0xa0: {  	[sflag:s22] =	ssyncadd.s32 s3;
	_ =	sdelay $0x1  }
0xa1: {  	s23 =	simm.s32 $0x1B8B  }
0xa2: {  	_ =	swait.ge [sflag:s23], $0x1  }
0xa3: {  	[sflag:s23] =	ssyncset.done $0x0  }
0xa4: {  	s25 =	simm.s32 $0x1B8E;
	s24 =	sld [smem:$0x3FFE];
	[sflag:s23] =	ssyncadd.s32 $0xFFFFFFFF  }
0xa5: {  	s26 =	simm.s32 $execute0_lowered;
	[smem:$0x3FD2] =	sst s25  }
0xa6: {  	s4 =	sshll.u32 s26, $0x1;
	_ =	strace $0x80000052;
	[dreg:$0x1] =	wrdreg $0xFFFFFFFF  }
0xa7: {  	s28 =	simm.s32 $_size_execute0_lowered;
	s2 =	sadd.s32 s2, s4;
	[dreg:$0x0] =	wrdreg $0x0  }
0xa8: {  	s4 =	sshll.u32 s28, $0x1;
	[dreg:$0x2] =	wrdreg s2  }
0xa9: {  	[dreg:$0x3] =	wrdreg s4  }
0xaa: {  	[dreg:$0x4] =	wrdreg $0xC0  }
0xab: {  	_ =	task [dreg:s6], $0x5FFFF  }
0xac: {  	[dreg:$0x1] =	wrdreg $0xFFFFFFFF  }
0xad: {  	[dreg:$0x0] =	wrdreg $0x60  }
0xae: {  	[dreg:$0x2] =	wrdreg s24  }
0xaf: {  	[dreg:$0x3] =	wrdreg $0x9  }
0xb0: {  	_ =	task.clear_ibuf [dreg:s6], $0x4FFFF;
	_ =	strace $0x90000052  }
0xb1: {  	s29 =	simm.s32 $0x9;
	_ =	strace $0x80000054  }
0xb2: {  	_ =	swait.ge [sflag:s29], $0x1  }
0xb3: {  	[sflag:s29] =	ssyncadd.s32 $0xFFFFFFFF  }
0xb4: {  	_ =	strace $0x90000054  }
0xb5: {  	_ =	sfence  }
0xb6: {  	s30 =	sld [smem:$0x0];
	_ =	sdelay $0x2  }
0xb7: {  	s31 =	sshll.u32 s1, $0xD;
	s1 =	sshrl.u32 s1, $0x2  }
0xb8: {  	s3 =	sand.u32 $0x4000, s31;
	s1 =	sadd.s32 s1, s30  }
0xb9: {  	s0 =	sor.u32 s3, s0;
	s1 =	sshll.u32 s1, $0x11  }
0xba: {  	s0 =	sor.u32 s1, s0  }
0xbb: {  	s0 =	sadd.s32 $0x8F2B, s0  }
0xbc: {  	[sflag:s0] =	ssyncadd.remote.s32 $0x1  }
0xbd: {  	_ =	sfence.sel $0xFFFF  }
0xbe: {  	[dreg:$0x0] =	wrdreg $0xFFFFFFFF;
	(pc) =	sbr.abs _section_cstart, $3  }
0xbf: {  	[dreg:$0x1] =	wrdreg $0xFFFFFFFF  }
0xc0: {  	_ =	task.clear_ibuf [dreg:s6], $0x2FFFF;
	_ =	strace $0x9FFFFFFF  }
0xc1: {  	(tm) =	ssettm $0x7FFFFFFF  }
tec
execute0_lowered:
.L_overlay_start_1:
0x0: {  	(tag) =	ssettag $0x1  }
0x1: {  	s5 =	rddreg [dreg:$0x0]  }
0x2: {  	s0 =	rddreg [dreg:$0x1];
	s2 =	simm.s32 $0x0;
	s3 =	srdreg.scid  }
0x3: {  	s1 =	stileid.u32;
	s12 =	simm.s32 $0xA0;
	s13 =	simm.s32 $0x2DA0  }
0x4: {  	s14 =	simm.s32 $0x1;
	s15 =	simm.s32 $0x2;
	s7 =	smul.u32 $0x4E20, s1  }
0x5: {  	s16 =	simm.s32 $0x0;
	s6 =	sand.u32 $0x1, s3;
	s9 =	smul.u32 $0x57E40, s1  }
0x6: {  	[smem:$0x7FF] =	sst s2;
	s3 =	sadd.s32 $0x9B400, s5;
	s8 =	smul.u32 $0x2710, s6  }
0x7: {  	s4 =	sadd.s32 $0xC7400, s5;
	s29 =	ssub.s32 $0x2, s6;
	s6 =	smul.u32 $0x2BF20, s6  }
0x8: {  	_ =	strace $0x80000053;
	s9 =	sadd.s32 s9, s5;
	s10 =	sshrl.u32 s29, $0x1  }
0x9: {  	s7 =	sadd.s32 s8, s7;
	s30 =	ssub.s32 s29, s10;
	s31 =	sadd.s32 s6, s9  }
0xa: {  	s10 =	simm.s32 $0x3;
	s7 =	sshrl.u32 s7, $0x3;
	s6 =	sadd.s32 $0x7AE600, s31  }
0xb: {  	s11 =	sadd.s32 s7, s5;
	s5 =	smax.u32 s30, $0x1;
	s7 =	sadd.s32 $0x230200, s31  }
0xc: {  	s8 =	sadd.s32 $0x60400, s11;
	s9 =	sadd.s32 $0x6A200, s11;
	s11 =	simm.s32 $0x50  }
.LBB2_1:
0xd: {  	s17 =	sadd.s32 $0x0, s9  }
0xe: {  	[tilespmem:s2], [sflag:$0x3] =	stream.linear.gather [hbm4b:s17+s2], $0x50, $0x38;
	[tilespmem:$0x5AA0] =	vst v63  }
0xf: {  	_ =	swait.ge [sflag:s10], $0x50  }
0x10: {  	[sflag:s10] =	ssyncset.done $0x0  }
0x11: {  	s31 =	sadd.s32 $0x0, s8;
	[sflag:s10] =	ssyncadd.s32 $0xFFFFFFB0  }
0x12: {  	[tilespmem:s11], [sflag:$0x3] =	stream.linear.gather [hbm4b:s31+s2], $0x50, $0x38;
	[tilespmem:$0x5AA0] =	vst v63  }
0x13: {  	_ =	swait.ge [sflag:s10], $0x50  }
0x14: {  	[sflag:s10] =	ssyncset.done $0x0  }
0x15: {  	[sflag:s10] =	ssyncadd.s32 $0xFFFFFFB0  }
0x16: {  	[tilespmem:s12], [sflag:$0x1] =	stream.indirect.gather [hbm4b:s3+s11], $0x90, s2, s11, $0xb8;
	[tilespmem:$0x5AA0] =	vst v63  }
0x17: {  	_ = 	snop  }
0x18: {  	[tilespmem:s13], [sflag:$0x2] =	stream.indirect.gather [hbm4b:s4+s11], $0x90, s11, s11, $0xb8;
	[tilespmem:$0x5AA0] =	vst v63  }
0x19: {  	_ =	swait.ge [sflag:s14], $0x2D00  }
0x1a: {  	[sflag:s14] =	ssyncset.done $0x0  }
0x1b: {  	[sflag:s14] =	ssyncadd.s32 $0xFFFFD300  }
0x1c: {  	_ =	swait.ge [sflag:s15], $0x2D00  }
0x1d: {  	[sflag:s15] =	ssyncset.done $0x0  }
0x1e: {  	[sflag:s15] =	ssyncadd.s32 $0xFFFFD300  }
0x1f: {  	[hbm4b:s6+s2] =	stream.linear.scatter [tilespmem:s12], [sflag:$0x3], $0x2D00, $0x38;
	[tilespmem:$0x5AA0] =	vst v63  }
0x20: {  	_ =	swait.ge [sflag:s10], $0x2D00  }
0x21: {  	[sflag:s10] =	ssyncset.done $0x0  }
0x22: {  	[sflag:s10] =	ssyncadd.s32 $0xFFFFD300  }
0x23: {  	[hbm4b:s7+s2] =	stream.linear.scatter [tilespmem:s13], [sflag:$0x3], $0x2D00, $0x38;
	[tilespmem:$0x5AA0] =	vst v63  }
0x24: {  	s19 =	simm.s32 $0xA;
	s20 =	simm.s32 $0x14;
	_ =	swait.ge [sflag:s10], $0x2D00  }
0x25: {  	s18 =	sadd.s32 $0x5A0, s6;
	s17 =	sadd.s32 $0x5A0, s7;
	[sflag:s10] =	ssyncset.done $0x0  }
.LBB2_2:
0x26: {  	s21 =	sadd.s32 s19, s9  }
0x27: {  	[sflag:s10] =	ssyncadd.s32 $0xFFFFD300;
	s22 =	smov.u32 s20;
	s23 =	sadd.s32 $0xA, s20  }
0x28: {  	[tilespmem:s2], [sflag:$0x3] =	stream.linear.gather [hbm4b:s21+s2], $0x50, $0x38;
	[tilespmem:$0x5AA0] =	vst v63  }
0x29: {  	p0 =	sne.s32 s20, $0x4D8;
	_ =	swait.ge [sflag:s10], $0x50  }
0x2a: {  	[sflag:s10] =	ssyncset.done $0x0  }
0x2b: {  	s20 =	sadd.s32 s19, s8;
	s19 =	smov.u32 s22;
	[sflag:s10] =	ssyncadd.s32 $0xFFFFFFB0  }
0x2c: {  	[tilespmem:s11], [sflag:$0x3] =	stream.linear.gather [hbm4b:s20+s2], $0x50, $0x38;
	[tilespmem:$0x5AA0] =	vst v63  }
0x2d: {  	_ =	swait.ge [sflag:s10], $0x50  }
0x2e: {  	[sflag:s10] =	ssyncset.done $0x0  }
0x2f: {  	[sflag:s10] =	ssyncadd.s32 $0xFFFFFFB0  }
0x30: {  	[tilespmem:s12], [sflag:$0x1] =	stream.indirect.gather [hbm4b:s3+s11], $0x90, s2, s11, $0xb8;
	[tilespmem:$0x5AA0] =	vst v63  }
0x31: {  	_ = 	snop  }
0x32: {  	[tilespmem:s13], [sflag:$0x2] =	stream.indirect.gather [hbm4b:s4+s11], $0x90, s11, s11, $0xb8;
	[tilespmem:$0x5AA0] =	vst v63  }
0x33: {  	_ =	swait.ge [sflag:s14], $0x2D00  }
0x34: {  	[sflag:s14] =	ssyncset.done $0x0  }
0x35: {  	[sflag:s14] =	ssyncadd.s32 $0xFFFFD300  }
0x36: {  	_ =	swait.ge [sflag:s15], $0x2D00  }
0x37: {  	[sflag:s15] =	ssyncset.done $0x0  }
0x38: {  	[sflag:s15] =	ssyncadd.s32 $0xFFFFD300  }
0x39: {  	[hbm4b:s18+s2] =	stream.linear.scatter [tilespmem:s12], [sflag:$0x3], $0x2D00, $0x38;
	[tilespmem:$0x5AA0] =	vst v63  }
0x3a: {  	_ =	swait.ge [sflag:s10], $0x2D00  }
.Ltmp0:
0x3b: {  	[sflag:s10] =	ssyncset.done $0x0;
	(pc) =	sbr.rel @p0 .LBB2_2-.Ltmp0, $4  }
0x3c: {  	[sflag:s10] =	ssyncadd.s32 $0xFFFFD300  }
0x3d: {  	[hbm4b:s17+s2] =	stream.linear.scatter [tilespmem:s13], [sflag:$0x3], $0x2D00, $0x38;
	[tilespmem:$0x5AA0] =	vst v63  }
0x3e: {  	s20 =	smov.u32 s23;
	_ =	swait.ge [sflag:s10], $0x2D00  }
0x3f: {  	s18 =	sadd.s32 $0x5A0, s18;
	s17 =	sadd.s32 $0x5A0, s17;
	[sflag:s10] =	ssyncset.done $0x0  }
0x40: {  	s20 =	sadd.s32 s19, s9;
	[sflag:s10] =	ssyncadd.s32 $0xFFFFD300  }
0x41: {  	[tilespmem:s2], [sflag:$0x3] =	stream.linear.gather [hbm4b:s20+s2], $0x50, $0x38;
	[tilespmem:$0x5AA0] =	vst v63  }
0x42: {  	_ =	swait.ge [sflag:s10], $0x50  }
0x43: {  	[sflag:s10] =	ssyncset.done $0x0  }
0x44: {  	s31 =	sadd.s32 s19, s8;
	[sflag:s10] =	ssyncadd.s32 $0xFFFFFFB0  }
0x45: {  	[tilespmem:s11], [sflag:$0x3] =	stream.linear.gather [hbm4b:s31+s2], $0x50, $0x38;
	[tilespmem:$0x5AA0] =	vst v63  }
0x46: {  	_ =	swait.ge [sflag:s10], $0x50  }
0x47: {  	[sflag:s10] =	ssyncset.done $0x0  }
0x48: {  	[sflag:s10] =	ssyncadd.s32 $0xFFFFFFB0  }
0x49: {  	[tilespmem:s12], [sflag:$0x1] =	stream.indirect.gather [hbm4b:s3+s11], $0x90, s2, s11, $0xb8;
	[tilespmem:$0x5AA0] =	vst v63  }
0x4a: {  	_ = 	snop  }
0x4b: {  	[tilespmem:s13], [sflag:$0x2] =	stream.indirect.gather [hbm4b:s4+s11], $0x90, s11, s11, $0xb8;
	[tilespmem:$0x5AA0] =	vst v63  }
0x4c: {  	_ =	swait.ge [sflag:s14], $0x2D00  }
0x4d: {  	[sflag:s14] =	ssyncset.done $0x0  }
0x4e: {  	[sflag:s14] =	ssyncadd.s32 $0xFFFFD300  }
0x4f: {  	_ =	swait.ge [sflag:s15], $0x2D00  }
0x50: {  	[sflag:s15] =	ssyncset.done $0x0  }
0x51: {  	[sflag:s15] =	ssyncadd.s32 $0xFFFFD300  }
0x52: {  	[hbm4b:s18+s2] =	stream.linear.scatter [tilespmem:s12], [sflag:$0x3], $0x2D00, $0x38;
	[tilespmem:$0x5AA0] =	vst v63  }
0x53: {  	s16 =	sadd.s32 $0x1, s16;
	_ =	swait.ge [sflag:s10], $0x2D00  }
0x54: {  	p0 =	sne.s32 s16, s5;
	[sflag:s10] =	ssyncset.done $0x0  }
.Ltmp1:
0x55: {  	[sflag:s10] =	ssyncadd.s32 $0xFFFFD300;
	(pc) =	sbr.rel @p0 .LBB2_1-.Ltmp1, $4  }
0x56: {  	[hbm4b:s17+s2] =	stream.linear.scatter [tilespmem:s13], [sflag:$0x3], $0x2D00, $0x38;
	[tilespmem:$0x5AA0] =	vst v63  }
0x57: {  	_ =	swait.ge [sflag:s10], $0x2D00  }
0x58: {  	[sflag:s10] =	ssyncset.done $0x0  }
0x59: {  	[sflag:s10] =	ssyncadd.s32 $0xFFFFD300  }
0x5a: {  	_ =	sfence.sel $0x180000  }
0x5b: {  	[bflag:$0x0] =	sbarrier.arrive $0xFFFF  }
0x5c: {  	p0 =	sne.s32 s1, $0x0;
	_ =	strace $0x90000053  }
0x5d: {  	s0 =	sadd.s32 @!p0 $0x100000, s0;
	[bflag:$0x2] =	sbarrier.arrive $0xFFFF  }
0x5e: {  	[sflag:s0] =	ssyncadd.tile.s32 @!p0 $0x1;
	_ =	shalt  }
.Lfunc_end2:
_tile_overlayer_lowered:
.L_overlay_start_2:
0x5f: {  	(tag) =	ssettag $0x2  }
0x60: {  	s0 =	rddreg [dreg:$0x0];
	s2 =	stileid.u32  }
0x61: {  	s1 =	rddreg [dreg:$0x1];
	p0 =	sne.s32 s2, $0x0  }
0x62: {  	s3 =	rddreg [dreg:$0x2];
	[bflag:$0x3] =	sbarrier.arrive $0xFFFF;
	s2 =	simm.s32 @!p0 $0x1C03  }
0x63: {  	[timem:s3], [sflag:s2] =	dma.local @!p0 [hbm:s0], s1  }
0x64: {  	s0 =	simm.s32 @!p0 $0x3  }
0x65: {  	_ =	swait.ge @!p0 [sflag:s0], s1  }
0x66: {  	s1 =	ssub.s32 @!p0 $0x0, s1;
	[sflag:s0] =	ssyncset.done @!p0 $0x0  }
0x67: {  	[sflag:s0] =	ssyncadd.s32 @!p0 s1  }
0x68: {  	[bflag:$0x3] =	sbarrier.arrive $0xFFFF  }
0x69: {  	_ =	shalt  }

// kernel: kernel.30.cloned.1.call-start
scs
__scs_entry_jumppad:
0x0: {  	(pc) =	sbr.rel $0x88, $3  }
0x1: {  	(tag) =	ssettag $0x0;
	lr =	simm.s32 $0x1  }
0x2: {  	[smem:$0x3F73] =	sst lr;
	_ =	strace $0xD0000000  }
0x3: {  	_ = 	snop  }
0x4: {  	_ = 	snop  }
0x5: {  	_ = 	snop  }
0x6: {  	_ = 	snop  }
0x7: {  	_ = 	snop  }
__scs_overlays_trampoline_lowered:
0x8: {  	[smem:$0x3F82] =	sst s0  }
0x9: {  	[smem:$0x3F83] =	sst s1  }
0xa: {  	[smem:$0x3F84] =	sst s2  }
0xb: {  	[smem:$0x3F85] =	sst s3  }
0xc: {  	[smem:$0x3F86] =	sst s4  }
0xd: {  	[smem:$0x3F87] =	sst s5  }
0xe: {  	[smem:$0x3F88] =	sst s6  }
0xf: {  	[smem:$0x3F89] =	sst s7  }
0x10: {  	[smem:$0x3F8A] =	sst s8  }
0x11: {  	[smem:$0x3F8B] =	sst s9;
	s0 =	simm.s32 @!p0 $0x0  }
0x12: {  	s1 =	sld [smem:$0x3F71];
	s0 =	simm.s32 @p0 $0x1  }
0x13: {  	[smem:$0x3F8C] =	sst s0;
	s0 =	simm.s32 @!p1 $0x0  }
0x14: {  	s2 =	sld [smem:$0x3F70];
	s0 =	simm.s32 @p1 $0x1  }
0x15: {  	[smem:$0x3F8D] =	sst s0;
	s0 =	simm.s32 @!p2 $0x0  }
0x16: {  	s3 =	sld [smem:$0x3FDB];
	s0 =	simm.s32 @p2 $0x1  }
0x17: {  	s4 =	simm.s32 $0x1BF5;
	[smem:$0x3F8F] =	sst s0  }
0x18: {  	s0 =	sld [smem:$0x3F72];
	_ =	swait.ge [sflag:s4], $0x0  }
0x19: {  	s7 =	sld [smem:$0x3F73]  }
0x1a: {  	s8 =	sadd.s32 $0xFFFFE003, lr  }
0x1b: {  	s9 =	sadd.s32 $0xFFFFFEF7, lr;
	s5 =	simm.s32 $0xFFFFFFFF;
	p2 =	slt.u32 s8, $0xFFFFF086  }
0x1c: {  	p1 =	slt.u32 s9, $0xF7A;
	s5 =	simm.s32 @!p2 $0x0  }
0x1d: {  	s5 =	simm.s32 @p1 $0x1;
	p0 =	seq.s32 s7, s2  }
0x1e: {  	s7 =	smul.u32 @!p0 $0xF7A, s2;
	p2 =	seq.s32 @!p0 s5, $0x0  }
0x1f: {  	s9 =	smul.u32 $0xF7A, s1;
	s8 =	simm.s32 @!p0 $0x1BF5;
	p2 =	por !p2, p0  }
0x20: {  	[sflag:s8] =	ssyncset.s32 @!p0 $0xFFFFF086;
	s6 =	sadd.s32 @!p0 s3, s7;
	s7 =	simm.s32 @!p0 $0x108  }
0x21: {  	s3 =	sadd.s32 s3, s9;
	s6 =	sadd.s32 @!p0 $0x88, s6;
	s7 =	simm.s32 @p2 $0x1082  }
0x22: {  	[simem:s7], [sflag:s8] =	dma.local @!p0 [hbm:s6], $0xF7A  }
0x23: {  	s9 =	sor.u32 $0xD0000000, s2;
	s6 =	simm.s32 $0x108;
	_ =	swait.ge @!p0 [sflag:s8], $0x0  }
0x24: {  	s3 =	sadd.s32 $0x88, s3;
	s6 =	simm.s32 @!p1 $0x1082;
	[sflag:s4] =	ssyncset.s32 $0xFFFFF086  }
0x25: {  	[simem:s6], [sflag:s4] =	dma.local [hbm:s3], $0xF7A  }
0x26: {  	[smem:$0x3F73] =	sst s1;
	(tag) =	ssettag s2;
	_ =	strace s9  }
0x27: {  	s1 =	sld [smem:$0x3F83]  }
0x28: {  	s2 =	sld [smem:$0x3F84]  }
0x29: {  	s4 =	sld [smem:$0x3F86]  }
0x2a: {  	p0 =	seq.s32 s5, $0x0;
	s5 =	sld [smem:$0x3F87]  }
0x2b: {  	s6 =	sld [smem:$0x3F88]  }
0x2c: {  	s7 =	sld [smem:$0x3F89]  }
0x2d: {  	s3 =	simm.s32 $0x108;
	s8 =	sld [smem:$0x3F8A]  }
0x2e: {  	s3 =	simm.s32 @!p0 $0x1082;
	s9 =	sld [smem:$0x3F8B]  }
0x2f: {  	lr =	sadd.s32 s0, s3;
	s0 =	sld [smem:$0x3F82]  }
0x30: {  	s3 =	sld [smem:$0x3F85]  }
0x31: {  	[smem:$0x3F8E] =	sst s10  }
0x32: {  	s10 =	sld [smem:$0x3F8C];
	_ =	sdelay $0x3  }
0x33: {  	p0 =	seq.s32 s10, $0x1;
	s10 =	sld [smem:$0x3F8E];
	_ =	sdelay $0x3  }
0x34: {  	[smem:$0x3F8E] =	sst s10  }
0x35: {  	s10 =	sld [smem:$0x3F8D];
	_ =	sdelay $0x3  }
0x36: {  	p1 =	seq.s32 s10, $0x1;
	s10 =	sld [smem:$0x3F8E];
	_ =	sdelay $0x3  }
0x37: {  	[smem:$0x3F8E] =	sst s10  }
0x38: {  	s10 =	sld [smem:$0x3F8F]  }
0x39: {  	_ = 	snop;
	(pc) =	sbr.ind lr, $3  }
0x3a: {  	_ = 	snop  }
0x3b: {  	_ = 	snop  }
0x3c: {  	p2 =	seq.s32 s10, $0x1;
	s10 =	sld [smem:$0x3F8E]  }
0x3d: {  	_ =	shalt  }
0x3e: {  	_ =	shalt  }
0x3f: {  	_ =	shalt  }
0x40: {  	_ =	shalt  }
0x41: {  	_ =	shalt  }
0x42: {  	_ =	shalt  }
0x43: {  	_ =	shalt  }
0x44: {  	_ =	shalt  }
0x45: {  	_ =	shalt  }
0x46: {  	_ =	shalt  }
0x47: {  	_ =	shalt  }
0x48: {  	_ =	shalt  }
0x49: {  	_ =	shalt  }
0x4a: {  	_ =	shalt  }
0x4b: {  	_ =	shalt  }
0x4c: {  	_ =	shalt  }
0x4d: {  	_ =	shalt  }
0x4e: {  	_ =	shalt  }
0x4f: {  	_ =	shalt  }
0x50: {  	_ =	shalt  }
0x51: {  	_ =	shalt  }
0x52: {  	_ =	shalt  }
0x53: {  	_ =	shalt  }
0x54: {  	_ =	shalt  }
0x55: {  	_ =	shalt  }
0x56: {  	_ =	shalt  }
0x57: {  	_ =	shalt  }
0x58: {  	_ =	shalt  }
0x59: {  	_ =	shalt  }
0x5a: {  	_ =	shalt  }
0x5b: {  	_ =	shalt  }
0x5c: {  	_ =	shalt  }
0x5d: {  	_ =	shalt  }
0x5e: {  	_ =	shalt  }
0x5f: {  	_ =	shalt  }
0x60: {  	_ =	shalt  }
0x61: {  	_ =	shalt  }
0x62: {  	_ =	shalt  }
0x63: {  	_ =	shalt  }
0x64: {  	_ =	shalt  }
0x65: {  	_ =	shalt  }
0x66: {  	_ =	shalt  }
0x67: {  	_ =	shalt  }
0x68: {  	_ =	shalt  }
0x69: {  	_ =	shalt  }
0x6a: {  	_ =	shalt  }
0x6b: {  	_ =	shalt  }
0x6c: {  	_ =	shalt  }
0x6d: {  	_ =	shalt  }
0x6e: {  	_ =	shalt  }
0x6f: {  	_ =	shalt  }
0x70: {  	_ =	shalt  }
0x71: {  	_ =	shalt  }
0x72: {  	_ =	shalt  }
0x73: {  	_ =	shalt  }
0x74: {  	_ =	shalt  }
0x75: {  	_ =	shalt  }
0x76: {  	_ =	shalt  }
0x77: {  	_ =	shalt  }
0x78: {  	_ =	shalt  }
0x79: {  	_ =	shalt  }
0x7a: {  	_ =	shalt  }
0x7b: {  	_ =	shalt  }
0x7c: {  	_ =	shalt  }
0x7d: {  	_ =	shalt  }
0x7e: {  	_ =	shalt  }
0x7f: {  	_ =	shalt  }
0x80: {  	_ =	shalt  }
0x81: {  	_ =	shalt  }
0x82: {  	_ =	shalt  }
0x83: {  	_ =	shalt  }
0x84: {  	_ =	shalt  }
0x85: {  	_ =	shalt  }
0x86: {  	_ =	shalt  }
0x87: {  	_ =	shalt  }
.Lfunc_end0:
.L_simem_size_0:
called_computation.5_lowered:
.L_overlay_start_0:
0x88: {  	s2 =	sld [smem:$0x3FD9]  }
0x89: {  	s3 =	sld [smem:$0x3FFE];
	_ =	sdelay $0x1  }
0x8a: {  	s1 =	srdreg.scid  }
0x8b: {  	s0 =	sand.u32 $0x1, s1  }
0x8c: {  	s16 =	sshll.u32 s0, $0xA;
	s2 =	sadd.s32 s3, s2  }
0x8d: {  	s2 =	sadd.s32 s2, s16  }
0x8e: {  	[smem:$0x3F9A] =	sst s2  }
0x8f: {  	_ = 	snop  }
0x90: {  	(tm) =	ssettm $0x1  }
0x91: {  	s17 =	sld [smem:$0x3FFB];
	_ =	sdelay $0x3  }
0x92: {  	_ =	strace s17  }
0x93: {  	s2 =	sld [smem:$0x3FFC];
	_ =	sdelay $0x3  }
0x94: {  	_ =	strace s2  }
0x95: {  	s2 =	sld [smem:$0x3FFD];
	_ =	sdelay $0x3  }
0x96: {  	_ =	strace s2  }
0x97: {  	_ =	strace $0x8FFFFFFF  }
0x98: {  	s18 =	sld [smem:$0x3FDB];
	_ =	sdelay $0x1  }
0x99: {  	s19 =	simm.s32 $_scs_section_size  }
0x9a: {  	s4 =	simm.s32 $_size__tile_overlayer_lowered;
	s5 =	simm.s32 $_tile_overlayer_lowered  }
0x9b: {  	s22 =	simm.s32 $0x1BFF;
	s21 =	sshll.u32 s5, $0x1;
	s2 =	sadd.s32 s19, s18  }
0x9c: {  	s6 =	simm.s32 $0x0;
	s20 =	sshll.u32 s4, $0x1;
	s4 =	sadd.s32 s21, s2  }
0x9d: {  	[timem:s6], [sflag:s22] =	dma.local [hbm:s4], s20  }
0x9e: {  	_ =	swait.ge [sflag:s22], s20  }
0x9f: {  	s3 =	ssub.s32 $0x0, s20;
	[sflag:s22] =	ssyncset.done $0x0  }
0xa0: {  	[sflag:s22] =	ssyncadd.s32 s3;
	_ =	sdelay $0x1  }
0xa1: {  	s23 =	simm.s32 $0x1B8B  }
0xa2: {  	_ =	swait.ge [sflag:s23], $0x1  }
0xa3: {  	[sflag:s23] =	ssyncset.done $0x0  }
0xa4: {  	s25 =	simm.s32 $0x1B8E;
	s24 =	sld [smem:$0x3FFE];
	[sflag:s23] =	ssyncadd.s32 $0xFFFFFFFF  }
0xa5: {  	s26 =	simm.s32 $execute0_lowered;
	[smem:$0x3FD2] =	sst s25  }
0xa6: {  	s4 =	sshll.u32 s26, $0x1;
	_ =	strace $0x80000055;
	[dreg:$0x1] =	wrdreg $0xFFFFFFFF  }
0xa7: {  	s28 =	simm.s32 $_size_execute0_lowered;
	s2 =	sadd.s32 s2, s4;
	[dreg:$0x0] =	wrdreg $0x0  }
0xa8: {  	s4 =	sshll.u32 s28, $0x1;
	[dreg:$0x2] =	wrdreg s2  }
0xa9: {  	[dreg:$0x3] =	wrdreg s4  }
0xaa: {  	[dreg:$0x4] =	wrdreg $0xC0  }
0xab: {  	_ =	task [dreg:s6], $0x5FFFF  }
0xac: {  	[dreg:$0x1] =	wrdreg $0xFFFFFFFF  }
0xad: {  	[dreg:$0x0] =	wrdreg $0x60  }
0xae: {  	[dreg:$0x2] =	wrdreg s24  }
0xaf: {  	[dreg:$0x3] =	wrdreg $0x2D500  }
0xb0: {  	[dreg:$0x4] =	wrdreg $0x9  }
0xb1: {  	_ =	task.clear_ibuf [dreg:s6], $0x5FFFF;
	_ =	strace $0x90000055  }
0xb2: {  	s29 =	simm.s32 $0x9;
	_ =	strace $0x80000057  }
0xb3: {  	_ =	swait.ge [sflag:s29], $0x1  }
0xb4: {  	[sflag:s29] =	ssyncadd.s32 $0xFFFFFFFF  }
0xb5: {  	_ =	strace $0x90000057  }
0xb6: {  	_ =	sfence  }
0xb7: {  	s30 =	sld [smem:$0x0];
	_ =	sdelay $0x2  }
0xb8: {  	s31 =	sshll.u32 s1, $0xD;
	s1 =	sshrl.u32 s1, $0x2  }
0xb9: {  	s3 =	sand.u32 $0x4000, s31;
	s1 =	sadd.s32 s1, s30  }
0xba: {  	s0 =	sor.u32 s3, s0;
	s1 =	sshll.u32 s1, $0x11  }
0xbb: {  	s0 =	sor.u32 s1, s0  }
0xbc: {  	s0 =	sadd.s32 $0x8F2B, s0  }
0xbd: {  	[sflag:s0] =	ssyncadd.remote.s32 $0x1  }
0xbe: {  	_ =	sfence.sel $0xFFFF  }
0xbf: {  	[dreg:$0x0] =	wrdreg $0xFFFFFFFF;
	(pc) =	sbr.abs _section_cstart, $3  }
0xc0: {  	[dreg:$0x1] =	wrdreg $0xFFFFFFFF  }
0xc1: {  	_ =	task.clear_ibuf [dreg:s6], $0x2FFFF;
	_ =	strace $0x9FFFFFFF  }
0xc2: {  	(tm) =	ssettm $0x7FFFFFFF  }
0xc3: {  	_ =	shalt  }
tec
execute0_lowered:
.L_overlay_start_1:
0x0: {  	(tag) =	ssettag $0x1  }
0x1: {  	s0 =	stileid.u32  }
0x2: {  	s1 =	srdreg.scid;
	s4 =	smul.u32 $0x4E20, s0  }
0x3: {  	s6 =	rddreg [dreg:$0x0];
	s8 =	smul.u32 $0x15F90, s0  }
0x4: {  	s2 =	rddreg [dreg:$0x1];
	s5 =	sand.u32 $0x1, s1;
	s10 =	smul.u32 $0x57E40, s0  }
0x5: {  	s3 =	simm.s32 $0x0;
	s1 =	rddreg [dreg:$0x2];
	s7 =	smul.u32 $0x2710, s5  }
0x6: {  	[smem:$0x7FF] =	sst s3;
	s12 =	sshll.u32 s0, $0x6;
	s9 =	smul.u32 $0x15F900, s5  }
0x7: {  	_ =	strace $0x80000056;
	s29 =	ssub.s32 $0x2, s5;
	s13 =	smul.u32 $0x2BF20, s5  }
0x8: {  	s5 =	sor.u32 $0x1C01, s12;
	s12 =	simm.s32 $0x50;
	s26 =	sadd.s32 s10, s6  }
0x9: {  	s11 =	sshrl.u32 s29, $0x1;
	s30 =	sadd.s32 s8, s2;
	s4 =	sadd.s32 s7, s4  }
0xa: {  	s25 =	sadd.s32 s8, s9;
	s31 =	sadd.s32 s13, s26;
	s10 =	sshrl.u32 s30, $0x3  }
0xb: {  	s13 =	simm.s32 $0x0;
	s4 =	sshrl.u32 s4, $0x3;
	s7 =	sshrl.u32 s25, $0x3  }
0xc: {  	s8 =	sadd.s32 $0xBF4200, s31;
	s28 =	sadd.s32 s4, s6;
	s4 =	sadd.s32 $0x34600, s6  }
0xd: {  	s6 =	sadd.s32 s7, s6;
	s7 =	ssub.s32 s29, s11;
	s11 =	simm.s32 $0x1  }
0xe: {  	s6 =	sadd.s32 $0x9B400, s6;
	s7 =	smax.u32 s7, $0x1;
	s9 =	sadd.s32 $0x6A200, s28  }
.LBB2_1:
0xf: {  	[spmem:s10], [sflag:s5] =	dma.local [hbm:s4], $0x2BF2  }
0x10: {  	_ =	swait.ge [sflag:s11], $0x2BF2  }
0x11: {  	[sflag:s11] =	ssyncset.done $0x0  }
0x12: {  	[sflag:s11] =	ssyncadd.s32 $0xFFFFD40E  }
0x13: {  	s14 =	sadd.s32 $0x0, s9;
	[bflag:$0x0] =	sbarrier.arrive $0xFFFF  }
0x14: {  	[tilespmem:s3], [sflag:$0x1] =	stream.linear.gather [hbm4b:s14+s3], $0x50, $0x38;
	[tilespmem:$0x18CE0] =	vst v63  }
0x15: {  	_ =	swait.ge [sflag:s11], $0x50  }
0x16: {  	[sflag:s11] =	ssyncset.done $0x0  }
0x17: {  	[sflag:s11] =	ssyncadd.s32 $0xFFFFFFB0  }
0x18: {  	[tilespmem:s12], [sflag:$0x1] =	stream.linear.gather [hbm4b:s8+s3], $0x2D00, $0x38;
	[tilespmem:$0x18CE0] =	vst v63  }
0x19: {  	_ =	swait.ge [sflag:s11], $0x2D00  }
0x1a: {  	[sflag:s11] =	ssyncset.done $0x0  }
0x1b: {  	[sflag:s11] =	ssyncadd.s32 $0xFFFFD300  }
0x1c: {  	[spmem:s2] =	stream.indirect.scatter.add.f32 [tilespmem:s12], [sflag:$0x1], $0x90, s3, s12, $0xb8;
	[tilespmem:$0x18CE0] =	vst v63  }
0x1d: {  	s15 =	simm.s32 $0xA;
	_ =	swait.ge [sflag:s11], $0x2D00  }
0x1e: {  	s16 =	simm.s32 $0x14;
	s14 =	sadd.s32 $0x5A0, s8;
	[sflag:s11] =	ssyncset.done $0x0  }
.LBB2_2:
0x1f: {  	s17 =	sadd.s32 s15, s9  }
0x20: {  	[sflag:s11] =	ssyncadd.s32 $0xFFFFD300;
	s15 =	smov.u32 s16;
	s18 =	sadd.s32 $0xA, s16  }
0x21: {  	[tilespmem:s3], [sflag:$0x1] =	stream.linear.gather [hbm4b:s17+s3], $0x50, $0x38;
	[tilespmem:$0x18CE0] =	vst v63  }
0x22: {  	p0 =	sne.s32 s16, $0x4D8;
	_ =	swait.ge [sflag:s11], $0x50  }
0x23: {  	[sflag:s11] =	ssyncset.done $0x0  }
0x24: {  	[sflag:s11] =	ssyncadd.s32 $0xFFFFFFB0  }
0x25: {  	[tilespmem:s12], [sflag:$0x1] =	stream.linear.gather [hbm4b:s14+s3], $0x2D00, $0x38;
	[tilespmem:$0x18CE0] =	vst v63  }
0x26: {  	_ =	swait.ge [sflag:s11], $0x2D00  }
.Ltmp0:
0x27: {  	[sflag:s11] =	ssyncset.done $0x0;
	(pc) =	sbr.rel @p0 .LBB2_2-.Ltmp0, $4  }
0x28: {  	[sflag:s11] =	ssyncadd.s32 $0xFFFFD300  }
0x29: {  	[spmem:s2] =	stream.indirect.scatter.add.f32 [tilespmem:s12], [sflag:$0x1], $0x90, s3, s12, $0xb8;
	[tilespmem:$0x18CE0] =	vst v63  }
0x2a: {  	_ =	swait.ge [sflag:s11], $0x2D00  }
0x2b: {  	s16 =	smov.u32 s18;
	s14 =	sadd.s32 $0x5A0, s14;
	[sflag:s11] =	ssyncset.done $0x0  }
0x2c: {  	s15 =	sadd.s32 s15, s9;
	[sflag:s11] =	ssyncadd.s32 $0xFFFFD300  }
0x2d: {  	[tilespmem:s3], [sflag:$0x1] =	stream.linear.gather [hbm4b:s15+s3], $0x50, $0x38;
	[tilespmem:$0x18CE0] =	vst v63  }
0x2e: {  	_ =	swait.ge [sflag:s11], $0x50  }
0x2f: {  	[sflag:s11] =	ssyncset.done $0x0  }
0x30: {  	[sflag:s11] =	ssyncadd.s32 $0xFFFFFFB0  }
0x31: {  	[tilespmem:s12], [sflag:$0x1] =	stream.linear.gather [hbm4b:s14+s3], $0x2D00, $0x38;
	[tilespmem:$0x18CE0] =	vst v63  }
0x32: {  	_ =	swait.ge [sflag:s11], $0x2D00  }
0x33: {  	[sflag:s11] =	ssyncset.done $0x0  }
0x34: {  	[sflag:s11] =	ssyncadd.s32 $0xFFFFD300  }
0x35: {  	[spmem:s2] =	stream.indirect.scatter.add.f32 [tilespmem:s12], [sflag:$0x1], $0x90, s3, s12, $0xb8;
	[tilespmem:$0x18CE0] =	vst v63  }
0x36: {  	_ =	swait.ge [sflag:s11], $0x2D00  }
0x37: {  	s13 =	sadd.s32 $0x1, s13;
	[sflag:s11] =	ssyncset.done $0x0  }
0x38: {  	p0 =	sne.s32 s13, s7;
	[sflag:s11] =	ssyncadd.s32 $0xFFFFD300  }
.Ltmp1:
0x39: {  	[bflag:$0x0] =	sbarrier.arrive $0xFFFF;
	(pc) =	sbr.rel @p0 .LBB2_1-.Ltmp1, $4  }
0x3a: {  	[hbm:s6], [sflag:s5] =	dma.local [spmem:s10], $0x2BF2  }
0x3b: {  	_ =	swait.ge [sflag:s11], $0x2BF2  }
0x3c: {  	[sflag:s11] =	ssyncset.done $0x0  }
0x3d: {  	[sflag:s11] =	ssyncadd.s32 $0xFFFFD40E  }
0x3e: {  	_ =	sfence.sel $0x180000  }
0x3f: {  	[bflag:$0x0] =	sbarrier.arrive $0xFFFF  }
0x40: {  	p0 =	sne.s32 s0, $0x0;
	_ =	strace $0x90000056  }
0x41: {  	s0 =	sadd.s32 @!p0 $0x100000, s1;
	[bflag:$0x2] =	sbarrier.arrive $0xFFFF  }
0x42: {  	[sflag:s0] =	ssyncadd.tile.s32 @!p0 $0x1;
	_ =	shalt  }
.Lfunc_end2:
_tile_overlayer_lowered:
.L_overlay_start_2:
0x43: {  	(tag) =	ssettag $0x2  }
0x44: {  	s0 =	rddreg [dreg:$0x0];
	s2 =	stileid.u32  }
0x45: {  	s1 =	rddreg [dreg:$0x1];
	p0 =	sne.s32 s2, $0x0  }
0x46: {  	s3 =	rddreg [dreg:$0x2];
	[bflag:$0x3] =	sbarrier.arrive $0xFFFF;
	s2 =	simm.s32 @!p0 $0x1C01  }
0x47: {  	[timem:s3], [sflag:s2] =	dma.local @!p0 [hbm:s0], s1  }
0x48: {  	s0 =	simm.s32 @!p0 $0x1  }
0x49: {  	_ =	swait.ge @!p0 [sflag:s0], s1  }
0x4a: {  	s1 =	ssub.s32 @!p0 $0x0, s1;
	[sflag:s0] =	ssyncset.done @!p0 $0x0  }
0x4b: {  	[sflag:s0] =	ssyncadd.s32 @!p0 s1  }
0x4c: {  	[bflag:$0x3] =	sbarrier.arrive $0xFFFF  }
0x4d: {  	_ =	shalt  }

</sc_bundles>
